<compile_context>
chip_gen: v7x
topology: tpu7x:2x2x1
jax: 0.10.2.dev20260603
libtpu: 0.0.44.dev20260713+nightly
codegen_flags: <defaults>
</compile_context>

<pallas_src>
import functools

import jax
import jax.numpy as jnp
from jax import lax
from jax.experimental import pallas as pl
from jax.experimental.pallas import tpu as pltpu
from jax.experimental.pallas import tpu_sc as plsc

VOCAB = 1000
VPAD = 1024
NTILE = VPAD // 128
TAIL = VOCAB - 128 * (NTILE - 1)
NTOK = 1024 * 50
NC, NS, L = 2, 16, 16
NW = NC * NS
RPT = NTOK // NW
RPAD = 2048
CH = 16
NCHUNK = RPT // CH
NQ = NCHUNK // 4


def _lse_body(table_ref, out_ref, pad_ref):
    x = table_ref[...]
    m = jnp.max(x, axis=1, keepdims=True)
    s = jnp.sum(jnp.exp(x - m), axis=1, keepdims=True)
    lse = m + jnp.log(s)
    out_ref[...] = jnp.concatenate(
        [lse, jnp.zeros((VPAD - VOCAB, 1), jnp.float32)], axis=0)
    pad_ref[...] = jnp.concatenate(
        [x, jnp.zeros((VOCAB, VPAD - VOCAB), jnp.float32)], axis=1)


def _loss_body(part_ref, out_ref):
    out_ref[...] = (jnp.sum(part_ref[...]) / NTOK).reshape(1, 1)


def _sc_body(table_hbm, idx_hbm, tgt_hbm, lse_hbm, out_hbm, tails_hbm,
             part_hbm, idx_v, tgt_v, lse_v, buf0, buf1, buf2, buf3, acc_v,
             gsem0, gsem1, gsem2, gsem3, ssem0, ssem1, ssem2, ssem3):
    wid = lax.axis_index("s") * NC + lax.axis_index("c")
    rbase = wid * RPT
    pltpu.sync_copy(idx_hbm.at[pl.ds(wid * RPAD, RPAD)], idx_v)
    pltpu.sync_copy(tgt_hbm.at[pl.ds(wid * RPAD, RPAD)], tgt_v)
    pltpu.sync_copy(lse_hbm, lse_v)

    lane = lax.iota(jnp.int32, L)

    def gather(c, buf, sem):
        return pltpu.make_async_copy(
            table_hbm.at[idx_v.at[pl.ds(c * CH, CH)]], buf, sem)

    def scatters(c, buf, sem):
        r0 = rbase + c * CH
        cps = []
        for t in range(NTILE - 1):
            cps.append(pltpu.make_async_copy(
                buf.at[pl.ds(0, CH), pl.ds(t * 128, 128)],
                out_hbm.at[pl.ds(r0, CH), pl.ds(t * 128, 128)], sem))
        cps.append(pltpu.make_async_copy(
            buf.at[pl.ds(0, CH), pl.ds((NTILE - 1) * 128, 128)],
            tails_hbm.at[pl.ds(r0, CH)], sem))
        return cps

    def start_scatters(c, buf, sem):
        for cp in scatters(c, buf, sem):
            cp.start()

    def wait_scatters(c, buf, sem):
        for cp in scatters(c, buf, sem):
            cp.wait()

    def loss(c, buf, acc):
        for j in range(CH // L):
            lo = c * CH + j * L
            v = idx_v[pl.ds(lo, L)]
            tg = tgt_v[pl.ds(lo, L)]
            trow = lane + j * L
            pick = plsc.load_gather(buf, [trow, tg])
            lseg = plsc.load_gather(lse_v, [v])
            acc = acc + (lseg - pick)
        return acc

    bufs = (buf0, buf1, buf2, buf3)
    gsems = (gsem0, gsem1, gsem2, gsem3)
    ssems = (ssem0, ssem1, ssem2, ssem3)

    gather(0, buf0, gsem0).start()
    gather(1, buf1, gsem1).start()

    def step(k, acc):
        for i in range(4):
            c = 4 * k + i
            n = (i + 2) % 4
            gather(c, bufs[i], gsems[i]).wait()
            if i < 2:
                @pl.when(k > 0)
                def _(c=c, n=n):
                    wait_scatters(c - 2, bufs[n], ssems[n])
                gather(c + 2, bufs[n], gsems[n]).start()
            else:
                wait_scatters(c - 2, bufs[n], ssems[n])

                @pl.when(k < NQ - 1)
                def _(c=c, n=n):
                    gather(c + 2, bufs[n], gsems[n]).start()
            acc = loss(c, bufs[i], acc)
            start_scatters(c, bufs[i], ssems[i])
        return acc

    acc = lax.fori_loop(0, NQ, step, jnp.zeros((L,), jnp.float32))
    wait_scatters(NCHUNK - 2, buf2, ssem2)
    wait_scatters(NCHUNK - 1, buf3, ssem3)
    zero = jnp.zeros((L,), jnp.float32)
    for j in range(8):
        acc_v[pl.ds(j * L, L)] = acc if j == 0 else zero
    pltpu.sync_copy(acc_v, part_hbm.at[pl.ds(wid * 128, 128)])


_sc_gather = functools.partial(
    pl.kernel,
    out_type=[jax.ShapeDtypeStruct((NTOK, VOCAB), jnp.float32),
              jax.ShapeDtypeStruct((NTOK, 128), jnp.float32),
              jax.ShapeDtypeStruct((NW * 128,), jnp.float32)],
    mesh=plsc.VectorSubcoreMesh(core_axis_name="c", subcore_axis_name="s"),
    compiler_params=pltpu.CompilerParams(needs_layout_passes=False,
                                         use_tc_tiling_on_sc=True),
    scratch_types=[
        pltpu.VMEM((RPAD,), jnp.int32),
        pltpu.VMEM((RPAD,), jnp.int32),
        pltpu.VMEM((VPAD,), jnp.float32),
        pltpu.VMEM((CH, VPAD), jnp.float32),
        pltpu.VMEM((CH, VPAD), jnp.float32),
        pltpu.VMEM((CH, VPAD), jnp.float32),
        pltpu.VMEM((CH, VPAD), jnp.float32),
        pltpu.VMEM((128,), jnp.float32),
        pltpu.SemaphoreType.DMA,
        pltpu.SemaphoreType.DMA,
        pltpu.SemaphoreType.DMA,
        pltpu.SemaphoreType.DMA,
        pltpu.SemaphoreType.DMA,
        pltpu.SemaphoreType.DMA,
        pltpu.SemaphoreType.DMA,
        pltpu.SemaphoreType.DMA,
    ],
)(_sc_body)



def kernel(table, idx, targets):
    idx_pad = jnp.pad(idx.reshape(NW, RPT), ((0, 0), (0, RPAD - RPT)))
    tgt_pad = jnp.pad(targets.reshape(NW, RPT), ((0, 0), (0, RPAD - RPT)))
    lse2, table_p = pl.pallas_call(
        _lse_body,
        out_shape=[jax.ShapeDtypeStruct((VPAD, 1), jnp.float32),
                   jax.ShapeDtypeStruct((VOCAB, VPAD), jnp.float32)],
    )(table)
    lse = lse2.reshape(-1)
    logits0, tails, partials = _sc_gather(table_p, idx_pad.reshape(-1),
                                          tgt_pad.reshape(-1), lse)
    logits = lax.dynamic_update_slice(logits0, tails[:, :TAIL],
                                      (0, 128 * (NTILE - 1)))
    loss = pl.pallas_call(
        _loss_body,
        out_shape=jax.ShapeDtypeStruct((1, 1), jnp.float32),
    )(partials.reshape(NW, 128))[0, 0]
    return logits, loss

# --- scband reference (transcript-rebuilt; emitter-appended) ---
"""Pipeline reference for scband-bigram-language-model-53575422050812 (READ-ONLY COPY).

The authoritative reference and input builder live on the scoring server;
editing this copy changes nothing except your own understanding.
"""

import jax, jax.numpy as jnp
import numpy as np

VOCAB = 1000
B, T = 1024, 50

def setup_inputs(seed: int = 0) -> dict:
    key = jax.random.key(seed)
    k1, k2, k3 = jax.random.split(key, 3)
    idx = jax.random.randint(k1, (B, T), 0, VOCAB, dtype=jnp.int64 if jax.config.jax_enable_x64 else jnp.int32).astype(jnp.int32)
    targets = jax.random.randint(k2, (B, T), 0, VOCAB, dtype=jnp.int64 if jax.config.jax_enable_x64 else jnp.int32).astype(jnp.int32)
    table = jax.random.normal(k3, (VOCAB, VOCAB), dtype=jnp.float32)
    return {"table": table, "idx": idx, "targets": targets}

def reference(table, idx, targets):
    # Embedding lookup: gather rows of the [vocab, vocab] table
    logits = jnp.take(table, idx, axis=0)  # [B, T, C]
    Bd, Td, C = logits.shape
    logits = logits.reshape(Bd * Td, C)
    tgt = targets.reshape(Bd * Td)
    # Cross-entropy with mean reduction (matches F.cross_entropy defaults)
    logp = jax.nn.log_softmax(logits, axis=-1)
    nll = -jnp.take_along_axis(logp, tgt[:, None], axis=1)[:, 0]
    loss = jnp.mean(nll)
    return (logits, loss)

if __name__ == "__main__":
    import jax
    _d = setup_inputs()
    print(jax.jit(kernel)(*tuple(_d.values())))

</pallas_src>

<mosaic_0001>
#map = affine_map<(d0, d1) -> (0, 0)>
#map1 = affine_map<(d0, d1) -> (0)>
module attributes {stable_mosaic.version = 14 : i64} {
  func.func @_sc_body(%arg0: i32, %arg1: i32, %arg2: memref<1000x1024xf32, #tpu.memory_space<hbm>>, %arg3: memref<65536xi32, #tpu.memory_space<hbm>>, %arg4: memref<65536xi32, #tpu.memory_space<hbm>>, %arg5: memref<1024xf32, #tpu.memory_space<hbm>>, %arg6: memref<51200x1000xf32, #tpu.memory_space<hbm>>, %arg7: memref<51200x128xf32, #tpu.memory_space<hbm>>, %arg8: memref<4096xf32, #tpu.memory_space<hbm>>, %arg9: memref<2048xi32, #tpu.memory_space<vmem>>, %arg10: memref<2048xi32, #tpu.memory_space<vmem>>, %arg11: memref<1024xf32, #tpu.memory_space<vmem>>, %arg12: memref<16x1024xf32, #tpu.memory_space<vmem>>, %arg13: memref<16x1024xf32, #tpu.memory_space<vmem>>, %arg14: memref<16x1024xf32, #tpu.memory_space<vmem>>, %arg15: memref<16x1024xf32, #tpu.memory_space<vmem>>, %arg16: memref<128xf32, #tpu.memory_space<vmem>>, %arg17: memref<!tpu.dma_semaphore, #tpu.memory_space<semaphore_mem>>, %arg18: memref<!tpu.dma_semaphore, #tpu.memory_space<semaphore_mem>>, %arg19: memref<!tpu.dma_semaphore, #tpu.memory_space<semaphore_mem>>, %arg20: memref<!tpu.dma_semaphore, #tpu.memory_space<semaphore_mem>>, %arg21: memref<!tpu.dma_semaphore, #tpu.memory_space<semaphore_mem>>, %arg22: memref<!tpu.dma_semaphore, #tpu.memory_space<semaphore_mem>>, %arg23: memref<!tpu.dma_semaphore, #tpu.memory_space<semaphore_mem>>, %arg24: memref<!tpu.dma_semaphore, #tpu.memory_space<semaphore_mem>>) attributes {dimension_semantics = [#tpu.dimension_semantics<core_parallel>, #tpu.dimension_semantics<subcore_parallel>], iteration_bounds = array<i64: 2, 16>, scalar_prefetch = 0 : i64, scratch_operands = 16 : i64, tpu.core_type = #tpu.core_type<sc_vector_subcore>, window_params = [{transform_indices = #map}, {transform_indices = #map1}, {transform_indices = #map1}, {transform_indices = #map1}, {transform_indices = #map}, {transform_indices = #map}, {transform_indices = #map1}]} {
    %mul3A = arith.constant 2 : i32
    %mul3A_0 = arith.muli %arg1, %mul3A : i32
    %add3A = arith.addi %mul3A_0, %arg0 : i32
    %mul3A_1 = arith.constant 1600 : i32
    %mul3A_2 = arith.muli %add3A, %mul3A_1 : i32
    %mul3A_3 = arith.constant 2048 : i32
    %mul3A_4 = arith.muli %add3A, %mul3A_3 : i32
    "tpu.region"() ({
      %run_scoped3A = tpu.sem_alloc : memref<!tpu.dma_semaphore, #tpu.memory_space<semaphore_mem>>
      %dma_start3A_204 = tpu.memref_slice %arg3[%mul3A_4] : memref<65536xi32, #tpu.memory_space<hbm>> -> memref<2048xi32, #tpu.memory_space<hbm>>
      %dma_start3A_205 = tpu.memref_slice %arg3[%mul3A_4] : memref<65536xi32, #tpu.memory_space<hbm>> -> memref<2048xi32, #tpu.memory_space<hbm>>
      tpu.enqueue_dma source(%dma_start3A_205 : memref<2048xi32, #tpu.memory_space<hbm>>) target(%arg9 : memref<2048xi32, #tpu.memory_space<vmem>>) target_semaphore(%run_scoped3A : memref<!tpu.dma_semaphore, #tpu.memory_space<semaphore_mem>>)
      %dma_wait3A_206 = tpu.memref_slice %arg3[%mul3A_4] : memref<65536xi32, #tpu.memory_space<hbm>> -> memref<2048xi32, #tpu.memory_space<hbm>>
      %dma_wait3A_207 = tpu.memref_slice %arg3[%mul3A_4] : memref<65536xi32, #tpu.memory_space<hbm>> -> memref<2048xi32, #tpu.memory_space<hbm>>
      tpu.wait_dma2 semaphore(%run_scoped3A : memref<!tpu.dma_semaphore, #tpu.memory_space<semaphore_mem>>) src(%dma_wait3A_207 : memref<2048xi32, #tpu.memory_space<hbm>>) dst(%arg9 : memref<2048xi32, #tpu.memory_space<vmem>>)
      tpu.yield
    }) : () -> ()
    %mul3A_5 = arith.constant 2048 : i32
    %mul3A_6 = arith.muli %add3A, %mul3A_5 : i32
    "tpu.region"() ({
      %run_scoped3A = tpu.sem_alloc : memref<!tpu.dma_semaphore, #tpu.memory_space<semaphore_mem>>
      %dma_start3A_204 = tpu.memref_slice %arg4[%mul3A_6] : memref<65536xi32, #tpu.memory_space<hbm>> -> memref<2048xi32, #tpu.memory_space<hbm>>
      %dma_start3A_205 = tpu.memref_slice %arg4[%mul3A_6] : memref<65536xi32, #tpu.memory_space<hbm>> -> memref<2048xi32, #tpu.memory_space<hbm>>
      tpu.enqueue_dma source(%dma_start3A_205 : memref<2048xi32, #tpu.memory_space<hbm>>) target(%arg10 : memref<2048xi32, #tpu.memory_space<vmem>>) target_semaphore(%run_scoped3A : memref<!tpu.dma_semaphore, #tpu.memory_space<semaphore_mem>>)
      %dma_wait3A_206 = tpu.memref_slice %arg4[%mul3A_6] : memref<65536xi32, #tpu.memory_space<hbm>> -> memref<2048xi32, #tpu.memory_space<hbm>>
      %dma_wait3A_207 = tpu.memref_slice %arg4[%mul3A_6] : memref<65536xi32, #tpu.memory_space<hbm>> -> memref<2048xi32, #tpu.memory_space<hbm>>
      tpu.wait_dma2 semaphore(%run_scoped3A : memref<!tpu.dma_semaphore, #tpu.memory_space<semaphore_mem>>) src(%dma_wait3A_207 : memref<2048xi32, #tpu.memory_space<hbm>>) dst(%arg10 : memref<2048xi32, #tpu.memory_space<vmem>>)
      tpu.yield
    }) : () -> ()
    "tpu.region"() ({
      %run_scoped3A = tpu.sem_alloc : memref<!tpu.dma_semaphore, #tpu.memory_space<semaphore_mem>>
      tpu.enqueue_dma source(%arg5 : memref<1024xf32, #tpu.memory_space<hbm>>) target(%arg11 : memref<1024xf32, #tpu.memory_space<vmem>>) target_semaphore(%run_scoped3A : memref<!tpu.dma_semaphore, #tpu.memory_space<semaphore_mem>>)
      tpu.wait_dma2 semaphore(%run_scoped3A : memref<!tpu.dma_semaphore, #tpu.memory_space<semaphore_mem>>) src(%arg5 : memref<1024xf32, #tpu.memory_space<hbm>>) dst(%arg11 : memref<1024xf32, #tpu.memory_space<vmem>>)
      tpu.yield
    }) : () -> ()
    %iota3A = tpu.iota {dimensions = array<i32: 0>} : vector<16xi32>
    %dma_start3A = arith.constant 0 : i32
    %dma_start3A_7 = tpu.memref_slice %arg9[%dma_start3A] : memref<2048xi32, #tpu.memory_space<vmem>> -> memref<16xi32, #tpu.memory_space<vmem>>
    %dma_start3A_8 = arith.constant 0 : i32
    %dma_start3A_9 = arith.constant 0 : i32
    %dma_start3A_10 = tpu.memref_slice %arg2[%dma_start3A_8, %dma_start3A_9] : memref<1000x1024xf32, #tpu.memory_space<hbm>> -> memref<1000x1024xf32, #tpu.memory_space<hbm>>
    tpu.enqueue_indirect_dma source(%dma_start3A_10 : memref<1000x1024xf32, #tpu.memory_space<hbm>>) target(%arg12 : memref<16x1024xf32, #tpu.memory_space<vmem>>) offsets(%dma_start3A_7 : memref<16xi32, #tpu.memory_space<vmem>>) semaphore(%arg17 : memref<!tpu.dma_semaphore, #tpu.memory_space<semaphore_mem>>)
    %dma_start3A_11 = arith.constant 16 : i32
    %dma_start3A_12 = tpu.memref_slice %arg9[%dma_start3A_11] : memref<2048xi32, #tpu.memory_space<vmem>> -> memref<16xi32, #tpu.memory_space<vmem>>
    %dma_start3A_13 = arith.constant 0 : i32
    %dma_start3A_14 = arith.constant 0 : i32
    %dma_start3A_15 = tpu.memref_slice %arg2[%dma_start3A_13, %dma_start3A_14] : memref<1000x1024xf32, #tpu.memory_space<hbm>> -> memref<1000x1024xf32, #tpu.memory_space<hbm>>
    tpu.enqueue_indirect_dma source(%dma_start3A_15 : memref<1000x1024xf32, #tpu.memory_space<hbm>>) target(%arg13 : memref<16x1024xf32, #tpu.memory_space<vmem>>) offsets(%dma_start3A_12 : memref<16xi32, #tpu.memory_space<vmem>>) semaphore(%arg18 : memref<!tpu.dma_semaphore, #tpu.memory_space<semaphore_mem>>)
    %broadcast_in_dim3A = arith.constant 0.000000e+00 : f32
    %broadcast_in_dim3A_16 = vector.broadcast %broadcast_in_dim3A : f32 to vector<16xf32>
    %scan3A = arith.constant 0 : i32
    %scan3A_17 = arith.constant 25 : i32
    %scan3A_18 = arith.addi %scan3A, %scan3A_17 : i32
    %scan3A_19 = arith.constant 1 : i32
    %scan3A_20 = scf.for %scan3A_204 = %scan3A to %scan3A_18 step %scan3A_19 iter_args(%scan3A_205 = %broadcast_in_dim3A_16) -> (vector<16xf32>)  : i32 {
      %mul3A_206 = arith.constant 4 : i32
      %mul3A_207 = arith.muli %mul3A_206, %scan3A_204 : i32
      %add3A_208 = arith.constant 0 : i32
      %add3A_209 = arith.addi %mul3A_207, %add3A_208 : i32
      %mul3A_210 = arith.constant 16 : i32
      %mul3A_211 = arith.muli %add3A_209, %mul3A_210 : i32
      %dma_wait3A_212 = tpu.memref_slice %arg9[%mul3A_211] : memref<2048xi32, #tpu.memory_space<vmem>> -> memref<16xi32, #tpu.memory_space<vmem>>
      %dma_wait3A_213 = arith.constant 0 : i32
      %dma_wait3A_214 = arith.constant 0 : i32
      %dma_wait3A_215 = tpu.memref_slice %arg2[%dma_wait3A_213, %dma_wait3A_214] : memref<1000x1024xf32, #tpu.memory_space<hbm>> -> memref<1000x1024xf32, #tpu.memory_space<hbm>>
      tpu.wait_indirect_dma semaphore(%arg17 : memref<!tpu.dma_semaphore, #tpu.memory_space<semaphore_mem>>) src(%dma_wait3A_215 : memref<1000x1024xf32, #tpu.memory_space<hbm>>) dst(%arg12 : memref<16x1024xf32, #tpu.memory_space<vmem>>)
      %gt3A = arith.constant 0 : i32
      %gt3A_216 = arith.cmpi sgt, %scan3A_204, %gt3A : i32
      %convert_element_type3A = arith.extui %gt3A_216 : i1 to i32
      %cond3A = arith.constant 0 : i32
      %cond3A_217 = arith.cmpi ne, %convert_element_type3A, %cond3A : i32
      scf.if %cond3A_217 {
        %sub3A_837 = arith.constant 2 : i32
        %sub3A_838 = arith.subi %add3A_209, %sub3A_837 : i32
        %mul3A_839 = arith.constant 16 : i32
        %mul3A_840 = arith.muli %sub3A_838, %mul3A_839 : i32
        %add3A_841 = arith.addi %mul3A_2, %mul3A_840 : i32
        %dma_wait3A_842 = arith.constant 0 : i32
        %dma_wait3A_843 = arith.constant 0 : i32
        %dma_wait3A_844 = tpu.memref_slice %arg14[%dma_wait3A_842, %dma_wait3A_843] : memref<16x1024xf32, #tpu.memory_space<vmem>> -> memref<16x128xf32, #tpu.memory_space<vmem>>
        %dma_wait3A_845 = arith.constant 0 : i32
        %dma_wait3A_846 = tpu.memref_slice %arg6[%add3A_841, %dma_wait3A_845] : memref<51200x1000xf32, #tpu.memory_space<hbm>> -> memref<16x128xf32, #tpu.memory_space<hbm>>
        %dma_wait3A_847 = arith.constant 0 : i32
        %dma_wait3A_848 = tpu.memref_slice %arg6[%add3A_841, %dma_wait3A_847] : memref<51200x1000xf32, #tpu.memory_space<hbm>> -> memref<16x128xf32, #tpu.memory_space<hbm>>
        %dma_wait3A_849 = arith.constant 0 : i32
        %dma_wait3A_850 = arith.constant 0 : i32
        %dma_wait3A_851 = tpu.memref_slice %arg14[%dma_wait3A_849, %dma_wait3A_850] : memref<16x1024xf32, #tpu.memory_space<vmem>> -> memref<16x128xf32, #tpu.memory_space<vmem>>
        tpu.wait_dma2 semaphore(%arg23 : memref<!tpu.dma_semaphore, #tpu.memory_space<semaphore_mem>>) src(%dma_wait3A_851 : memref<16x128xf32, #tpu.memory_space<vmem>>) dst(%dma_wait3A_848 : memref<16x128xf32, #tpu.memory_space<hbm>>)
        %dma_wait3A_852 = arith.constant 0 : i32
        %dma_wait3A_853 = arith.constant 128 : i32
        %dma_wait3A_854 = tpu.memref_slice %arg14[%dma_wait3A_852, %dma_wait3A_853] : memref<16x1024xf32, #tpu.memory_space<vmem>> -> memref<16x128xf32, #tpu.memory_space<vmem>>
        %dma_wait3A_855 = arith.constant 128 : i32
        %dma_wait3A_856 = tpu.memref_slice %arg6[%add3A_841, %dma_wait3A_855] : memref<51200x1000xf32, #tpu.memory_space<hbm>> -> memref<16x128xf32, #tpu.memory_space<hbm>>
        %dma_wait3A_857 = arith.constant 128 : i32
        %dma_wait3A_858 = tpu.memref_slice %arg6[%add3A_841, %dma_wait3A_857] : memref<51200x1000xf32, #tpu.memory_space<hbm>> -> memref<16x128xf32, #tpu.memory_space<hbm>>
        %dma_wait3A_859 = arith.constant 0 : i32
        %dma_wait3A_860 = arith.constant 128 : i32
        %dma_wait3A_861 = tpu.memref_slice %arg14[%dma_wait3A_859, %dma_wait3A_860] : memref<16x1024xf32, #tpu.memory_space<vmem>> -> memref<16x128xf32, #tpu.memory_space<vmem>>
        tpu.wait_dma2 semaphore(%arg23 : memref<!tpu.dma_semaphore, #tpu.memory_space<semaphore_mem>>) src(%dma_wait3A_861 : memref<16x128xf32, #tpu.memory_space<vmem>>) dst(%dma_wait3A_858 : memref<16x128xf32, #tpu.memory_space<hbm>>)
        %dma_wait3A_862 = arith.constant 0 : i32
        %dma_wait3A_863 = arith.constant 256 : i32
        %dma_wait3A_864 = tpu.memref_slice %arg14[%dma_wait3A_862, %dma_wait3A_863] : memref<16x1024xf32, #tpu.memory_space<vmem>> -> memref<16x128xf32, #tpu.memory_space<vmem>>
        %dma_wait3A_865 = arith.constant 256 : i32
        %dma_wait3A_866 = tpu.memref_slice %arg6[%add3A_841, %dma_wait3A_865] : memref<51200x1000xf32, #tpu.memory_space<hbm>> -> memref<16x128xf32, #tpu.memory_space<hbm>>
        %dma_wait3A_867 = arith.constant 256 : i32
        %dma_wait3A_868 = tpu.memref_slice %arg6[%add3A_841, %dma_wait3A_867] : memref<51200x1000xf32, #tpu.memory_space<hbm>> -> memref<16x128xf32, #tpu.memory_space<hbm>>
        %dma_wait3A_869 = arith.constant 0 : i32
        %dma_wait3A_870 = arith.constant 256 : i32
        %dma_wait3A_871 = tpu.memref_slice %arg14[%dma_wait3A_869, %dma_wait3A_870] : memref<16x1024xf32, #tpu.memory_space<vmem>> -> memref<16x128xf32, #tpu.memory_space<vmem>>
        tpu.wait_dma2 semaphore(%arg23 : memref<!tpu.dma_semaphore, #tpu.memory_space<semaphore_mem>>) src(%dma_wait3A_871 : memref<16x128xf32, #tpu.memory_space<vmem>>) dst(%dma_wait3A_868 : memref<16x128xf32, #tpu.memory_space<hbm>>)
        %dma_wait3A_872 = arith.constant 0 : i32
        %dma_wait3A_873 = arith.constant 384 : i32
        %dma_wait3A_874 = tpu.memref_slice %arg14[%dma_wait3A_872, %dma_wait3A_873] : memref<16x1024xf32, #tpu.memory_space<vmem>> -> memref<16x128xf32, #tpu.memory_space<vmem>>
        %dma_wait3A_875 = arith.constant 384 : i32
        %dma_wait3A_876 = tpu.memref_slice %arg6[%add3A_841, %dma_wait3A_875] : memref<51200x1000xf32, #tpu.memory_space<hbm>> -> memref<16x128xf32, #tpu.memory_space<hbm>>
        %dma_wait3A_877 = arith.constant 384 : i32
        %dma_wait3A_878 = tpu.memref_slice %arg6[%add3A_841, %dma_wait3A_877] : memref<51200x1000xf32, #tpu.memory_space<hbm>> -> memref<16x128xf32, #tpu.memory_space<hbm>>
        %dma_wait3A_879 = arith.constant 0 : i32
        %dma_wait3A_880 = arith.constant 384 : i32
        %dma_wait3A_881 = tpu.memref_slice %arg14[%dma_wait3A_879, %dma_wait3A_880] : memref<16x1024xf32, #tpu.memory_space<vmem>> -> memref<16x128xf32, #tpu.memory_space<vmem>>
        tpu.wait_dma2 semaphore(%arg23 : memref<!tpu.dma_semaphore, #tpu.memory_space<semaphore_mem>>) src(%dma_wait3A_881 : memref<16x128xf32, #tpu.memory_space<vmem>>) dst(%dma_wait3A_878 : memref<16x128xf32, #tpu.memory_space<hbm>>)
        %dma_wait3A_882 = arith.constant 0 : i32
        %dma_wait3A_883 = arith.constant 512 : i32
        %dma_wait3A_884 = tpu.memref_slice %arg14[%dma_wait3A_882, %dma_wait3A_883] : memref<16x1024xf32, #tpu.memory_space<vmem>> -> memref<16x128xf32, #tpu.memory_space<vmem>>
        %dma_wait3A_885 = arith.constant 512 : i32
        %dma_wait3A_886 = tpu.memref_slice %arg6[%add3A_841, %dma_wait3A_885] : memref<51200x1000xf32, #tpu.memory_space<hbm>> -> memref<16x128xf32, #tpu.memory_space<hbm>>
        %dma_wait3A_887 = arith.constant 512 : i32
        %dma_wait3A_888 = tpu.memref_slice %arg6[%add3A_841, %dma_wait3A_887] : memref<51200x1000xf32, #tpu.memory_space<hbm>> -> memref<16x128xf32, #tpu.memory_space<hbm>>
        %dma_wait3A_889 = arith.constant 0 : i32
        %dma_wait3A_890 = arith.constant 512 : i32
        %dma_wait3A_891 = tpu.memref_slice %arg14[%dma_wait3A_889, %dma_wait3A_890] : memref<16x1024xf32, #tpu.memory_space<vmem>> -> memref<16x128xf32, #tpu.memory_space<vmem>>
        tpu.wait_dma2 semaphore(%arg23 : memref<!tpu.dma_semaphore, #tpu.memory_space<semaphore_mem>>) src(%dma_wait3A_891 : memref<16x128xf32, #tpu.memory_space<vmem>>) dst(%dma_wait3A_888 : memref<16x128xf32, #tpu.memory_space<hbm>>)
        %dma_wait3A_892 = arith.constant 0 : i32
        %dma_wait3A_893 = arith.constant 640 : i32
        %dma_wait3A_894 = tpu.memref_slice %arg14[%dma_wait3A_892, %dma_wait3A_893] : memref<16x1024xf32, #tpu.memory_space<vmem>> -> memref<16x128xf32, #tpu.memory_space<vmem>>
        %dma_wait3A_895 = arith.constant 640 : i32
        %dma_wait3A_896 = tpu.memref_slice %arg6[%add3A_841, %dma_wait3A_895] : memref<51200x1000xf32, #tpu.memory_space<hbm>> -> memref<16x128xf32, #tpu.memory_space<hbm>>
        %dma_wait3A_897 = arith.constant 640 : i32
        %dma_wait3A_898 = tpu.memref_slice %arg6[%add3A_841, %dma_wait3A_897] : memref<51200x1000xf32, #tpu.memory_space<hbm>> -> memref<16x128xf32, #tpu.memory_space<hbm>>
        %dma_wait3A_899 = arith.constant 0 : i32
        %dma_wait3A_900 = arith.constant 640 : i32
        %dma_wait3A_901 = tpu.memref_slice %arg14[%dma_wait3A_899, %dma_wait3A_900] : memref<16x1024xf32, #tpu.memory_space<vmem>> -> memref<16x128xf32, #tpu.memory_space<vmem>>
        tpu.wait_dma2 semaphore(%arg23 : memref<!tpu.dma_semaphore, #tpu.memory_space<semaphore_mem>>) src(%dma_wait3A_901 : memref<16x128xf32, #tpu.memory_space<vmem>>) dst(%dma_wait3A_898 : memref<16x128xf32, #tpu.memory_space<hbm>>)
        %dma_wait3A_902 = arith.constant 0 : i32
        %dma_wait3A_903 = arith.constant 768 : i32
        %dma_wait3A_904 = tpu.memref_slice %arg14[%dma_wait3A_902, %dma_wait3A_903] : memref<16x1024xf32, #tpu.memory_space<vmem>> -> memref<16x128xf32, #tpu.memory_space<vmem>>
        %dma_wait3A_905 = arith.constant 768 : i32
        %dma_wait3A_906 = tpu.memref_slice %arg6[%add3A_841, %dma_wait3A_905] : memref<51200x1000xf32, #tpu.memory_space<hbm>> -> memref<16x128xf32, #tpu.memory_space<hbm>>
        %dma_wait3A_907 = arith.constant 768 : i32
        %dma_wait3A_908 = tpu.memref_slice %arg6[%add3A_841, %dma_wait3A_907] : memref<51200x1000xf32, #tpu.memory_space<hbm>> -> memref<16x128xf32, #tpu.memory_space<hbm>>
        %dma_wait3A_909 = arith.constant 0 : i32
        %dma_wait3A_910 = arith.constant 768 : i32
        %dma_wait3A_911 = tpu.memref_slice %arg14[%dma_wait3A_909, %dma_wait3A_910] : memref<16x1024xf32, #tpu.memory_space<vmem>> -> memref<16x128xf32, #tpu.memory_space<vmem>>
        tpu.wait_dma2 semaphore(%arg23 : memref<!tpu.dma_semaphore, #tpu.memory_space<semaphore_mem>>) src(%dma_wait3A_911 : memref<16x128xf32, #tpu.memory_space<vmem>>) dst(%dma_wait3A_908 : memref<16x128xf32, #tpu.memory_space<hbm>>)
        %dma_wait3A_912 = arith.constant 0 : i32
        %dma_wait3A_913 = arith.constant 896 : i32
        %dma_wait3A_914 = tpu.memref_slice %arg14[%dma_wait3A_912, %dma_wait3A_913] : memref<16x1024xf32, #tpu.memory_space<vmem>> -> memref<16x128xf32, #tpu.memory_space<vmem>>
        %dma_wait3A_915 = arith.constant 0 : i32
        %dma_wait3A_916 = tpu.memref_slice %arg7[%add3A_841, %dma_wait3A_915] : memref<51200x128xf32, #tpu.memory_space<hbm>> -> memref<16x128xf32, #tpu.memory_space<hbm>>
        %dma_wait3A_917 = arith.constant 0 : i32
        %dma_wait3A_918 = tpu.memref_slice %arg7[%add3A_841, %dma_wait3A_917] : memref<51200x128xf32, #tpu.memory_space<hbm>> -> memref<16x128xf32, #tpu.memory_space<hbm>>
        %dma_wait3A_919 = arith.constant 0 : i32
        %dma_wait3A_920 = arith.constant 896 : i32
        %dma_wait3A_921 = tpu.memref_slice %arg14[%dma_wait3A_919, %dma_wait3A_920] : memref<16x1024xf32, #tpu.memory_space<vmem>> -> memref<16x128xf32, #tpu.memory_space<vmem>>
        tpu.wait_dma2 semaphore(%arg23 : memref<!tpu.dma_semaphore, #tpu.memory_space<semaphore_mem>>) src(%dma_wait3A_921 : memref<16x128xf32, #tpu.memory_space<vmem>>) dst(%dma_wait3A_918 : memref<16x128xf32, #tpu.memory_space<hbm>>)
      } else {
      }
      %add3A_218 = arith.constant 2 : i32
      %add3A_219 = arith.addi %add3A_209, %add3A_218 : i32
      %mul3A_220 = arith.constant 16 : i32
      %mul3A_221 = arith.muli %add3A_219, %mul3A_220 : i32
      %dma_start3A_222 = tpu.memref_slice %arg9[%mul3A_221] : memref<2048xi32, #tpu.memory_space<vmem>> -> memref<16xi32, #tpu.memory_space<vmem>>
      %dma_start3A_223 = arith.constant 0 : i32
      %dma_start3A_224 = arith.constant 0 : i32
      %dma_start3A_225 = tpu.memref_slice %arg2[%dma_start3A_223, %dma_start3A_224] : memref<1000x1024xf32, #tpu.memory_space<hbm>> -> memref<1000x1024xf32, #tpu.memory_space<hbm>>
      tpu.enqueue_indirect_dma source(%dma_start3A_225 : memref<1000x1024xf32, #tpu.memory_space<hbm>>) target(%arg14 : memref<16x1024xf32, #tpu.memory_space<vmem>>) offsets(%dma_start3A_222 : memref<16xi32, #tpu.memory_space<vmem>>) semaphore(%arg19 : memref<!tpu.dma_semaphore, #tpu.memory_space<semaphore_mem>>)
      %mul3A_226 = arith.constant 16 : i32
      %mul3A_227 = arith.muli %add3A_209, %mul3A_226 : i32
      %add3A_228 = arith.constant 0 : i32
      %add3A_229 = arith.addi %mul3A_227, %add3A_228 : i32
      %get3A = arith.index_cast %add3A_229 : i32 to index
      %get3A_230 = tpu.vector_load %arg9[%get3A] {strides = array<i32>} : memref<2048xi32, #tpu.memory_space<vmem>>, vector<16xi32>,
      %get3A_231 = arith.index_cast %add3A_229 : i32 to index
      %get3A_232 = tpu.vector_load %arg10[%get3A_231] {strides = array<i32>} : memref<2048xi32, #tpu.memory_space<vmem>>, vector<16xi32>,
      %add3A_233 = arith.constant 0 : i32
      %add3A_234 = vector.broadcast %add3A_233 : i32 to vector<16xi32>
      %add3A_235 = arith.addi %iota3A, %add3A_234 : vector<16xi32>
      %gather3A = tpu.vector_load_idx %arg12[%add3A_235, %get3A_232] : memref<16x1024xf32, #tpu.memory_space<vmem>>[vector<16xi32>, vector<16xi32>], vector<16xf32>,
      %gather3A_236 = tpu.vector_load_idx %arg11[%get3A_230] : memref<1024xf32, #tpu.memory_space<vmem>>[vector<16xi32>], vector<16xf32>,
      %sub3A = arith.subf %gather3A_236, %gather3A : vector<16xf32>
      %add3A_237 = arith.addf %scan3A_205, %sub3A : vector<16xf32>
      %mul3A_238 = arith.constant 16 : i32
      %mul3A_239 = arith.muli %add3A_209, %mul3A_238 : i32
      %add3A_240 = arith.addi %mul3A_2, %mul3A_239 : i32
      %dma_start3A_241 = arith.constant 0 : i32
      %dma_start3A_242 = arith.constant 0 : i32
      %dma_start3A_243 = tpu.memref_slice %arg12[%dma_start3A_241, %dma_start3A_242] : memref<16x1024xf32, #tpu.memory_space<vmem>> -> memref<16x128xf32, #tpu.memory_space<vmem>>
      %dma_start3A_244 = arith.constant 0 : i32
      %dma_start3A_245 = tpu.memref_slice %arg6[%add3A_240, %dma_start3A_244] : memref<51200x1000xf32, #tpu.memory_space<hbm>> -> memref<16x128xf32, #tpu.memory_space<hbm>>
      %dma_start3A_246 = arith.constant 0 : i32
      %dma_start3A_247 = tpu.memref_slice %arg6[%add3A_240, %dma_start3A_246] : memref<51200x1000xf32, #tpu.memory_space<hbm>> -> memref<16x128xf32, #tpu.memory_space<hbm>>
      %dma_start3A_248 = arith.constant 0 : i32
      %dma_start3A_249 = arith.constant 0 : i32
      %dma_start3A_250 = tpu.memref_slice %arg12[%dma_start3A_248, %dma_start3A_249] : memref<16x1024xf32, #tpu.memory_space<vmem>> -> memref<16x128xf32, #tpu.memory_space<vmem>>
      tpu.enqueue_dma source(%dma_start3A_250 : memref<16x128xf32, #tpu.memory_space<vmem>>) target(%dma_start3A_247 : memref<16x128xf32, #tpu.memory_space<hbm>>) target_semaphore(%arg21 : memref<!tpu.dma_semaphore, #tpu.memory_space<semaphore_mem>>)
      %dma_start3A_251 = arith.constant 0 : i32
      %dma_start3A_252 = arith.constant 128 : i32
      %dma_start3A_253 = tpu.memref_slice %arg12[%dma_start3A_251, %dma_start3A_252] : memref<16x1024xf32, #tpu.memory_space<vmem>> -> memref<16x128xf32, #tpu.memory_space<vmem>>
      %dma_start3A_254 = arith.constant 128 : i32
      %dma_start3A_255 = tpu.memref_slice %arg6[%add3A_240, %dma_start3A_254] : memref<51200x1000xf32, #tpu.memory_space<hbm>> -> memref<16x128xf32, #tpu.memory_space<hbm>>
      %dma_start3A_256 = arith.constant 128 : i32
      %dma_start3A_257 = tpu.memref_slice %arg6[%add3A_240, %dma_start3A_256] : memref<51200x1000xf32, #tpu.memory_space<hbm>> -> memref<16x128xf32, #tpu.memory_space<hbm>>
      %dma_start3A_258 = arith.constant 0 : i32
      %dma_start3A_259 = arith.constant 128 : i32
      %dma_start3A_260 = tpu.memref_slice %arg12[%dma_start3A_258, %dma_start3A_259] : memref<16x1024xf32, #tpu.memory_space<vmem>> -> memref<16x128xf32, #tpu.memory_space<vmem>>
      tpu.enqueue_dma source(%dma_start3A_260 : memref<16x128xf32, #tpu.memory_space<vmem>>) target(%dma_start3A_257 : memref<16x128xf32, #tpu.memory_space<hbm>>) target_semaphore(%arg21 : memref<!tpu.dma_semaphore, #tpu.memory_space<semaphore_mem>>)
      %dma_start3A_261 = arith.constant 0 : i32
      %dma_start3A_262 = arith.constant 256 : i32
      %dma_start3A_263 = tpu.memref_slice %arg12[%dma_start3A_261, %dma_start3A_262] : memref<16x1024xf32, #tpu.memory_space<vmem>> -> memref<16x128xf32, #tpu.memory_space<vmem>>
      %dma_start3A_264 = arith.constant 256 : i32
      %dma_start3A_265 = tpu.memref_slice %arg6[%add3A_240, %dma_start3A_264] : memref<51200x1000xf32, #tpu.memory_space<hbm>> -> memref<16x128xf32, #tpu.memory_space<hbm>>
      %dma_start3A_266 = arith.constant 256 : i32
      %dma_start3A_267 = tpu.memref_slice %arg6[%add3A_240, %dma_start3A_266] : memref<51200x1000xf32, #tpu.memory_space<hbm>> -> memref<16x128xf32, #tpu.memory_space<hbm>>
      %dma_start3A_268 = arith.constant 0 : i32
      %dma_start3A_269 = arith.constant 256 : i32
      %dma_start3A_270 = tpu.memref_slice %arg12[%dma_start3A_268, %dma_start3A_269] : memref<16x1024xf32, #tpu.memory_space<vmem>> -> memref<16x128xf32, #tpu.memory_space<vmem>>
      tpu.enqueue_dma source(%dma_start3A_270 : memref<16x128xf32, #tpu.memory_space<vmem>>) target(%dma_start3A_267 : memref<16x128xf32, #tpu.memory_space<hbm>>) target_semaphore(%arg21 : memref<!tpu.dma_semaphore, #tpu.memory_space<semaphore_mem>>)
      %dma_start3A_271 = arith.constant 0 : i32
      %dma_start3A_272 = arith.constant 384 : i32
      %dma_start3A_273 = tpu.memref_slice %arg12[%dma_start3A_271, %dma_start3A_272] : memref<16x1024xf32, #tpu.memory_space<vmem>> -> memref<16x128xf32, #tpu.memory_space<vmem>>
      %dma_start3A_274 = arith.constant 384 : i32
      %dma_start3A_275 = tpu.memref_slice %arg6[%add3A_240, %dma_start3A_274] : memref<51200x1000xf32, #tpu.memory_space<hbm>> -> memref<16x128xf32, #tpu.memory_space<hbm>>
      %dma_start3A_276 = arith.constant 384 : i32
      %dma_start3A_277 = tpu.memref_slice %arg6[%add3A_240, %dma_start3A_276] : memref<51200x1000xf32, #tpu.memory_space<hbm>> -> memref<16x128xf32, #tpu.memory_space<hbm>>
      %dma_start3A_278 = arith.constant 0 : i32
      %dma_start3A_279 = arith.constant 384 : i32
      %dma_start3A_280 = tpu.memref_slice %arg12[%dma_start3A_278, %dma_start3A_279] : memref<16x1024xf32, #tpu.memory_space<vmem>> -> memref<16x128xf32, #tpu.memory_space<vmem>>
      tpu.enqueue_dma source(%dma_start3A_280 : memref<16x128xf32, #tpu.memory_space<vmem>>) target(%dma_start3A_277 : memref<16x128xf32, #tpu.memory_space<hbm>>) target_semaphore(%arg21 : memref<!tpu.dma_semaphore, #tpu.memory_space<semaphore_mem>>)
      %dma_start3A_281 = arith.constant 0 : i32
      %dma_start3A_282 = arith.constant 512 : i32
      %dma_start3A_283 = tpu.memref_slice %arg12[%dma_start3A_281, %dma_start3A_282] : memref<16x1024xf32, #tpu.memory_space<vmem>> -> memref<16x128xf32, #tpu.memory_space<vmem>>
      %dma_start3A_284 = arith.constant 512 : i32
      %dma_start3A_285 = tpu.memref_slice %arg6[%add3A_240, %dma_start3A_284] : memref<51200x1000xf32, #tpu.memory_space<hbm>> -> memref<16x128xf32, #tpu.memory_space<hbm>>
      %dma_start3A_286 = arith.constant 512 : i32
      %dma_start3A_287 = tpu.memref_slice %arg6[%add3A_240, %dma_start3A_286] : memref<51200x1000xf32, #tpu.memory_space<hbm>> -> memref<16x128xf32, #tpu.memory_space<hbm>>
      %dma_start3A_288 = arith.constant 0 : i32
      %dma_start3A_289 = arith.constant 512 : i32
      %dma_start3A_290 = tpu.memref_slice %arg12[%dma_start3A_288, %dma_start3A_289] : memref<16x1024xf32, #tpu.memory_space<vmem>> -> memref<16x128xf32, #tpu.memory_space<vmem>>
      tpu.enqueue_dma source(%dma_start3A_290 : memref<16x128xf32, #tpu.memory_space<vmem>>) target(%dma_start3A_287 : memref<16x128xf32, #tpu.memory_space<hbm>>) target_semaphore(%arg21 : memref<!tpu.dma_semaphore, #tpu.memory_space<semaphore_mem>>)
      %dma_start3A_291 = arith.constant 0 : i32
      %dma_start3A_292 = arith.constant 640 : i32
      %dma_start3A_293 = tpu.memref_slice %arg12[%dma_start3A_291, %dma_start3A_292] : memref<16x1024xf32, #tpu.memory_space<vmem>> -> memref<16x128xf32, #tpu.memory_space<vmem>>
      %dma_start3A_294 = arith.constant 640 : i32
      %dma_start3A_295 = tpu.memref_slice %arg6[%add3A_240, %dma_start3A_294] : memref<51200x1000xf32, #tpu.memory_space<hbm>> -> memref<16x128xf32, #tpu.memory_space<hbm>>
      %dma_start3A_296 = arith.constant 640 : i32
      %dma_start3A_297 = tpu.memref_slice %arg6[%add3A_240, %dma_start3A_296] : memref<51200x1000xf32, #tpu.memory_space<hbm>> -> memref<16x128xf32, #tpu.memory_space<hbm>>
      %dma_start3A_298 = arith.constant 0 : i32
      %dma_start3A_299 = arith.constant 640 : i32
      %dma_start3A_300 = tpu.memref_slice %arg12[%dma_start3A_298, %dma_start3A_299] : memref<16x1024xf32, #tpu.memory_space<vmem>> -> memref<16x128xf32, #tpu.memory_space<vmem>>
      tpu.enqueue_dma source(%dma_start3A_300 : memref<16x128xf32, #tpu.memory_space<vmem>>) target(%dma_start3A_297 : memref<16x128xf32, #tpu.memory_space<hbm>>) target_semaphore(%arg21 : memref<!tpu.dma_semaphore, #tpu.memory_space<semaphore_mem>>)
      %dma_start3A_301 = arith.constant 0 : i32
      %dma_start3A_302 = arith.constant 768 : i32
      %dma_start3A_303 = tpu.memref_slice %arg12[%dma_start3A_301, %dma_start3A_302] : memref<16x1024xf32, #tpu.memory_space<vmem>> -> memref<16x128xf32, #tpu.memory_space<vmem>>
      %dma_start3A_304 = arith.constant 768 : i32
      %dma_start3A_305 = tpu.memref_slice %arg6[%add3A_240, %dma_start3A_304] : memref<51200x1000xf32, #tpu.memory_space<hbm>> -> memref<16x128xf32, #tpu.memory_space<hbm>>
      %dma_start3A_306 = arith.constant 768 : i32
      %dma_start3A_307 = tpu.memref_slice %arg6[%add3A_240, %dma_start3A_306] : memref<51200x1000xf32, #tpu.memory_space<hbm>> -> memref<16x128xf32, #tpu.memory_space<hbm>>
      %dma_start3A_308 = arith.constant 0 : i32
      %dma_start3A_309 = arith.constant 768 : i32
      %dma_start3A_310 = tpu.memref_slice %arg12[%dma_start3A_308, %dma_start3A_309] : memref<16x1024xf32, #tpu.memory_space<vmem>> -> memref<16x128xf32, #tpu.memory_space<vmem>>
      tpu.enqueue_dma source(%dma_start3A_310 : memref<16x128xf32, #tpu.memory_space<vmem>>) target(%dma_start3A_307 : memref<16x128xf32, #tpu.memory_space<hbm>>) target_semaphore(%arg21 : memref<!tpu.dma_semaphore, #tpu.memory_space<semaphore_mem>>)
      %dma_start3A_311 = arith.constant 0 : i32
      %dma_start3A_312 = arith.constant 896 : i32
      %dma_start3A_313 = tpu.memref_slice %arg12[%dma_start3A_311, %dma_start3A_312] : memref<16x1024xf32, #tpu.memory_space<vmem>> -> memref<16x128xf32, #tpu.memory_space<vmem>>
      %dma_start3A_314 = arith.constant 0 : i32
      %dma_start3A_315 = tpu.memref_slice %arg7[%add3A_240, %dma_start3A_314] : memref<51200x128xf32, #tpu.memory_space<hbm>> -> memref<16x128xf32, #tpu.memory_space<hbm>>
      %dma_start3A_316 = arith.constant 0 : i32
      %dma_start3A_317 = tpu.memref_slice %arg7[%add3A_240, %dma_start3A_316] : memref<51200x128xf32, #tpu.memory_space<hbm>> -> memref<16x128xf32, #tpu.memory_space<hbm>>
      %dma_start3A_318 = arith.constant 0 : i32
      %dma_start3A_319 = arith.constant 896 : i32
      %dma_start3A_320 = tpu.memref_slice %arg12[%dma_start3A_318, %dma_start3A_319] : memref<16x1024xf32, #tpu.memory_space<vmem>> -> memref<16x128xf32, #tpu.memory_space<vmem>>
      tpu.enqueue_dma source(%dma_start3A_320 : memref<16x128xf32, #tpu.memory_space<vmem>>) target(%dma_start3A_317 : memref<16x128xf32, #tpu.memory_space<hbm>>) target_semaphore(%arg21 : memref<!tpu.dma_semaphore, #tpu.memory_space<semaphore_mem>>)
      %mul3A_321 = arith.constant 4 : i32
      %mul3A_322 = arith.muli %mul3A_321, %scan3A_204 : i32
      %add3A_323 = arith.constant 1 : i32
      %add3A_324 = arith.addi %mul3A_322, %add3A_323 : i32
      %mul3A_325 = arith.constant 16 : i32
      %mul3A_326 = arith.muli %add3A_324, %mul3A_325 : i32
      %dma_wait3A_327 = tpu.memref_slice %arg9[%mul3A_326] : memref<2048xi32, #tpu.memory_space<vmem>> -> memref<16xi32, #tpu.memory_space<vmem>>
      %dma_wait3A_328 = arith.constant 0 : i32
      %dma_wait3A_329 = arith.constant 0 : i32
      %dma_wait3A_330 = tpu.memref_slice %arg2[%dma_wait3A_328, %dma_wait3A_329] : memref<1000x1024xf32, #tpu.memory_space<hbm>> -> memref<1000x1024xf32, #tpu.memory_space<hbm>>
      tpu.wait_indirect_dma semaphore(%arg18 : memref<!tpu.dma_semaphore, #tpu.memory_space<semaphore_mem>>) src(%dma_wait3A_330 : memref<1000x1024xf32, #tpu.memory_space<hbm>>) dst(%arg13 : memref<16x1024xf32, #tpu.memory_space<vmem>>)
      %gt3A_331 = arith.constant 0 : i32
      %gt3A_332 = arith.cmpi sgt, %scan3A_204, %gt3A_331 : i32
      %convert_element_type3A_333 = arith.extui %gt3A_332 : i1 to i32
      %cond3A_334 = arith.constant 0 : i32
      %cond3A_335 = arith.cmpi ne, %convert_element_type3A_333, %cond3A_334 : i32
      scf.if %cond3A_335 {
        %sub3A_837 = arith.constant 2 : i32
        %sub3A_838 = arith.subi %add3A_324, %sub3A_837 : i32
        %mul3A_839 = arith.constant 16 : i32
        %mul3A_840 = arith.muli %sub3A_838, %mul3A_839 : i32
        %add3A_841 = arith.addi %mul3A_2, %mul3A_840 : i32
        %dma_wait3A_842 = arith.constant 0 : i32
        %dma_wait3A_843 = arith.constant 0 : i32
        %dma_wait3A_844 = tpu.memref_slice %arg15[%dma_wait3A_842, %dma_wait3A_843] : memref<16x1024xf32, #tpu.memory_space<vmem>> -> memref<16x128xf32, #tpu.memory_space<vmem>>
        %dma_wait3A_845 = arith.constant 0 : i32
        %dma_wait3A_846 = tpu.memref_slice %arg6[%add3A_841, %dma_wait3A_845] : memref<51200x1000xf32, #tpu.memory_space<hbm>> -> memref<16x128xf32, #tpu.memory_space<hbm>>
        %dma_wait3A_847 = arith.constant 0 : i32
        %dma_wait3A_848 = tpu.memref_slice %arg6[%add3A_841, %dma_wait3A_847] : memref<51200x1000xf32, #tpu.memory_space<hbm>> -> memref<16x128xf32, #tpu.memory_space<hbm>>
        %dma_wait3A_849 = arith.constant 0 : i32
        %dma_wait3A_850 = arith.constant 0 : i32
        %dma_wait3A_851 = tpu.memref_slice %arg15[%dma_wait3A_849, %dma_wait3A_850] : memref<16x1024xf32, #tpu.memory_space<vmem>> -> memref<16x128xf32, #tpu.memory_space<vmem>>
        tpu.wait_dma2 semaphore(%arg24 : memref<!tpu.dma_semaphore, #tpu.memory_space<semaphore_mem>>) src(%dma_wait3A_851 : memref<16x128xf32, #tpu.memory_space<vmem>>) dst(%dma_wait3A_848 : memref<16x128xf32, #tpu.memory_space<hbm>>)
        %dma_wait3A_852 = arith.constant 0 : i32
        %dma_wait3A_853 = arith.constant 128 : i32
        %dma_wait3A_854 = tpu.memref_slice %arg15[%dma_wait3A_852, %dma_wait3A_853] : memref<16x1024xf32, #tpu.memory_space<vmem>> -> memref<16x128xf32, #tpu.memory_space<vmem>>
        %dma_wait3A_855 = arith.constant 128 : i32
        %dma_wait3A_856 = tpu.memref_slice %arg6[%add3A_841, %dma_wait3A_855] : memref<51200x1000xf32, #tpu.memory_space<hbm>> -> memref<16x128xf32, #tpu.memory_space<hbm>>
        %dma_wait3A_857 = arith.constant 128 : i32
        %dma_wait3A_858 = tpu.memref_slice %arg6[%add3A_841, %dma_wait3A_857] : memref<51200x1000xf32, #tpu.memory_space<hbm>> -> memref<16x128xf32, #tpu.memory_space<hbm>>
        %dma_wait3A_859 = arith.constant 0 : i32
        %dma_wait3A_860 = arith.constant 128 : i32
        %dma_wait3A_861 = tpu.memref_slice %arg15[%dma_wait3A_859, %dma_wait3A_860] : memref<16x1024xf32, #tpu.memory_space<vmem>> -> memref<16x128xf32, #tpu.memory_space<vmem>>
        tpu.wait_dma2 semaphore(%arg24 : memref<!tpu.dma_semaphore, #tpu.memory_space<semaphore_mem>>) src(%dma_wait3A_861 : memref<16x128xf32, #tpu.memory_space<vmem>>) dst(%dma_wait3A_858 : memref<16x128xf32, #tpu.memory_space<hbm>>)
        %dma_wait3A_862 = arith.constant 0 : i32
        %dma_wait3A_863 = arith.constant 256 : i32
        %dma_wait3A_864 = tpu.memref_slice %arg15[%dma_wait3A_862, %dma_wait3A_863] : memref<16x1024xf32, #tpu.memory_space<vmem>> -> memref<16x128xf32, #tpu.memory_space<vmem>>
        %dma_wait3A_865 = arith.constant 256 : i32
        %dma_wait3A_866 = tpu.memref_slice %arg6[%add3A_841, %dma_wait3A_865] : memref<51200x1000xf32, #tpu.memory_space<hbm>> -> memref<16x128xf32, #tpu.memory_space<hbm>>
        %dma_wait3A_867 = arith.constant 256 : i32
        %dma_wait3A_868 = tpu.memref_slice %arg6[%add3A_841, %dma_wait3A_867] : memref<51200x1000xf32, #tpu.memory_space<hbm>> -> memref<16x128xf32, #tpu.memory_space<hbm>>
        %dma_wait3A_869 = arith.constant 0 : i32
        %dma_wait3A_870 = arith.constant 256 : i32
        %dma_wait3A_871 = tpu.memref_slice %arg15[%dma_wait3A_869, %dma_wait3A_870] : memref<16x1024xf32, #tpu.memory_space<vmem>> -> memref<16x128xf32, #tpu.memory_space<vmem>>
        tpu.wait_dma2 semaphore(%arg24 : memref<!tpu.dma_semaphore, #tpu.memory_space<semaphore_mem>>) src(%dma_wait3A_871 : memref<16x128xf32, #tpu.memory_space<vmem>>) dst(%dma_wait3A_868 : memref<16x128xf32, #tpu.memory_space<hbm>>)
        %dma_wait3A_872 = arith.constant 0 : i32
        %dma_wait3A_873 = arith.constant 384 : i32
        %dma_wait3A_874 = tpu.memref_slice %arg15[%dma_wait3A_872, %dma_wait3A_873] : memref<16x1024xf32, #tpu.memory_space<vmem>> -> memref<16x128xf32, #tpu.memory_space<vmem>>
        %dma_wait3A_875 = arith.constant 384 : i32
        %dma_wait3A_876 = tpu.memref_slice %arg6[%add3A_841, %dma_wait3A_875] : memref<51200x1000xf32, #tpu.memory_space<hbm>> -> memref<16x128xf32, #tpu.memory_space<hbm>>
        %dma_wait3A_877 = arith.constant 384 : i32
        %dma_wait3A_878 = tpu.memref_slice %arg6[%add3A_841, %dma_wait3A_877] : memref<51200x1000xf32, #tpu.memory_space<hbm>> -> memref<16x128xf32, #tpu.memory_space<hbm>>
        %dma_wait3A_879 = arith.constant 0 : i32
        %dma_wait3A_880 = arith.constant 384 : i32
        %dma_wait3A_881 = tpu.memref_slice %arg15[%dma_wait3A_879, %dma_wait3A_880] : memref<16x1024xf32, #tpu.memory_space<vmem>> -> memref<16x128xf32, #tpu.memory_space<vmem>>
        tpu.wait_dma2 semaphore(%arg24 : memref<!tpu.dma_semaphore, #tpu.memory_space<semaphore_mem>>) src(%dma_wait3A_881 : memref<16x128xf32, #tpu.memory_space<vmem>>) dst(%dma_wait3A_878 : memref<16x128xf32, #tpu.memory_space<hbm>>)
        %dma_wait3A_882 = arith.constant 0 : i32
        %dma_wait3A_883 = arith.constant 512 : i32
        %dma_wait3A_884 = tpu.memref_slice %arg15[%dma_wait3A_882, %dma_wait3A_883] : memref<16x1024xf32, #tpu.memory_space<vmem>> -> memref<16x128xf32, #tpu.memory_space<vmem>>
        %dma_wait3A_885 = arith.constant 512 : i32
        %dma_wait3A_886 = tpu.memref_slice %arg6[%add3A_841, %dma_wait3A_885] : memref<51200x1000xf32, #tpu.memory_space<hbm>> -> memref<16x128xf32, #tpu.memory_space<hbm>>
        %dma_wait3A_887 = arith.constant 512 : i32
        %dma_wait3A_888 = tpu.memref_slice %arg6[%add3A_841, %dma_wait3A_887] : memref<51200x1000xf32, #tpu.memory_space<hbm>> -> memref<16x128xf32, #tpu.memory_space<hbm>>
        %dma_wait3A_889 = arith.constant 0 : i32
        %dma_wait3A_890 = arith.constant 512 : i32
        %dma_wait3A_891 = tpu.memref_slice %arg15[%dma_wait3A_889, %dma_wait3A_890] : memref<16x1024xf32, #tpu.memory_space<vmem>> -> memref<16x128xf32, #tpu.memory_space<vmem>>
        tpu.wait_dma2 semaphore(%arg24 : memref<!tpu.dma_semaphore, #tpu.memory_space<semaphore_mem>>) src(%dma_wait3A_891 : memref<16x128xf32, #tpu.memory_space<vmem>>) dst(%dma_wait3A_888 : memref<16x128xf32, #tpu.memory_space<hbm>>)
        %dma_wait3A_892 = arith.constant 0 : i32
        %dma_wait3A_893 = arith.constant 640 : i32
        %dma_wait3A_894 = tpu.memref_slice %arg15[%dma_wait3A_892, %dma_wait3A_893] : memref<16x1024xf32, #tpu.memory_space<vmem>> -> memref<16x128xf32, #tpu.memory_space<vmem>>
        %dma_wait3A_895 = arith.constant 640 : i32
        %dma_wait3A_896 = tpu.memref_slice %arg6[%add3A_841, %dma_wait3A_895] : memref<51200x1000xf32, #tpu.memory_space<hbm>> -> memref<16x128xf32, #tpu.memory_space<hbm>>
        %dma_wait3A_897 = arith.constant 640 : i32
        %dma_wait3A_898 = tpu.memref_slice %arg6[%add3A_841, %dma_wait3A_897] : memref<51200x1000xf32, #tpu.memory_space<hbm>> -> memref<16x128xf32, #tpu.memory_space<hbm>>
        %dma_wait3A_899 = arith.constant 0 : i32
        %dma_wait3A_900 = arith.constant 640 : i32
        %dma_wait3A_901 = tpu.memref_slice %arg15[%dma_wait3A_899, %dma_wait3A_900] : memref<16x1024xf32, #tpu.memory_space<vmem>> -> memref<16x128xf32, #tpu.memory_space<vmem>>
        tpu.wait_dma2 semaphore(%arg24 : memref<!tpu.dma_semaphore, #tpu.memory_space<semaphore_mem>>) src(%dma_wait3A_901 : memref<16x128xf32, #tpu.memory_space<vmem>>) dst(%dma_wait3A_898 : memref<16x128xf32, #tpu.memory_space<hbm>>)
        %dma_wait3A_902 = arith.constant 0 : i32
        %dma_wait3A_903 = arith.constant 768 : i32
        %dma_wait3A_904 = tpu.memref_slice %arg15[%dma_wait3A_902, %dma_wait3A_903] : memref<16x1024xf32, #tpu.memory_space<vmem>> -> memref<16x128xf32, #tpu.memory_space<vmem>>
        %dma_wait3A_905 = arith.constant 768 : i32
        %dma_wait3A_906 = tpu.memref_slice %arg6[%add3A_841, %dma_wait3A_905] : memref<51200x1000xf32, #tpu.memory_space<hbm>> -> memref<16x128xf32, #tpu.memory_space<hbm>>
        %dma_wait3A_907 = arith.constant 768 : i32
        %dma_wait3A_908 = tpu.memref_slice %arg6[%add3A_841, %dma_wait3A_907] : memref<51200x1000xf32, #tpu.memory_space<hbm>> -> memref<16x128xf32, #tpu.memory_space<hbm>>
        %dma_wait3A_909 = arith.constant 0 : i32
        %dma_wait3A_910 = arith.constant 768 : i32
        %dma_wait3A_911 = tpu.memref_slice %arg15[%dma_wait3A_909, %dma_wait3A_910] : memref<16x1024xf32, #tpu.memory_space<vmem>> -> memref<16x128xf32, #tpu.memory_space<vmem>>
        tpu.wait_dma2 semaphore(%arg24 : memref<!tpu.dma_semaphore, #tpu.memory_space<semaphore_mem>>) src(%dma_wait3A_911 : memref<16x128xf32, #tpu.memory_space<vmem>>) dst(%dma_wait3A_908 : memref<16x128xf32, #tpu.memory_space<hbm>>)
        %dma_wait3A_912 = arith.constant 0 : i32
        %dma_wait3A_913 = arith.constant 896 : i32
        %dma_wait3A_914 = tpu.memref_slice %arg15[%dma_wait3A_912, %dma_wait3A_913] : memref<16x1024xf32, #tpu.memory_space<vmem>> -> memref<16x128xf32, #tpu.memory_space<vmem>>
        %dma_wait3A_915 = arith.constant 0 : i32
        %dma_wait3A_916 = tpu.memref_slice %arg7[%add3A_841, %dma_wait3A_915] : memref<51200x128xf32, #tpu.memory_space<hbm>> -> memref<16x128xf32, #tpu.memory_space<hbm>>
        %dma_wait3A_917 = arith.constant 0 : i32
        %dma_wait3A_918 = tpu.memref_slice %arg7[%add3A_841, %dma_wait3A_917] : memref<51200x128xf32, #tpu.memory_space<hbm>> -> memref<16x128xf32, #tpu.memory_space<hbm>>
        %dma_wait3A_919 = arith.constant 0 : i32
        %dma_wait3A_920 = arith.constant 896 : i32
        %dma_wait3A_921 = tpu.memref_slice %arg15[%dma_wait3A_919, %dma_wait3A_920] : memref<16x1024xf32, #tpu.memory_space<vmem>> -> memref<16x128xf32, #tpu.memory_space<vmem>>
        tpu.wait_dma2 semaphore(%arg24 : memref<!tpu.dma_semaphore, #tpu.memory_space<semaphore_mem>>) src(%dma_wait3A_921 : memref<16x128xf32, #tpu.memory_space<vmem>>) dst(%dma_wait3A_918 : memref<16x128xf32, #tpu.memory_space<hbm>>)
      } else {
      }
      %add3A_336 = arith.constant 2 : i32
      %add3A_337 = arith.addi %add3A_324, %add3A_336 : i32
      %mul3A_338 = arith.constant 16 : i32
      %mul3A_339 = arith.muli %add3A_337, %mul3A_338 : i32
      %dma_start3A_340 = tpu.memref_slice %arg9[%mul3A_339] : memref<2048xi32, #tpu.memory_space<vmem>> -> memref<16xi32, #tpu.memory_space<vmem>>
      %dma_start3A_341 = arith.constant 0 : i32
      %dma_start3A_342 = arith.constant 0 : i32
      %dma_start3A_343 = tpu.memref_slice %arg2[%dma_start3A_341, %dma_start3A_342] : memref<1000x1024xf32, #tpu.memory_space<hbm>> -> memref<1000x1024xf32, #tpu.memory_space<hbm>>
      tpu.enqueue_indirect_dma source(%dma_start3A_343 : memref<1000x1024xf32, #tpu.memory_space<hbm>>) target(%arg15 : memref<16x1024xf32, #tpu.memory_space<vmem>>) offsets(%dma_start3A_340 : memref<16xi32, #tpu.memory_space<vmem>>) semaphore(%arg20 : memref<!tpu.dma_semaphore, #tpu.memory_space<semaphore_mem>>)
      %mul3A_344 = arith.constant 16 : i32
      %mul3A_345 = arith.muli %add3A_324, %mul3A_344 : i32
      %add3A_346 = arith.constant 0 : i32
      %add3A_347 = arith.addi %mul3A_345, %add3A_346 : i32
      %get3A_348 = arith.index_cast %add3A_347 : i32 to index
      %get3A_349 = tpu.vector_load %arg9[%get3A_348] {strides = array<i32>} : memref<2048xi32, #tpu.memory_space<vmem>>, vector<16xi32>,
      %get3A_350 = arith.index_cast %add3A_347 : i32 to index
      %get3A_351 = tpu.vector_load %arg10[%get3A_350] {strides = array<i32>} : memref<2048xi32, #tpu.memory_space<vmem>>, vector<16xi32>,
      %add3A_352 = arith.constant 0 : i32
      %add3A_353 = vector.broadcast %add3A_352 : i32 to vector<16xi32>
      %add3A_354 = arith.addi %iota3A, %add3A_353 : vector<16xi32>
      %gather3A_355 = tpu.vector_load_idx %arg13[%add3A_354, %get3A_351] : memref<16x1024xf32, #tpu.memory_space<vmem>>[vector<16xi32>, vector<16xi32>], vector<16xf32>,
      %gather3A_356 = tpu.vector_load_idx %arg11[%get3A_349] : memref<1024xf32, #tpu.memory_space<vmem>>[vector<16xi32>], vector<16xf32>,
      %sub3A_357 = arith.subf %gather3A_356, %gather3A_355 : vector<16xf32>
      %add3A_358 = arith.addf %add3A_237, %sub3A_357 : vector<16xf32>
      %mul3A_359 = arith.constant 16 : i32
      %mul3A_360 = arith.muli %add3A_324, %mul3A_359 : i32
      %add3A_361 = arith.addi %mul3A_2, %mul3A_360 : i32
      %dma_start3A_362 = arith.constant 0 : i32
      %dma_start3A_363 = arith.constant 0 : i32
      %dma_start3A_364 = tpu.memref_slice %arg13[%dma_start3A_362, %dma_start3A_363] : memref<16x1024xf32, #tpu.memory_space<vmem>> -> memref<16x128xf32, #tpu.memory_space<vmem>>
      %dma_start3A_365 = arith.constant 0 : i32
      %dma_start3A_366 = tpu.memref_slice %arg6[%add3A_361, %dma_start3A_365] : memref<51200x1000xf32, #tpu.memory_space<hbm>> -> memref<16x128xf32, #tpu.memory_space<hbm>>
      %dma_start3A_367 = arith.constant 0 : i32
      %dma_start3A_368 = tpu.memref_slice %arg6[%add3A_361, %dma_start3A_367] : memref<51200x1000xf32, #tpu.memory_space<hbm>> -> memref<16x128xf32, #tpu.memory_space<hbm>>
      %dma_start3A_369 = arith.constant 0 : i32
      %dma_start3A_370 = arith.constant 0 : i32
      %dma_start3A_371 = tpu.memref_slice %arg13[%dma_start3A_369, %dma_start3A_370] : memref<16x1024xf32, #tpu.memory_space<vmem>> -> memref<16x128xf32, #tpu.memory_space<vmem>>
      tpu.enqueue_dma source(%dma_start3A_371 : memref<16x128xf32, #tpu.memory_space<vmem>>) target(%dma_start3A_368 : memref<16x128xf32, #tpu.memory_space<hbm>>) target_semaphore(%arg22 : memref<!tpu.dma_semaphore, #tpu.memory_space<semaphore_mem>>)
      %dma_start3A_372 = arith.constant 0 : i32
      %dma_start3A_373 = arith.constant 128 : i32
      %dma_start3A_374 = tpu.memref_slice %arg13[%dma_start3A_372, %dma_start3A_373] : memref<16x1024xf32, #tpu.memory_space<vmem>> -> memref<16x128xf32, #tpu.memory_space<vmem>>
      %dma_start3A_375 = arith.constant 128 : i32
      %dma_start3A_376 = tpu.memref_slice %arg6[%add3A_361, %dma_start3A_375] : memref<51200x1000xf32, #tpu.memory_space<hbm>> -> memref<16x128xf32, #tpu.memory_space<hbm>>
      %dma_start3A_377 = arith.constant 128 : i32
      %dma_start3A_378 = tpu.memref_slice %arg6[%add3A_361, %dma_start3A_377] : memref<51200x1000xf32, #tpu.memory_space<hbm>> -> memref<16x128xf32, #tpu.memory_space<hbm>>
      %dma_start3A_379 = arith.constant 0 : i32
      %dma_start3A_380 = arith.constant 128 : i32
      %dma_start3A_381 = tpu.memref_slice %arg13[%dma_start3A_379, %dma_start3A_380] : memref<16x1024xf32, #tpu.memory_space<vmem>> -> memref<16x128xf32, #tpu.memory_space<vmem>>
      tpu.enqueue_dma source(%dma_start3A_381 : memref<16x128xf32, #tpu.memory_space<vmem>>) target(%dma_start3A_378 : memref<16x128xf32, #tpu.memory_space<hbm>>) target_semaphore(%arg22 : memref<!tpu.dma_semaphore, #tpu.memory_space<semaphore_mem>>)
      %dma_start3A_382 = arith.constant 0 : i32
      %dma_start3A_383 = arith.constant 256 : i32
      %dma_start3A_384 = tpu.memref_slice %arg13[%dma_start3A_382, %dma_start3A_383] : memref<16x1024xf32, #tpu.memory_space<vmem>> -> memref<16x128xf32, #tpu.memory_space<vmem>>
      %dma_start3A_385 = arith.constant 256 : i32
      %dma_start3A_386 = tpu.memref_slice %arg6[%add3A_361, %dma_start3A_385] : memref<51200x1000xf32, #tpu.memory_space<hbm>> -> memref<16x128xf32, #tpu.memory_space<hbm>>
      %dma_start3A_387 = arith.constant 256 : i32
      %dma_start3A_388 = tpu.memref_slice %arg6[%add3A_361, %dma_start3A_387] : memref<51200x1000xf32, #tpu.memory_space<hbm>> -> memref<16x128xf32, #tpu.memory_space<hbm>>
      %dma_start3A_389 = arith.constant 0 : i32
      %dma_start3A_390 = arith.constant 256 : i32
      %dma_start3A_391 = tpu.memref_slice %arg13[%dma_start3A_389, %dma_start3A_390] : memref<16x1024xf32, #tpu.memory_space<vmem>> -> memref<16x128xf32, #tpu.memory_space<vmem>>
      tpu.enqueue_dma source(%dma_start3A_391 : memref<16x128xf32, #tpu.memory_space<vmem>>) target(%dma_start3A_388 : memref<16x128xf32, #tpu.memory_space<hbm>>) target_semaphore(%arg22 : memref<!tpu.dma_semaphore, #tpu.memory_space<semaphore_mem>>)
      %dma_start3A_392 = arith.constant 0 : i32
      %dma_start3A_393 = arith.constant 384 : i32
      %dma_start3A_394 = tpu.memref_slice %arg13[%dma_start3A_392, %dma_start3A_393] : memref<16x1024xf32, #tpu.memory_space<vmem>> -> memref<16x128xf32, #tpu.memory_space<vmem>>
      %dma_start3A_395 = arith.constant 384 : i32
      %dma_start3A_396 = tpu.memref_slice %arg6[%add3A_361, %dma_start3A_395] : memref<51200x1000xf32, #tpu.memory_space<hbm>> -> memref<16x128xf32, #tpu.memory_space<hbm>>
      %dma_start3A_397 = arith.constant 384 : i32
      %dma_start3A_398 = tpu.memref_slice %arg6[%add3A_361, %dma_start3A_397] : memref<51200x1000xf32, #tpu.memory_space<hbm>> -> memref<16x128xf32, #tpu.memory_space<hbm>>
      %dma_start3A_399 = arith.constant 0 : i32
      %dma_start3A_400 = arith.constant 384 : i32
      %dma_start3A_401 = tpu.memref_slice %arg13[%dma_start3A_399, %dma_start3A_400] : memref<16x1024xf32, #tpu.memory_space<vmem>> -> memref<16x128xf32, #tpu.memory_space<vmem>>
      tpu.enqueue_dma source(%dma_start3A_401 : memref<16x128xf32, #tpu.memory_space<vmem>>) target(%dma_start3A_398 : memref<16x128xf32, #tpu.memory_space<hbm>>) target_semaphore(%arg22 : memref<!tpu.dma_semaphore, #tpu.memory_space<semaphore_mem>>)
      %dma_start3A_402 = arith.constant 0 : i32
      %dma_start3A_403 = arith.constant 512 : i32
      %dma_start3A_404 = tpu.memref_slice %arg13[%dma_start3A_402, %dma_start3A_403] : memref<16x1024xf32, #tpu.memory_space<vmem>> -> memref<16x128xf32, #tpu.memory_space<vmem>>
      %dma_start3A_405 = arith.constant 512 : i32
      %dma_start3A_406 = tpu.memref_slice %arg6[%add3A_361, %dma_start3A_405] : memref<51200x1000xf32, #tpu.memory_space<hbm>> -> memref<16x128xf32, #tpu.memory_space<hbm>>
      %dma_start3A_407 = arith.constant 512 : i32
      %dma_start3A_408 = tpu.memref_slice %arg6[%add3A_361, %dma_start3A_407] : memref<51200x1000xf32, #tpu.memory_space<hbm>> -> memref<16x128xf32, #tpu.memory_space<hbm>>
      %dma_start3A_409 = arith.constant 0 : i32
      %dma_start3A_410 = arith.constant 512 : i32
      %dma_start3A_411 = tpu.memref_slice %arg13[%dma_start3A_409, %dma_start3A_410] : memref<16x1024xf32, #tpu.memory_space<vmem>> -> memref<16x128xf32, #tpu.memory_space<vmem>>
      tpu.enqueue_dma source(%dma_start3A_411 : memref<16x128xf32, #tpu.memory_space<vmem>>) target(%dma_start3A_408 : memref<16x128xf32, #tpu.memory_space<hbm>>) target_semaphore(%arg22 : memref<!tpu.dma_semaphore, #tpu.memory_space<semaphore_mem>>)
      %dma_start3A_412 = arith.constant 0 : i32
      %dma_start3A_413 = arith.constant 640 : i32
      %dma_start3A_414 = tpu.memref_slice %arg13[%dma_start3A_412, %dma_start3A_413] : memref<16x1024xf32, #tpu.memory_space<vmem>> -> memref<16x128xf32, #tpu.memory_space<vmem>>
      %dma_start3A_415 = arith.constant 640 : i32
      %dma_start3A_416 = tpu.memref_slice %arg6[%add3A_361, %dma_start3A_415] : memref<51200x1000xf32, #tpu.memory_space<hbm>> -> memref<16x128xf32, #tpu.memory_space<hbm>>
      %dma_start3A_417 = arith.constant 640 : i32
      %dma_start3A_418 = tpu.memref_slice %arg6[%add3A_361, %dma_start3A_417] : memref<51200x1000xf32, #tpu.memory_space<hbm>> -> memref<16x128xf32, #tpu.memory_space<hbm>>
      %dma_start3A_419 = arith.constant 0 : i32
      %dma_start3A_420 = arith.constant 640 : i32
      %dma_start3A_421 = tpu.memref_slice %arg13[%dma_start3A_419, %dma_start3A_420] : memref<16x1024xf32, #tpu.memory_space<vmem>> -> memref<16x128xf32, #tpu.memory_space<vmem>>
      tpu.enqueue_dma source(%dma_start3A_421 : memref<16x128xf32, #tpu.memory_space<vmem>>) target(%dma_start3A_418 : memref<16x128xf32, #tpu.memory_space<hbm>>) target_semaphore(%arg22 : memref<!tpu.dma_semaphore, #tpu.memory_space<semaphore_mem>>)
      %dma_start3A_422 = arith.constant 0 : i32
      %dma_start3A_423 = arith.constant 768 : i32
      %dma_start3A_424 = tpu.memref_slice %arg13[%dma_start3A_422, %dma_start3A_423] : memref<16x1024xf32, #tpu.memory_space<vmem>> -> memref<16x128xf32, #tpu.memory_space<vmem>>
      %dma_start3A_425 = arith.constant 768 : i32
      %dma_start3A_426 = tpu.memref_slice %arg6[%add3A_361, %dma_start3A_425] : memref<51200x1000xf32, #tpu.memory_space<hbm>> -> memref<16x128xf32, #tpu.memory_space<hbm>>
      %dma_start3A_427 = arith.constant 768 : i32
      %dma_start3A_428 = tpu.memref_slice %arg6[%add3A_361, %dma_start3A_427] : memref<51200x1000xf32, #tpu.memory_space<hbm>> -> memref<16x128xf32, #tpu.memory_space<hbm>>
      %dma_start3A_429 = arith.constant 0 : i32
      %dma_start3A_430 = arith.constant 768 : i32
      %dma_start3A_431 = tpu.memref_slice %arg13[%dma_start3A_429, %dma_start3A_430] : memref<16x1024xf32, #tpu.memory_space<vmem>> -> memref<16x128xf32, #tpu.memory_space<vmem>>
      tpu.enqueue_dma source(%dma_start3A_431 : memref<16x128xf32, #tpu.memory_space<vmem>>) target(%dma_start3A_428 : memref<16x128xf32, #tpu.memory_space<hbm>>) target_semaphore(%arg22 : memref<!tpu.dma_semaphore, #tpu.memory_space<semaphore_mem>>)
      %dma_start3A_432 = arith.constant 0 : i32
      %dma_start3A_433 = arith.constant 896 : i32
      %dma_start3A_434 = tpu.memref_slice %arg13[%dma_start3A_432, %dma_start3A_433] : memref<16x1024xf32, #tpu.memory_space<vmem>> -> memref<16x128xf32, #tpu.memory_space<vmem>>
      %dma_start3A_435 = arith.constant 0 : i32
      %dma_start3A_436 = tpu.memref_slice %arg7[%add3A_361, %dma_start3A_435] : memref<51200x128xf32, #tpu.memory_space<hbm>> -> memref<16x128xf32, #tpu.memory_space<hbm>>
      %dma_start3A_437 = arith.constant 0 : i32
      %dma_start3A_438 = tpu.memref_slice %arg7[%add3A_361, %dma_start3A_437] : memref<51200x128xf32, #tpu.memory_space<hbm>> -> memref<16x128xf32, #tpu.memory_space<hbm>>
      %dma_start3A_439 = arith.constant 0 : i32
      %dma_start3A_440 = arith.constant 896 : i32
      %dma_start3A_441 = tpu.memref_slice %arg13[%dma_start3A_439, %dma_start3A_440] : memref<16x1024xf32, #tpu.memory_space<vmem>> -> memref<16x128xf32, #tpu.memory_space<vmem>>
      tpu.enqueue_dma source(%dma_start3A_441 : memref<16x128xf32, #tpu.memory_space<vmem>>) target(%dma_start3A_438 : memref<16x128xf32, #tpu.memory_space<hbm>>) target_semaphore(%arg22 : memref<!tpu.dma_semaphore, #tpu.memory_space<semaphore_mem>>)
      %mul3A_442 = arith.constant 4 : i32
      %mul3A_443 = arith.muli %mul3A_442, %scan3A_204 : i32
      %add3A_444 = arith.constant 2 : i32
      %add3A_445 = arith.addi %mul3A_443, %add3A_444 : i32
      %mul3A_446 = arith.constant 16 : i32
      %mul3A_447 = arith.muli %add3A_445, %mul3A_446 : i32
      %dma_wait3A_448 = tpu.memref_slice %arg9[%mul3A_447] : memref<2048xi32, #tpu.memory_space<vmem>> -> memref<16xi32, #tpu.memory_space<vmem>>
      %dma_wait3A_449 = arith.constant 0 : i32
      %dma_wait3A_450 = arith.constant 0 : i32
      %dma_wait3A_451 = tpu.memref_slice %arg2[%dma_wait3A_449, %dma_wait3A_450] : memref<1000x1024xf32, #tpu.memory_space<hbm>> -> memref<1000x1024xf32, #tpu.memory_space<hbm>>
      tpu.wait_indirect_dma semaphore(%arg19 : memref<!tpu.dma_semaphore, #tpu.memory_space<semaphore_mem>>) src(%dma_wait3A_451 : memref<1000x1024xf32, #tpu.memory_space<hbm>>) dst(%arg14 : memref<16x1024xf32, #tpu.memory_space<vmem>>)
      %sub3A_452 = arith.constant 2 : i32
      %sub3A_453 = arith.subi %add3A_445, %sub3A_452 : i32
      %mul3A_454 = arith.constant 16 : i32
      %mul3A_455 = arith.muli %sub3A_453, %mul3A_454 : i32
      %add3A_456 = arith.addi %mul3A_2, %mul3A_455 : i32
      %dma_wait3A_457 = arith.constant 0 : i32
      %dma_wait3A_458 = arith.constant 0 : i32
      %dma_wait3A_459 = tpu.memref_slice %arg12[%dma_wait3A_457, %dma_wait3A_458] : memref<16x1024xf32, #tpu.memory_space<vmem>> -> memref<16x128xf32, #tpu.memory_space<vmem>>
      %dma_wait3A_460 = arith.constant 0 : i32
      %dma_wait3A_461 = tpu.memref_slice %arg6[%add3A_456, %dma_wait3A_460] : memref<51200x1000xf32, #tpu.memory_space<hbm>> -> memref<16x128xf32, #tpu.memory_space<hbm>>
      %dma_wait3A_462 = arith.constant 0 : i32
      %dma_wait3A_463 = tpu.memref_slice %arg6[%add3A_456, %dma_wait3A_462] : memref<51200x1000xf32, #tpu.memory_space<hbm>> -> memref<16x128xf32, #tpu.memory_space<hbm>>
      %dma_wait3A_464 = arith.constant 0 : i32
      %dma_wait3A_465 = arith.constant 0 : i32
      %dma_wait3A_466 = tpu.memref_slice %arg12[%dma_wait3A_464, %dma_wait3A_465] : memref<16x1024xf32, #tpu.memory_space<vmem>> -> memref<16x128xf32, #tpu.memory_space<vmem>>
      tpu.wait_dma2 semaphore(%arg21 : memref<!tpu.dma_semaphore, #tpu.memory_space<semaphore_mem>>) src(%dma_wait3A_466 : memref<16x128xf32, #tpu.memory_space<vmem>>) dst(%dma_wait3A_463 : memref<16x128xf32, #tpu.memory_space<hbm>>)
      %dma_wait3A_467 = arith.constant 0 : i32
      %dma_wait3A_468 = arith.constant 128 : i32
      %dma_wait3A_469 = tpu.memref_slice %arg12[%dma_wait3A_467, %dma_wait3A_468] : memref<16x1024xf32, #tpu.memory_space<vmem>> -> memref<16x128xf32, #tpu.memory_space<vmem>>
      %dma_wait3A_470 = arith.constant 128 : i32
      %dma_wait3A_471 = tpu.memref_slice %arg6[%add3A_456, %dma_wait3A_470] : memref<51200x1000xf32, #tpu.memory_space<hbm>> -> memref<16x128xf32, #tpu.memory_space<hbm>>
      %dma_wait3A_472 = arith.constant 128 : i32
      %dma_wait3A_473 = tpu.memref_slice %arg6[%add3A_456, %dma_wait3A_472] : memref<51200x1000xf32, #tpu.memory_space<hbm>> -> memref<16x128xf32, #tpu.memory_space<hbm>>
      %dma_wait3A_474 = arith.constant 0 : i32
      %dma_wait3A_475 = arith.constant 128 : i32
      %dma_wait3A_476 = tpu.memref_slice %arg12[%dma_wait3A_474, %dma_wait3A_475] : memref<16x1024xf32, #tpu.memory_space<vmem>> -> memref<16x128xf32, #tpu.memory_space<vmem>>
      tpu.wait_dma2 semaphore(%arg21 : memref<!tpu.dma_semaphore, #tpu.memory_space<semaphore_mem>>) src(%dma_wait3A_476 : memref<16x128xf32, #tpu.memory_space<vmem>>) dst(%dma_wait3A_473 : memref<16x128xf32, #tpu.memory_space<hbm>>)
      %dma_wait3A_477 = arith.constant 0 : i32
      %dma_wait3A_478 = arith.constant 256 : i32
      %dma_wait3A_479 = tpu.memref_slice %arg12[%dma_wait3A_477, %dma_wait3A_478] : memref<16x1024xf32, #tpu.memory_space<vmem>> -> memref<16x128xf32, #tpu.memory_space<vmem>>
      %dma_wait3A_480 = arith.constant 256 : i32
      %dma_wait3A_481 = tpu.memref_slice %arg6[%add3A_456, %dma_wait3A_480] : memref<51200x1000xf32, #tpu.memory_space<hbm>> -> memref<16x128xf32, #tpu.memory_space<hbm>>
      %dma_wait3A_482 = arith.constant 256 : i32
      %dma_wait3A_483 = tpu.memref_slice %arg6[%add3A_456, %dma_wait3A_482] : memref<51200x1000xf32, #tpu.memory_space<hbm>> -> memref<16x128xf32, #tpu.memory_space<hbm>>
      %dma_wait3A_484 = arith.constant 0 : i32
      %dma_wait3A_485 = arith.constant 256 : i32
      %dma_wait3A_486 = tpu.memref_slice %arg12[%dma_wait3A_484, %dma_wait3A_485] : memref<16x1024xf32, #tpu.memory_space<vmem>> -> memref<16x128xf32, #tpu.memory_space<vmem>>
      tpu.wait_dma2 semaphore(%arg21 : memref<!tpu.dma_semaphore, #tpu.memory_space<semaphore_mem>>) src(%dma_wait3A_486 : memref<16x128xf32, #tpu.memory_space<vmem>>) dst(%dma_wait3A_483 : memref<16x128xf32, #tpu.memory_space<hbm>>)
      %dma_wait3A_487 = arith.constant 0 : i32
      %dma_wait3A_488 = arith.constant 384 : i32
      %dma_wait3A_489 = tpu.memref_slice %arg12[%dma_wait3A_487, %dma_wait3A_488] : memref<16x1024xf32, #tpu.memory_space<vmem>> -> memref<16x128xf32, #tpu.memory_space<vmem>>
      %dma_wait3A_490 = arith.constant 384 : i32
      %dma_wait3A_491 = tpu.memref_slice %arg6[%add3A_456, %dma_wait3A_490] : memref<51200x1000xf32, #tpu.memory_space<hbm>> -> memref<16x128xf32, #tpu.memory_space<hbm>>
      %dma_wait3A_492 = arith.constant 384 : i32
      %dma_wait3A_493 = tpu.memref_slice %arg6[%add3A_456, %dma_wait3A_492] : memref<51200x1000xf32, #tpu.memory_space<hbm>> -> memref<16x128xf32, #tpu.memory_space<hbm>>
      %dma_wait3A_494 = arith.constant 0 : i32
      %dma_wait3A_495 = arith.constant 384 : i32
      %dma_wait3A_496 = tpu.memref_slice %arg12[%dma_wait3A_494, %dma_wait3A_495] : memref<16x1024xf32, #tpu.memory_space<vmem>> -> memref<16x128xf32, #tpu.memory_space<vmem>>
      tpu.wait_dma2 semaphore(%arg21 : memref<!tpu.dma_semaphore, #tpu.memory_space<semaphore_mem>>) src(%dma_wait3A_496 : memref<16x128xf32, #tpu.memory_space<vmem>>) dst(%dma_wait3A_493 : memref<16x128xf32, #tpu.memory_space<hbm>>)
      %dma_wait3A_497 = arith.constant 0 : i32
      %dma_wait3A_498 = arith.constant 512 : i32
      %dma_wait3A_499 = tpu.memref_slice %arg12[%dma_wait3A_497, %dma_wait3A_498] : memref<16x1024xf32, #tpu.memory_space<vmem>> -> memref<16x128xf32, #tpu.memory_space<vmem>>
      %dma_wait3A_500 = arith.constant 512 : i32
      %dma_wait3A_501 = tpu.memref_slice %arg6[%add3A_456, %dma_wait3A_500] : memref<51200x1000xf32, #tpu.memory_space<hbm>> -> memref<16x128xf32, #tpu.memory_space<hbm>>
      %dma_wait3A_502 = arith.constant 512 : i32
      %dma_wait3A_503 = tpu.memref_slice %arg6[%add3A_456, %dma_wait3A_502] : memref<51200x1000xf32, #tpu.memory_space<hbm>> -> memref<16x128xf32, #tpu.memory_space<hbm>>
      %dma_wait3A_504 = arith.constant 0 : i32
      %dma_wait3A_505 = arith.constant 512 : i32
      %dma_wait3A_506 = tpu.memref_slice %arg12[%dma_wait3A_504, %dma_wait3A_505] : memref<16x1024xf32, #tpu.memory_space<vmem>> -> memref<16x128xf32, #tpu.memory_space<vmem>>
      tpu.wait_dma2 semaphore(%arg21 : memref<!tpu.dma_semaphore, #tpu.memory_space<semaphore_mem>>) src(%dma_wait3A_506 : memref<16x128xf32, #tpu.memory_space<vmem>>) dst(%dma_wait3A_503 : memref<16x128xf32, #tpu.memory_space<hbm>>)
      %dma_wait3A_507 = arith.constant 0 : i32
      %dma_wait3A_508 = arith.constant 640 : i32
      %dma_wait3A_509 = tpu.memref_slice %arg12[%dma_wait3A_507, %dma_wait3A_508] : memref<16x1024xf32, #tpu.memory_space<vmem>> -> memref<16x128xf32, #tpu.memory_space<vmem>>
      %dma_wait3A_510 = arith.constant 640 : i32
      %dma_wait3A_511 = tpu.memref_slice %arg6[%add3A_456, %dma_wait3A_510] : memref<51200x1000xf32, #tpu.memory_space<hbm>> -> memref<16x128xf32, #tpu.memory_space<hbm>>
      %dma_wait3A_512 = arith.constant 640 : i32
      %dma_wait3A_513 = tpu.memref_slice %arg6[%add3A_456, %dma_wait3A_512] : memref<51200x1000xf32, #tpu.memory_space<hbm>> -> memref<16x128xf32, #tpu.memory_space<hbm>>
      %dma_wait3A_514 = arith.constant 0 : i32
      %dma_wait3A_515 = arith.constant 640 : i32
      %dma_wait3A_516 = tpu.memref_slice %arg12[%dma_wait3A_514, %dma_wait3A_515] : memref<16x1024xf32, #tpu.memory_space<vmem>> -> memref<16x128xf32, #tpu.memory_space<vmem>>
      tpu.wait_dma2 semaphore(%arg21 : memref<!tpu.dma_semaphore, #tpu.memory_space<semaphore_mem>>) src(%dma_wait3A_516 : memref<16x128xf32, #tpu.memory_space<vmem>>) dst(%dma_wait3A_513 : memref<16x128xf32, #tpu.memory_space<hbm>>)
      %dma_wait3A_517 = arith.constant 0 : i32
      %dma_wait3A_518 = arith.constant 768 : i32
      %dma_wait3A_519 = tpu.memref_slice %arg12[%dma_wait3A_517, %dma_wait3A_518] : memref<16x1024xf32, #tpu.memory_space<vmem>> -> memref<16x128xf32, #tpu.memory_space<vmem>>
      %dma_wait3A_520 = arith.constant 768 : i32
      %dma_wait3A_521 = tpu.memref_slice %arg6[%add3A_456, %dma_wait3A_520] : memref<51200x1000xf32, #tpu.memory_space<hbm>> -> memref<16x128xf32, #tpu.memory_space<hbm>>
      %dma_wait3A_522 = arith.constant 768 : i32
      %dma_wait3A_523 = tpu.memref_slice %arg6[%add3A_456, %dma_wait3A_522] : memref<51200x1000xf32, #tpu.memory_space<hbm>> -> memref<16x128xf32, #tpu.memory_space<hbm>>
      %dma_wait3A_524 = arith.constant 0 : i32
      %dma_wait3A_525 = arith.constant 768 : i32
      %dma_wait3A_526 = tpu.memref_slice %arg12[%dma_wait3A_524, %dma_wait3A_525] : memref<16x1024xf32, #tpu.memory_space<vmem>> -> memref<16x128xf32, #tpu.memory_space<vmem>>
      tpu.wait_dma2 semaphore(%arg21 : memref<!tpu.dma_semaphore, #tpu.memory_space<semaphore_mem>>) src(%dma_wait3A_526 : memref<16x128xf32, #tpu.memory_space<vmem>>) dst(%dma_wait3A_523 : memref<16x128xf32, #tpu.memory_space<hbm>>)
      %dma_wait3A_527 = arith.constant 0 : i32
      %dma_wait3A_528 = arith.constant 896 : i32
      %dma_wait3A_529 = tpu.memref_slice %arg12[%dma_wait3A_527, %dma_wait3A_528] : memref<16x1024xf32, #tpu.memory_space<vmem>> -> memref<16x128xf32, #tpu.memory_space<vmem>>
      %dma_wait3A_530 = arith.constant 0 : i32
      %dma_wait3A_531 = tpu.memref_slice %arg7[%add3A_456, %dma_wait3A_530] : memref<51200x128xf32, #tpu.memory_space<hbm>> -> memref<16x128xf32, #tpu.memory_space<hbm>>
      %dma_wait3A_532 = arith.constant 0 : i32
      %dma_wait3A_533 = tpu.memref_slice %arg7[%add3A_456, %dma_wait3A_532] : memref<51200x128xf32, #tpu.memory_space<hbm>> -> memref<16x128xf32, #tpu.memory_space<hbm>>
      %dma_wait3A_534 = arith.constant 0 : i32
      %dma_wait3A_535 = arith.constant 896 : i32
      %dma_wait3A_536 = tpu.memref_slice %arg12[%dma_wait3A_534, %dma_wait3A_535] : memref<16x1024xf32, #tpu.memory_space<vmem>> -> memref<16x128xf32, #tpu.memory_space<vmem>>
      tpu.wait_dma2 semaphore(%arg21 : memref<!tpu.dma_semaphore, #tpu.memory_space<semaphore_mem>>) src(%dma_wait3A_536 : memref<16x128xf32, #tpu.memory_space<vmem>>) dst(%dma_wait3A_533 : memref<16x128xf32, #tpu.memory_space<hbm>>)
      %lt3A = arith.constant 24 : i32
      %lt3A_537 = arith.cmpi slt, %scan3A_204, %lt3A : i32
      %convert_element_type3A_538 = arith.extui %lt3A_537 : i1 to i32
      %cond3A_539 = arith.constant 0 : i32
      %cond3A_540 = arith.cmpi ne, %convert_element_type3A_538, %cond3A_539 : i32
      scf.if %cond3A_540 {
        %add3A_837 = arith.constant 2 : i32
        %add3A_838 = arith.addi %add3A_445, %add3A_837 : i32
        %mul3A_839 = arith.constant 16 : i32
        %mul3A_840 = arith.muli %add3A_838, %mul3A_839 : i32
        %dma_start3A_841 = tpu.memref_slice %arg9[%mul3A_840] : memref<2048xi32, #tpu.memory_space<vmem>> -> memref<16xi32, #tpu.memory_space<vmem>>
        %dma_start3A_842 = arith.constant 0 : i32
        %dma_start3A_843 = arith.constant 0 : i32
        %dma_start3A_844 = tpu.memref_slice %arg2[%dma_start3A_842, %dma_start3A_843] : memref<1000x1024xf32, #tpu.memory_space<hbm>> -> memref<1000x1024xf32, #tpu.memory_space<hbm>>
        tpu.enqueue_indirect_dma source(%dma_start3A_844 : memref<1000x1024xf32, #tpu.memory_space<hbm>>) target(%arg12 : memref<16x1024xf32, #tpu.memory_space<vmem>>) offsets(%dma_start3A_841 : memref<16xi32, #tpu.memory_space<vmem>>) semaphore(%arg17 : memref<!tpu.dma_semaphore, #tpu.memory_space<semaphore_mem>>)
      } else {
      }
      %mul3A_541 = arith.constant 16 : i32
      %mul3A_542 = arith.muli %add3A_445, %mul3A_541 : i32
      %add3A_543 = arith.constant 0 : i32
      %add3A_544 = arith.addi %mul3A_542, %add3A_543 : i32
      %get3A_545 = arith.index_cast %add3A_544 : i32 to index
      %get3A_546 = tpu.vector_load %arg9[%get3A_545] {strides = array<i32>} : memref<2048xi32, #tpu.memory_space<vmem>>, vector<16xi32>,
      %get3A_547 = arith.index_cast %add3A_544 : i32 to index
      %get3A_548 = tpu.vector_load %arg10[%get3A_547] {strides = array<i32>} : memref<2048xi32, #tpu.memory_space<vmem>>, vector<16xi32>,
      %add3A_549 = arith.constant 0 : i32
      %add3A_550 = vector.broadcast %add3A_549 : i32 to vector<16xi32>
      %add3A_551 = arith.addi %iota3A, %add3A_550 : vector<16xi32>
      %gather3A_552 = tpu.vector_load_idx %arg14[%add3A_551, %get3A_548] : memref<16x1024xf32, #tpu.memory_space<vmem>>[vector<16xi32>, vector<16xi32>], vector<16xf32>,
      %gather3A_553 = tpu.vector_load_idx %arg11[%get3A_546] : memref<1024xf32, #tpu.memory_space<vmem>>[vector<16xi32>], vector<16xf32>,
      %sub3A_554 = arith.subf %gather3A_553, %gather3A_552 : vector<16xf32>
      %add3A_555 = arith.addf %add3A_358, %sub3A_554 : vector<16xf32>
      %mul3A_556 = arith.constant 16 : i32
      %mul3A_557 = arith.muli %add3A_445, %mul3A_556 : i32
      %add3A_558 = arith.addi %mul3A_2, %mul3A_557 : i32
      %dma_start3A_559 = arith.constant 0 : i32
      %dma_start3A_560 = arith.constant 0 : i32
      %dma_start3A_561 = tpu.memref_slice %arg14[%dma_start3A_559, %dma_start3A_560] : memref<16x1024xf32, #tpu.memory_space<vmem>> -> memref<16x128xf32, #tpu.memory_space<vmem>>
      %dma_start3A_562 = arith.constant 0 : i32
      %dma_start3A_563 = tpu.memref_slice %arg6[%add3A_558, %dma_start3A_562] : memref<51200x1000xf32, #tpu.memory_space<hbm>> -> memref<16x128xf32, #tpu.memory_space<hbm>>
      %dma_start3A_564 = arith.constant 0 : i32
      %dma_start3A_565 = tpu.memref_slice %arg6[%add3A_558, %dma_start3A_564] : memref<51200x1000xf32, #tpu.memory_space<hbm>> -> memref<16x128xf32, #tpu.memory_space<hbm>>
      %dma_start3A_566 = arith.constant 0 : i32
      %dma_start3A_567 = arith.constant 0 : i32
      %dma_start3A_568 = tpu.memref_slice %arg14[%dma_start3A_566, %dma_start3A_567] : memref<16x1024xf32, #tpu.memory_space<vmem>> -> memref<16x128xf32, #tpu.memory_space<vmem>>
      tpu.enqueue_dma source(%dma_start3A_568 : memref<16x128xf32, #tpu.memory_space<vmem>>) target(%dma_start3A_565 : memref<16x128xf32, #tpu.memory_space<hbm>>) target_semaphore(%arg23 : memref<!tpu.dma_semaphore, #tpu.memory_space<semaphore_mem>>)
      %dma_start3A_569 = arith.constant 0 : i32
      %dma_start3A_570 = arith.constant 128 : i32
      %dma_start3A_571 = tpu.memref_slice %arg14[%dma_start3A_569, %dma_start3A_570] : memref<16x1024xf32, #tpu.memory_space<vmem>> -> memref<16x128xf32, #tpu.memory_space<vmem>>
      %dma_start3A_572 = arith.constant 128 : i32
      %dma_start3A_573 = tpu.memref_slice %arg6[%add3A_558, %dma_start3A_572] : memref<51200x1000xf32, #tpu.memory_space<hbm>> -> memref<16x128xf32, #tpu.memory_space<hbm>>
      %dma_start3A_574 = arith.constant 128 : i32
      %dma_start3A_575 = tpu.memref_slice %arg6[%add3A_558, %dma_start3A_574] : memref<51200x1000xf32, #tpu.memory_space<hbm>> -> memref<16x128xf32, #tpu.memory_space<hbm>>
      %dma_start3A_576 = arith.constant 0 : i32
      %dma_start3A_577 = arith.constant 128 : i32
      %dma_start3A_578 = tpu.memref_slice %arg14[%dma_start3A_576, %dma_start3A_577] : memref<16x1024xf32, #tpu.memory_space<vmem>> -> memref<16x128xf32, #tpu.memory_space<vmem>>
      tpu.enqueue_dma source(%dma_start3A_578 : memref<16x128xf32, #tpu.memory_space<vmem>>) target(%dma_start3A_575 : memref<16x128xf32, #tpu.memory_space<hbm>>) target_semaphore(%arg23 : memref<!tpu.dma_semaphore, #tpu.memory_space<semaphore_mem>>)
      %dma_start3A_579 = arith.constant 0 : i32
      %dma_start3A_580 = arith.constant 256 : i32
      %dma_start3A_581 = tpu.memref_slice %arg14[%dma_start3A_579, %dma_start3A_580] : memref<16x1024xf32, #tpu.memory_space<vmem>> -> memref<16x128xf32, #tpu.memory_space<vmem>>
      %dma_start3A_582 = arith.constant 256 : i32
      %dma_start3A_583 = tpu.memref_slice %arg6[%add3A_558, %dma_start3A_582] : memref<51200x1000xf32, #tpu.memory_space<hbm>> -> memref<16x128xf32, #tpu.memory_space<hbm>>
      %dma_start3A_584 = arith.constant 256 : i32
      %dma_start3A_585 = tpu.memref_slice %arg6[%add3A_558, %dma_start3A_584] : memref<51200x1000xf32, #tpu.memory_space<hbm>> -> memref<16x128xf32, #tpu.memory_space<hbm>>
      %dma_start3A_586 = arith.constant 0 : i32
      %dma_start3A_587 = arith.constant 256 : i32
      %dma_start3A_588 = tpu.memref_slice %arg14[%dma_start3A_586, %dma_start3A_587] : memref<16x1024xf32, #tpu.memory_space<vmem>> -> memref<16x128xf32, #tpu.memory_space<vmem>>
      tpu.enqueue_dma source(%dma_start3A_588 : memref<16x128xf32, #tpu.memory_space<vmem>>) target(%dma_start3A_585 : memref<16x128xf32, #tpu.memory_space<hbm>>) target_semaphore(%arg23 : memref<!tpu.dma_semaphore, #tpu.memory_space<semaphore_mem>>)
      %dma_start3A_589 = arith.constant 0 : i32
      %dma_start3A_590 = arith.constant 384 : i32
      %dma_start3A_591 = tpu.memref_slice %arg14[%dma_start3A_589, %dma_start3A_590] : memref<16x1024xf32, #tpu.memory_space<vmem>> -> memref<16x128xf32, #tpu.memory_space<vmem>>
      %dma_start3A_592 = arith.constant 384 : i32
      %dma_start3A_593 = tpu.memref_slice %arg6[%add3A_558, %dma_start3A_592] : memref<51200x1000xf32, #tpu.memory_space<hbm>> -> memref<16x128xf32, #tpu.memory_space<hbm>>
      %dma_start3A_594 = arith.constant 384 : i32
      %dma_start3A_595 = tpu.memref_slice %arg6[%add3A_558, %dma_start3A_594] : memref<51200x1000xf32, #tpu.memory_space<hbm>> -> memref<16x128xf32, #tpu.memory_space<hbm>>
      %dma_start3A_596 = arith.constant 0 : i32
      %dma_start3A_597 = arith.constant 384 : i32
      %dma_start3A_598 = tpu.memref_slice %arg14[%dma_start3A_596, %dma_start3A_597] : memref<16x1024xf32, #tpu.memory_space<vmem>> -> memref<16x128xf32, #tpu.memory_space<vmem>>
      tpu.enqueue_dma source(%dma_start3A_598 : memref<16x128xf32, #tpu.memory_space<vmem>>) target(%dma_start3A_595 : memref<16x128xf32, #tpu.memory_space<hbm>>) target_semaphore(%arg23 : memref<!tpu.dma_semaphore, #tpu.memory_space<semaphore_mem>>)
      %dma_start3A_599 = arith.constant 0 : i32
      %dma_start3A_600 = arith.constant 512 : i32
      %dma_start3A_601 = tpu.memref_slice %arg14[%dma_start3A_599, %dma_start3A_600] : memref<16x1024xf32, #tpu.memory_space<vmem>> -> memref<16x128xf32, #tpu.memory_space<vmem>>
      %dma_start3A_602 = arith.constant 512 : i32
      %dma_start3A_603 = tpu.memref_slice %arg6[%add3A_558, %dma_start3A_602] : memref<51200x1000xf32, #tpu.memory_space<hbm>> -> memref<16x128xf32, #tpu.memory_space<hbm>>
      %dma_start3A_604 = arith.constant 512 : i32
      %dma_start3A_605 = tpu.memref_slice %arg6[%add3A_558, %dma_start3A_604] : memref<51200x1000xf32, #tpu.memory_space<hbm>> -> memref<16x128xf32, #tpu.memory_space<hbm>>
      %dma_start3A_606 = arith.constant 0 : i32
      %dma_start3A_607 = arith.constant 512 : i32
      %dma_start3A_608 = tpu.memref_slice %arg14[%dma_start3A_606, %dma_start3A_607] : memref<16x1024xf32, #tpu.memory_space<vmem>> -> memref<16x128xf32, #tpu.memory_space<vmem>>
      tpu.enqueue_dma source(%dma_start3A_608 : memref<16x128xf32, #tpu.memory_space<vmem>>) target(%dma_start3A_605 : memref<16x128xf32, #tpu.memory_space<hbm>>) target_semaphore(%arg23 : memref<!tpu.dma_semaphore, #tpu.memory_space<semaphore_mem>>)
      %dma_start3A_609 = arith.constant 0 : i32
      %dma_start3A_610 = arith.constant 640 : i32
      %dma_start3A_611 = tpu.memref_slice %arg14[%dma_start3A_609, %dma_start3A_610] : memref<16x1024xf32, #tpu.memory_space<vmem>> -> memref<16x128xf32, #tpu.memory_space<vmem>>
      %dma_start3A_612 = arith.constant 640 : i32
      %dma_start3A_613 = tpu.memref_slice %arg6[%add3A_558, %dma_start3A_612] : memref<51200x1000xf32, #tpu.memory_space<hbm>> -> memref<16x128xf32, #tpu.memory_space<hbm>>
      %dma_start3A_614 = arith.constant 640 : i32
      %dma_start3A_615 = tpu.memref_slice %arg6[%add3A_558, %dma_start3A_614] : memref<51200x1000xf32, #tpu.memory_space<hbm>> -> memref<16x128xf32, #tpu.memory_space<hbm>>
      %dma_start3A_616 = arith.constant 0 : i32
      %dma_start3A_617 = arith.constant 640 : i32
      %dma_start3A_618 = tpu.memref_slice %arg14[%dma_start3A_616, %dma_start3A_617] : memref<16x1024xf32, #tpu.memory_space<vmem>> -> memref<16x128xf32, #tpu.memory_space<vmem>>
      tpu.enqueue_dma source(%dma_start3A_618 : memref<16x128xf32, #tpu.memory_space<vmem>>) target(%dma_start3A_615 : memref<16x128xf32, #tpu.memory_space<hbm>>) target_semaphore(%arg23 : memref<!tpu.dma_semaphore, #tpu.memory_space<semaphore_mem>>)
      %dma_start3A_619 = arith.constant 0 : i32
      %dma_start3A_620 = arith.constant 768 : i32
      %dma_start3A_621 = tpu.memref_slice %arg14[%dma_start3A_619, %dma_start3A_620] : memref<16x1024xf32, #tpu.memory_space<vmem>> -> memref<16x128xf32, #tpu.memory_space<vmem>>
      %dma_start3A_622 = arith.constant 768 : i32
      %dma_start3A_623 = tpu.memref_slice %arg6[%add3A_558, %dma_start3A_622] : memref<51200x1000xf32, #tpu.memory_space<hbm>> -> memref<16x128xf32, #tpu.memory_space<hbm>>
      %dma_start3A_624 = arith.constant 768 : i32
      %dma_start3A_625 = tpu.memref_slice %arg6[%add3A_558, %dma_start3A_624] : memref<51200x1000xf32, #tpu.memory_space<hbm>> -> memref<16x128xf32, #tpu.memory_space<hbm>>
      %dma_start3A_626 = arith.constant 0 : i32
      %dma_start3A_627 = arith.constant 768 : i32
      %dma_start3A_628 = tpu.memref_slice %arg14[%dma_start3A_626, %dma_start3A_627] : memref<16x1024xf32, #tpu.memory_space<vmem>> -> memref<16x128xf32, #tpu.memory_space<vmem>>
      tpu.enqueue_dma source(%dma_start3A_628 : memref<16x128xf32, #tpu.memory_space<vmem>>) target(%dma_start3A_625 : memref<16x128xf32, #tpu.memory_space<hbm>>) target_semaphore(%arg23 : memref<!tpu.dma_semaphore, #tpu.memory_space<semaphore_mem>>)
      %dma_start3A_629 = arith.constant 0 : i32
      %dma_start3A_630 = arith.constant 896 : i32
      %dma_start3A_631 = tpu.memref_slice %arg14[%dma_start3A_629, %dma_start3A_630] : memref<16x1024xf32, #tpu.memory_space<vmem>> -> memref<16x128xf32, #tpu.memory_space<vmem>>
      %dma_start3A_632 = arith.constant 0 : i32
      %dma_start3A_633 = tpu.memref_slice %arg7[%add3A_558, %dma_start3A_632] : memref<51200x128xf32, #tpu.memory_space<hbm>> -> memref<16x128xf32, #tpu.memory_space<hbm>>
      %dma_start3A_634 = arith.constant 0 : i32
      %dma_start3A_635 = tpu.memref_slice %arg7[%add3A_558, %dma_start3A_634] : memref<51200x128xf32, #tpu.memory_space<hbm>> -> memref<16x128xf32, #tpu.memory_space<hbm>>
      %dma_start3A_636 = arith.constant 0 : i32
      %dma_start3A_637 = arith.constant 896 : i32
      %dma_start3A_638 = tpu.memref_slice %arg14[%dma_start3A_636, %dma_start3A_637] : memref<16x1024xf32, #tpu.memory_space<vmem>> -> memref<16x128xf32, #tpu.memory_space<vmem>>
      tpu.enqueue_dma source(%dma_start3A_638 : memref<16x128xf32, #tpu.memory_space<vmem>>) target(%dma_start3A_635 : memref<16x128xf32, #tpu.memory_space<hbm>>) target_semaphore(%arg23 : memref<!tpu.dma_semaphore, #tpu.memory_space<semaphore_mem>>)
      %mul3A_639 = arith.constant 4 : i32
      %mul3A_640 = arith.muli %mul3A_639, %scan3A_204 : i32
      %add3A_641 = arith.constant 3 : i32
      %add3A_642 = arith.addi %mul3A_640, %add3A_641 : i32
      %mul3A_643 = arith.constant 16 : i32
      %mul3A_644 = arith.muli %add3A_642, %mul3A_643 : i32
      %dma_wait3A_645 = tpu.memref_slice %arg9[%mul3A_644] : memref<2048xi32, #tpu.memory_space<vmem>> -> memref<16xi32, #tpu.memory_space<vmem>>
      %dma_wait3A_646 = arith.constant 0 : i32
      %dma_wait3A_647 = arith.constant 0 : i32
      %dma_wait3A_648 = tpu.memref_slice %arg2[%dma_wait3A_646, %dma_wait3A_647] : memref<1000x1024xf32, #tpu.memory_space<hbm>> -> memref<1000x1024xf32, #tpu.memory_space<hbm>>
      tpu.wait_indirect_dma semaphore(%arg20 : memref<!tpu.dma_semaphore, #tpu.memory_space<semaphore_mem>>) src(%dma_wait3A_648 : memref<1000x1024xf32, #tpu.memory_space<hbm>>) dst(%arg15 : memref<16x1024xf32, #tpu.memory_space<vmem>>)
      %sub3A_649 = arith.constant 2 : i32
      %sub3A_650 = arith.subi %add3A_642, %sub3A_649 : i32
      %mul3A_651 = arith.constant 16 : i32
      %mul3A_652 = arith.muli %sub3A_650, %mul3A_651 : i32
      %add3A_653 = arith.addi %mul3A_2, %mul3A_652 : i32
      %dma_wait3A_654 = arith.constant 0 : i32
      %dma_wait3A_655 = arith.constant 0 : i32
      %dma_wait3A_656 = tpu.memref_slice %arg13[%dma_wait3A_654, %dma_wait3A_655] : memref<16x1024xf32, #tpu.memory_space<vmem>> -> memref<16x128xf32, #tpu.memory_space<vmem>>
      %dma_wait3A_657 = arith.constant 0 : i32
      %dma_wait3A_658 = tpu.memref_slice %arg6[%add3A_653, %dma_wait3A_657] : memref<51200x1000xf32, #tpu.memory_space<hbm>> -> memref<16x128xf32, #tpu.memory_space<hbm>>
      %dma_wait3A_659 = arith.constant 0 : i32
      %dma_wait3A_660 = tpu.memref_slice %arg6[%add3A_653, %dma_wait3A_659] : memref<51200x1000xf32, #tpu.memory_space<hbm>> -> memref<16x128xf32, #tpu.memory_space<hbm>>
      %dma_wait3A_661 = arith.constant 0 : i32
      %dma_wait3A_662 = arith.constant 0 : i32
      %dma_wait3A_663 = tpu.memref_slice %arg13[%dma_wait3A_661, %dma_wait3A_662] : memref<16x1024xf32, #tpu.memory_space<vmem>> -> memref<16x128xf32, #tpu.memory_space<vmem>>
      tpu.wait_dma2 semaphore(%arg22 : memref<!tpu.dma_semaphore, #tpu.memory_space<semaphore_mem>>) src(%dma_wait3A_663 : memref<16x128xf32, #tpu.memory_space<vmem>>) dst(%dma_wait3A_660 : memref<16x128xf32, #tpu.memory_space<hbm>>)
      %dma_wait3A_664 = arith.constant 0 : i32
      %dma_wait3A_665 = arith.constant 128 : i32
      %dma_wait3A_666 = tpu.memref_slice %arg13[%dma_wait3A_664, %dma_wait3A_665] : memref<16x1024xf32, #tpu.memory_space<vmem>> -> memref<16x128xf32, #tpu.memory_space<vmem>>
      %dma_wait3A_667 = arith.constant 128 : i32
      %dma_wait3A_668 = tpu.memref_slice %arg6[%add3A_653, %dma_wait3A_667] : memref<51200x1000xf32, #tpu.memory_space<hbm>> -> memref<16x128xf32, #tpu.memory_space<hbm>>
      %dma_wait3A_669 = arith.constant 128 : i32
      %dma_wait3A_670 = tpu.memref_slice %arg6[%add3A_653, %dma_wait3A_669] : memref<51200x1000xf32, #tpu.memory_space<hbm>> -> memref<16x128xf32, #tpu.memory_space<hbm>>
      %dma_wait3A_671 = arith.constant 0 : i32
      %dma_wait3A_672 = arith.constant 128 : i32
      %dma_wait3A_673 = tpu.memref_slice %arg13[%dma_wait3A_671, %dma_wait3A_672] : memref<16x1024xf32, #tpu.memory_space<vmem>> -> memref<16x128xf32, #tpu.memory_space<vmem>>
      tpu.wait_dma2 semaphore(%arg22 : memref<!tpu.dma_semaphore, #tpu.memory_space<semaphore_mem>>) src(%dma_wait3A_673 : memref<16x128xf32, #tpu.memory_space<vmem>>) dst(%dma_wait3A_670 : memref<16x128xf32, #tpu.memory_space<hbm>>)
      %dma_wait3A_674 = arith.constant 0 : i32
      %dma_wait3A_675 = arith.constant 256 : i32
      %dma_wait3A_676 = tpu.memref_slice %arg13[%dma_wait3A_674, %dma_wait3A_675] : memref<16x1024xf32, #tpu.memory_space<vmem>> -> memref<16x128xf32, #tpu.memory_space<vmem>>
      %dma_wait3A_677 = arith.constant 256 : i32
      %dma_wait3A_678 = tpu.memref_slice %arg6[%add3A_653, %dma_wait3A_677] : memref<51200x1000xf32, #tpu.memory_space<hbm>> -> memref<16x128xf32, #tpu.memory_space<hbm>>
      %dma_wait3A_679 = arith.constant 256 : i32
      %dma_wait3A_680 = tpu.memref_slice %arg6[%add3A_653, %dma_wait3A_679] : memref<51200x1000xf32, #tpu.memory_space<hbm>> -> memref<16x128xf32, #tpu.memory_space<hbm>>
      %dma_wait3A_681 = arith.constant 0 : i32
      %dma_wait3A_682 = arith.constant 256 : i32
      %dma_wait3A_683 = tpu.memref_slice %arg13[%dma_wait3A_681, %dma_wait3A_682] : memref<16x1024xf32, #tpu.memory_space<vmem>> -> memref<16x128xf32, #tpu.memory_space<vmem>>
      tpu.wait_dma2 semaphore(%arg22 : memref<!tpu.dma_semaphore, #tpu.memory_space<semaphore_mem>>) src(%dma_wait3A_683 : memref<16x128xf32, #tpu.memory_space<vmem>>) dst(%dma_wait3A_680 : memref<16x128xf32, #tpu.memory_space<hbm>>)
      %dma_wait3A_684 = arith.constant 0 : i32
      %dma_wait3A_685 = arith.constant 384 : i32
      %dma_wait3A_686 = tpu.memref_slice %arg13[%dma_wait3A_684, %dma_wait3A_685] : memref<16x1024xf32, #tpu.memory_space<vmem>> -> memref<16x128xf32, #tpu.memory_space<vmem>>
      %dma_wait3A_687 = arith.constant 384 : i32
      %dma_wait3A_688 = tpu.memref_slice %arg6[%add3A_653, %dma_wait3A_687] : memref<51200x1000xf32, #tpu.memory_space<hbm>> -> memref<16x128xf32, #tpu.memory_space<hbm>>
      %dma_wait3A_689 = arith.constant 384 : i32
      %dma_wait3A_690 = tpu.memref_slice %arg6[%add3A_653, %dma_wait3A_689] : memref<51200x1000xf32, #tpu.memory_space<hbm>> -> memref<16x128xf32, #tpu.memory_space<hbm>>
      %dma_wait3A_691 = arith.constant 0 : i32
      %dma_wait3A_692 = arith.constant 384 : i32
      %dma_wait3A_693 = tpu.memref_slice %arg13[%dma_wait3A_691, %dma_wait3A_692] : memref<16x1024xf32, #tpu.memory_space<vmem>> -> memref<16x128xf32, #tpu.memory_space<vmem>>
      tpu.wait_dma2 semaphore(%arg22 : memref<!tpu.dma_semaphore, #tpu.memory_space<semaphore_mem>>) src(%dma_wait3A_693 : memref<16x128xf32, #tpu.memory_space<vmem>>) dst(%dma_wait3A_690 : memref<16x128xf32, #tpu.memory_space<hbm>>)
      %dma_wait3A_694 = arith.constant 0 : i32
      %dma_wait3A_695 = arith.constant 512 : i32
      %dma_wait3A_696 = tpu.memref_slice %arg13[%dma_wait3A_694, %dma_wait3A_695] : memref<16x1024xf32, #tpu.memory_space<vmem>> -> memref<16x128xf32, #tpu.memory_space<vmem>>
      %dma_wait3A_697 = arith.constant 512 : i32
      %dma_wait3A_698 = tpu.memref_slice %arg6[%add3A_653, %dma_wait3A_697] : memref<51200x1000xf32, #tpu.memory_space<hbm>> -> memref<16x128xf32, #tpu.memory_space<hbm>>
      %dma_wait3A_699 = arith.constant 512 : i32
      %dma_wait3A_700 = tpu.memref_slice %arg6[%add3A_653, %dma_wait3A_699] : memref<51200x1000xf32, #tpu.memory_space<hbm>> -> memref<16x128xf32, #tpu.memory_space<hbm>>
      %dma_wait3A_701 = arith.constant 0 : i32
      %dma_wait3A_702 = arith.constant 512 : i32
      %dma_wait3A_703 = tpu.memref_slice %arg13[%dma_wait3A_701, %dma_wait3A_702] : memref<16x1024xf32, #tpu.memory_space<vmem>> -> memref<16x128xf32, #tpu.memory_space<vmem>>
      tpu.wait_dma2 semaphore(%arg22 : memref<!tpu.dma_semaphore, #tpu.memory_space<semaphore_mem>>) src(%dma_wait3A_703 : memref<16x128xf32, #tpu.memory_space<vmem>>) dst(%dma_wait3A_700 : memref<16x128xf32, #tpu.memory_space<hbm>>)
      %dma_wait3A_704 = arith.constant 0 : i32
      %dma_wait3A_705 = arith.constant 640 : i32
      %dma_wait3A_706 = tpu.memref_slice %arg13[%dma_wait3A_704, %dma_wait3A_705] : memref<16x1024xf32, #tpu.memory_space<vmem>> -> memref<16x128xf32, #tpu.memory_space<vmem>>
      %dma_wait3A_707 = arith.constant 640 : i32
      %dma_wait3A_708 = tpu.memref_slice %arg6[%add3A_653, %dma_wait3A_707] : memref<51200x1000xf32, #tpu.memory_space<hbm>> -> memref<16x128xf32, #tpu.memory_space<hbm>>
      %dma_wait3A_709 = arith.constant 640 : i32
      %dma_wait3A_710 = tpu.memref_slice %arg6[%add3A_653, %dma_wait3A_709] : memref<51200x1000xf32, #tpu.memory_space<hbm>> -> memref<16x128xf32, #tpu.memory_space<hbm>>
      %dma_wait3A_711 = arith.constant 0 : i32
      %dma_wait3A_712 = arith.constant 640 : i32
      %dma_wait3A_713 = tpu.memref_slice %arg13[%dma_wait3A_711, %dma_wait3A_712] : memref<16x1024xf32, #tpu.memory_space<vmem>> -> memref<16x128xf32, #tpu.memory_space<vmem>>
      tpu.wait_dma2 semaphore(%arg22 : memref<!tpu.dma_semaphore, #tpu.memory_space<semaphore_mem>>) src(%dma_wait3A_713 : memref<16x128xf32, #tpu.memory_space<vmem>>) dst(%dma_wait3A_710 : memref<16x128xf32, #tpu.memory_space<hbm>>)
      %dma_wait3A_714 = arith.constant 0 : i32
      %dma_wait3A_715 = arith.constant 768 : i32
      %dma_wait3A_716 = tpu.memref_slice %arg13[%dma_wait3A_714, %dma_wait3A_715] : memref<16x1024xf32, #tpu.memory_space<vmem>> -> memref<16x128xf32, #tpu.memory_space<vmem>>
      %dma_wait3A_717 = arith.constant 768 : i32
      %dma_wait3A_718 = tpu.memref_slice %arg6[%add3A_653, %dma_wait3A_717] : memref<51200x1000xf32, #tpu.memory_space<hbm>> -> memref<16x128xf32, #tpu.memory_space<hbm>>
      %dma_wait3A_719 = arith.constant 768 : i32
      %dma_wait3A_720 = tpu.memref_slice %arg6[%add3A_653, %dma_wait3A_719] : memref<51200x1000xf32, #tpu.memory_space<hbm>> -> memref<16x128xf32, #tpu.memory_space<hbm>>
      %dma_wait3A_721 = arith.constant 0 : i32
      %dma_wait3A_722 = arith.constant 768 : i32
      %dma_wait3A_723 = tpu.memref_slice %arg13[%dma_wait3A_721, %dma_wait3A_722] : memref<16x1024xf32, #tpu.memory_space<vmem>> -> memref<16x128xf32, #tpu.memory_space<vmem>>
      tpu.wait_dma2 semaphore(%arg22 : memref<!tpu.dma_semaphore, #tpu.memory_space<semaphore_mem>>) src(%dma_wait3A_723 : memref<16x128xf32, #tpu.memory_space<vmem>>) dst(%dma_wait3A_720 : memref<16x128xf32, #tpu.memory_space<hbm>>)
      %dma_wait3A_724 = arith.constant 0 : i32
      %dma_wait3A_725 = arith.constant 896 : i32
      %dma_wait3A_726 = tpu.memref_slice %arg13[%dma_wait3A_724, %dma_wait3A_725] : memref<16x1024xf32, #tpu.memory_space<vmem>> -> memref<16x128xf32, #tpu.memory_space<vmem>>
      %dma_wait3A_727 = arith.constant 0 : i32
      %dma_wait3A_728 = tpu.memref_slice %arg7[%add3A_653, %dma_wait3A_727] : memref<51200x128xf32, #tpu.memory_space<hbm>> -> memref<16x128xf32, #tpu.memory_space<hbm>>
      %dma_wait3A_729 = arith.constant 0 : i32
      %dma_wait3A_730 = tpu.memref_slice %arg7[%add3A_653, %dma_wait3A_729] : memref<51200x128xf32, #tpu.memory_space<hbm>> -> memref<16x128xf32, #tpu.memory_space<hbm>>
      %dma_wait3A_731 = arith.constant 0 : i32
      %dma_wait3A_732 = arith.constant 896 : i32
      %dma_wait3A_733 = tpu.memref_slice %arg13[%dma_wait3A_731, %dma_wait3A_732] : memref<16x1024xf32, #tpu.memory_space<vmem>> -> memref<16x128xf32, #tpu.memory_space<vmem>>
      tpu.wait_dma2 semaphore(%arg22 : memref<!tpu.dma_semaphore, #tpu.memory_space<semaphore_mem>>) src(%dma_wait3A_733 : memref<16x128xf32, #tpu.memory_space<vmem>>) dst(%dma_wait3A_730 : memref<16x128xf32, #tpu.memory_space<hbm>>)
      %lt3A_734 = arith.constant 24 : i32
      %lt3A_735 = arith.cmpi slt, %scan3A_204, %lt3A_734 : i32
      %convert_element_type3A_736 = arith.extui %lt3A_735 : i1 to i32
      %cond3A_737 = arith.constant 0 : i32
      %cond3A_738 = arith.cmpi ne, %convert_element_type3A_736, %cond3A_737 : i32
      scf.if %cond3A_738 {
        %add3A_837 = arith.constant 2 : i32
        %add3A_838 = arith.addi %add3A_642, %add3A_837 : i32
        %mul3A_839 = arith.constant 16 : i32
        %mul3A_840 = arith.muli %add3A_838, %mul3A_839 : i32
        %dma_start3A_841 = tpu.memref_slice %arg9[%mul3A_840] : memref<2048xi32, #tpu.memory_space<vmem>> -> memref<16xi32, #tpu.memory_space<vmem>>
        %dma_start3A_842 = arith.constant 0 : i32
        %dma_start3A_843 = arith.constant 0 : i32
        %dma_start3A_844 = tpu.memref_slice %arg2[%dma_start3A_842, %dma_start3A_843] : memref<1000x1024xf32, #tpu.memory_space<hbm>> -> memref<1000x1024xf32, #tpu.memory_space<hbm>>
        tpu.enqueue_indirect_dma source(%dma_start3A_844 : memref<1000x1024xf32, #tpu.memory_space<hbm>>) target(%arg13 : memref<16x1024xf32, #tpu.memory_space<vmem>>) offsets(%dma_start3A_841 : memref<16xi32, #tpu.memory_space<vmem>>) semaphore(%arg18 : memref<!tpu.dma_semaphore, #tpu.memory_space<semaphore_mem>>)
      } else {
      }
      %mul3A_739 = arith.constant 16 : i32
      %mul3A_740 = arith.muli %add3A_642, %mul3A_739 : i32
      %add3A_741 = arith.constant 0 : i32
      %add3A_742 = arith.addi %mul3A_740, %add3A_741 : i32
      %get3A_743 = arith.index_cast %add3A_742 : i32 to index
      %get3A_744 = tpu.vector_load %arg9[%get3A_743] {strides = array<i32>} : memref<2048xi32, #tpu.memory_space<vmem>>, vector<16xi32>,
      %get3A_745 = arith.index_cast %add3A_742 : i32 to index
      %get3A_746 = tpu.vector_load %arg10[%get3A_745] {strides = array<i32>} : memref<2048xi32, #tpu.memory_space<vmem>>, vector<16xi32>,
      %add3A_747 = arith.constant 0 : i32
      %add3A_748 = vector.broadcast %add3A_747 : i32 to vector<16xi32>
      %add3A_749 = arith.addi %iota3A, %add3A_748 : vector<16xi32>
      %gather3A_750 = tpu.vector_load_idx %arg15[%add3A_749, %get3A_746] : memref<16x1024xf32, #tpu.memory_space<vmem>>[vector<16xi32>, vector<16xi32>], vector<16xf32>,
      %gather3A_751 = tpu.vector_load_idx %arg11[%get3A_744] : memref<1024xf32, #tpu.memory_space<vmem>>[vector<16xi32>], vector<16xf32>,
      %sub3A_752 = arith.subf %gather3A_751, %gather3A_750 : vector<16xf32>
      %add3A_753 = arith.addf %add3A_555, %sub3A_752 : vector<16xf32>
      %mul3A_754 = arith.constant 16 : i32
      %mul3A_755 = arith.muli %add3A_642, %mul3A_754 : i32
      %add3A_756 = arith.addi %mul3A_2, %mul3A_755 : i32
      %dma_start3A_757 = arith.constant 0 : i32
      %dma_start3A_758 = arith.constant 0 : i32
      %dma_start3A_759 = tpu.memref_slice %arg15[%dma_start3A_757, %dma_start3A_758] : memref<16x1024xf32, #tpu.memory_space<vmem>> -> memref<16x128xf32, #tpu.memory_space<vmem>>
      %dma_start3A_760 = arith.constant 0 : i32
      %dma_start3A_761 = tpu.memref_slice %arg6[%add3A_756, %dma_start3A_760] : memref<51200x1000xf32, #tpu.memory_space<hbm>> -> memref<16x128xf32, #tpu.memory_space<hbm>>
      %dma_start3A_762 = arith.constant 0 : i32
      %dma_start3A_763 = tpu.memref_slice %arg6[%add3A_756, %dma_start3A_762] : memref<51200x1000xf32, #tpu.memory_space<hbm>> -> memref<16x128xf32, #tpu.memory_space<hbm>>
      %dma_start3A_764 = arith.constant 0 : i32
      %dma_start3A_765 = arith.constant 0 : i32
      %dma_start3A_766 = tpu.memref_slice %arg15[%dma_start3A_764, %dma_start3A_765] : memref<16x1024xf32, #tpu.memory_space<vmem>> -> memref<16x128xf32, #tpu.memory_space<vmem>>
      tpu.enqueue_dma source(%dma_start3A_766 : memref<16x128xf32, #tpu.memory_space<vmem>>) target(%dma_start3A_763 : memref<16x128xf32, #tpu.memory_space<hbm>>) target_semaphore(%arg24 : memref<!tpu.dma_semaphore, #tpu.memory_space<semaphore_mem>>)
      %dma_start3A_767 = arith.constant 0 : i32
      %dma_start3A_768 = arith.constant 128 : i32
      %dma_start3A_769 = tpu.memref_slice %arg15[%dma_start3A_767, %dma_start3A_768] : memref<16x1024xf32, #tpu.memory_space<vmem>> -> memref<16x128xf32, #tpu.memory_space<vmem>>
      %dma_start3A_770 = arith.constant 128 : i32
      %dma_start3A_771 = tpu.memref_slice %arg6[%add3A_756, %dma_start3A_770] : memref<51200x1000xf32, #tpu.memory_space<hbm>> -> memref<16x128xf32, #tpu.memory_space<hbm>>
      %dma_start3A_772 = arith.constant 128 : i32
      %dma_start3A_773 = tpu.memref_slice %arg6[%add3A_756, %dma_start3A_772] : memref<51200x1000xf32, #tpu.memory_space<hbm>> -> memref<16x128xf32, #tpu.memory_space<hbm>>
      %dma_start3A_774 = arith.constant 0 : i32
      %dma_start3A_775 = arith.constant 128 : i32
      %dma_start3A_776 = tpu.memref_slice %arg15[%dma_start3A_774, %dma_start3A_775] : memref<16x1024xf32, #tpu.memory_space<vmem>> -> memref<16x128xf32, #tpu.memory_space<vmem>>
      tpu.enqueue_dma source(%dma_start3A_776 : memref<16x128xf32, #tpu.memory_space<vmem>>) target(%dma_start3A_773 : memref<16x128xf32, #tpu.memory_space<hbm>>) target_semaphore(%arg24 : memref<!tpu.dma_semaphore, #tpu.memory_space<semaphore_mem>>)
      %dma_start3A_777 = arith.constant 0 : i32
      %dma_start3A_778 = arith.constant 256 : i32
      %dma_start3A_779 = tpu.memref_slice %arg15[%dma_start3A_777, %dma_start3A_778] : memref<16x1024xf32, #tpu.memory_space<vmem>> -> memref<16x128xf32, #tpu.memory_space<vmem>>
      %dma_start3A_780 = arith.constant 256 : i32
      %dma_start3A_781 = tpu.memref_slice %arg6[%add3A_756, %dma_start3A_780] : memref<51200x1000xf32, #tpu.memory_space<hbm>> -> memref<16x128xf32, #tpu.memory_space<hbm>>
      %dma_start3A_782 = arith.constant 256 : i32
      %dma_start3A_783 = tpu.memref_slice %arg6[%add3A_756, %dma_start3A_782] : memref<51200x1000xf32, #tpu.memory_space<hbm>> -> memref<16x128xf32, #tpu.memory_space<hbm>>
      %dma_start3A_784 = arith.constant 0 : i32
      %dma_start3A_785 = arith.constant 256 : i32
      %dma_start3A_786 = tpu.memref_slice %arg15[%dma_start3A_784, %dma_start3A_785] : memref<16x1024xf32, #tpu.memory_space<vmem>> -> memref<16x128xf32, #tpu.memory_space<vmem>>
      tpu.enqueue_dma source(%dma_start3A_786 : memref<16x128xf32, #tpu.memory_space<vmem>>) target(%dma_start3A_783 : memref<16x128xf32, #tpu.memory_space<hbm>>) target_semaphore(%arg24 : memref<!tpu.dma_semaphore, #tpu.memory_space<semaphore_mem>>)
      %dma_start3A_787 = arith.constant 0 : i32
      %dma_start3A_788 = arith.constant 384 : i32
      %dma_start3A_789 = tpu.memref_slice %arg15[%dma_start3A_787, %dma_start3A_788] : memref<16x1024xf32, #tpu.memory_space<vmem>> -> memref<16x128xf32, #tpu.memory_space<vmem>>
      %dma_start3A_790 = arith.constant 384 : i32
      %dma_start3A_791 = tpu.memref_slice %arg6[%add3A_756, %dma_start3A_790] : memref<51200x1000xf32, #tpu.memory_space<hbm>> -> memref<16x128xf32, #tpu.memory_space<hbm>>
      %dma_start3A_792 = arith.constant 384 : i32
      %dma_start3A_793 = tpu.memref_slice %arg6[%add3A_756, %dma_start3A_792] : memref<51200x1000xf32, #tpu.memory_space<hbm>> -> memref<16x128xf32, #tpu.memory_space<hbm>>
      %dma_start3A_794 = arith.constant 0 : i32
      %dma_start3A_795 = arith.constant 384 : i32
      %dma_start3A_796 = tpu.memref_slice %arg15[%dma_start3A_794, %dma_start3A_795] : memref<16x1024xf32, #tpu.memory_space<vmem>> -> memref<16x128xf32, #tpu.memory_space<vmem>>
      tpu.enqueue_dma source(%dma_start3A_796 : memref<16x128xf32, #tpu.memory_space<vmem>>) target(%dma_start3A_793 : memref<16x128xf32, #tpu.memory_space<hbm>>) target_semaphore(%arg24 : memref<!tpu.dma_semaphore, #tpu.memory_space<semaphore_mem>>)
      %dma_start3A_797 = arith.constant 0 : i32
      %dma_start3A_798 = arith.constant 512 : i32
      %dma_start3A_799 = tpu.memref_slice %arg15[%dma_start3A_797, %dma_start3A_798] : memref<16x1024xf32, #tpu.memory_space<vmem>> -> memref<16x128xf32, #tpu.memory_space<vmem>>
      %dma_start3A_800 = arith.constant 512 : i32
      %dma_start3A_801 = tpu.memref_slice %arg6[%add3A_756, %dma_start3A_800] : memref<51200x1000xf32, #tpu.memory_space<hbm>> -> memref<16x128xf32, #tpu.memory_space<hbm>>
      %dma_start3A_802 = arith.constant 512 : i32
      %dma_start3A_803 = tpu.memref_slice %arg6[%add3A_756, %dma_start3A_802] : memref<51200x1000xf32, #tpu.memory_space<hbm>> -> memref<16x128xf32, #tpu.memory_space<hbm>>
      %dma_start3A_804 = arith.constant 0 : i32
      %dma_start3A_805 = arith.constant 512 : i32
      %dma_start3A_806 = tpu.memref_slice %arg15[%dma_start3A_804, %dma_start3A_805] : memref<16x1024xf32, #tpu.memory_space<vmem>> -> memref<16x128xf32, #tpu.memory_space<vmem>>
      tpu.enqueue_dma source(%dma_start3A_806 : memref<16x128xf32, #tpu.memory_space<vmem>>) target(%dma_start3A_803 : memref<16x128xf32, #tpu.memory_space<hbm>>) target_semaphore(%arg24 : memref<!tpu.dma_semaphore, #tpu.memory_space<semaphore_mem>>)
      %dma_start3A_807 = arith.constant 0 : i32
      %dma_start3A_808 = arith.constant 640 : i32
      %dma_start3A_809 = tpu.memref_slice %arg15[%dma_start3A_807, %dma_start3A_808] : memref<16x1024xf32, #tpu.memory_space<vmem>> -> memref<16x128xf32, #tpu.memory_space<vmem>>
      %dma_start3A_810 = arith.constant 640 : i32
      %dma_start3A_811 = tpu.memref_slice %arg6[%add3A_756, %dma_start3A_810] : memref<51200x1000xf32, #tpu.memory_space<hbm>> -> memref<16x128xf32, #tpu.memory_space<hbm>>
      %dma_start3A_812 = arith.constant 640 : i32
      %dma_start3A_813 = tpu.memref_slice %arg6[%add3A_756, %dma_start3A_812] : memref<51200x1000xf32, #tpu.memory_space<hbm>> -> memref<16x128xf32, #tpu.memory_space<hbm>>
      %dma_start3A_814 = arith.constant 0 : i32
      %dma_start3A_815 = arith.constant 640 : i32
      %dma_start3A_816 = tpu.memref_slice %arg15[%dma_start3A_814, %dma_start3A_815] : memref<16x1024xf32, #tpu.memory_space<vmem>> -> memref<16x128xf32, #tpu.memory_space<vmem>>
      tpu.enqueue_dma source(%dma_start3A_816 : memref<16x128xf32, #tpu.memory_space<vmem>>) target(%dma_start3A_813 : memref<16x128xf32, #tpu.memory_space<hbm>>) target_semaphore(%arg24 : memref<!tpu.dma_semaphore, #tpu.memory_space<semaphore_mem>>)
      %dma_start3A_817 = arith.constant 0 : i32
      %dma_start3A_818 = arith.constant 768 : i32
      %dma_start3A_819 = tpu.memref_slice %arg15[%dma_start3A_817, %dma_start3A_818] : memref<16x1024xf32, #tpu.memory_space<vmem>> -> memref<16x128xf32, #tpu.memory_space<vmem>>
      %dma_start3A_820 = arith.constant 768 : i32
      %dma_start3A_821 = tpu.memref_slice %arg6[%add3A_756, %dma_start3A_820] : memref<51200x1000xf32, #tpu.memory_space<hbm>> -> memref<16x128xf32, #tpu.memory_space<hbm>>
      %dma_start3A_822 = arith.constant 768 : i32
      %dma_start3A_823 = tpu.memref_slice %arg6[%add3A_756, %dma_start3A_822] : memref<51200x1000xf32, #tpu.memory_space<hbm>> -> memref<16x128xf32, #tpu.memory_space<hbm>>
      %dma_start3A_824 = arith.constant 0 : i32
      %dma_start3A_825 = arith.constant 768 : i32
      %dma_start3A_826 = tpu.memref_slice %arg15[%dma_start3A_824, %dma_start3A_825] : memref<16x1024xf32, #tpu.memory_space<vmem>> -> memref<16x128xf32, #tpu.memory_space<vmem>>
      tpu.enqueue_dma source(%dma_start3A_826 : memref<16x128xf32, #tpu.memory_space<vmem>>) target(%dma_start3A_823 : memref<16x128xf32, #tpu.memory_space<hbm>>) target_semaphore(%arg24 : memref<!tpu.dma_semaphore, #tpu.memory_space<semaphore_mem>>)
      %dma_start3A_827 = arith.constant 0 : i32
      %dma_start3A_828 = arith.constant 896 : i32
      %dma_start3A_829 = tpu.memref_slice %arg15[%dma_start3A_827, %dma_start3A_828] : memref<16x1024xf32, #tpu.memory_space<vmem>> -> memref<16x128xf32, #tpu.memory_space<vmem>>
      %dma_start3A_830 = arith.constant 0 : i32
      %dma_start3A_831 = tpu.memref_slice %arg7[%add3A_756, %dma_start3A_830] : memref<51200x128xf32, #tpu.memory_space<hbm>> -> memref<16x128xf32, #tpu.memory_space<hbm>>
      %dma_start3A_832 = arith.constant 0 : i32
      %dma_start3A_833 = tpu.memref_slice %arg7[%add3A_756, %dma_start3A_832] : memref<51200x128xf32, #tpu.memory_space<hbm>> -> memref<16x128xf32, #tpu.memory_space<hbm>>
      %dma_start3A_834 = arith.constant 0 : i32
      %dma_start3A_835 = arith.constant 896 : i32
      %dma_start3A_836 = tpu.memref_slice %arg15[%dma_start3A_834, %dma_start3A_835] : memref<16x1024xf32, #tpu.memory_space<vmem>> -> memref<16x128xf32, #tpu.memory_space<vmem>>
      tpu.enqueue_dma source(%dma_start3A_836 : memref<16x128xf32, #tpu.memory_space<vmem>>) target(%dma_start3A_833 : memref<16x128xf32, #tpu.memory_space<hbm>>) target_semaphore(%arg24 : memref<!tpu.dma_semaphore, #tpu.memory_space<semaphore_mem>>)
      scf.yield %add3A_753 : vector<16xf32>
    }
    %scan3A_21 = arith.constant 25 : i32
    %add3A_22 = arith.constant 1568 : i32
    %add3A_23 = arith.addi %mul3A_2, %add3A_22 : i32
    %dma_wait3A = arith.constant 0 : i32
    %dma_wait3A_24 = arith.constant 0 : i32
    %dma_wait3A_25 = tpu.memref_slice %arg14[%dma_wait3A, %dma_wait3A_24] : memref<16x1024xf32, #tpu.memory_space<vmem>> -> memref<16x128xf32, #tpu.memory_space<vmem>>
    %dma_wait3A_26 = arith.constant 0 : i32
    %dma_wait3A_27 = tpu.memref_slice %arg6[%add3A_23, %dma_wait3A_26] : memref<51200x1000xf32, #tpu.memory_space<hbm>> -> memref<16x128xf32, #tpu.memory_space<hbm>>
    %dma_wait3A_28 = arith.constant 0 : i32
    %dma_wait3A_29 = tpu.memref_slice %arg6[%add3A_23, %dma_wait3A_28] : memref<51200x1000xf32, #tpu.memory_space<hbm>> -> memref<16x128xf32, #tpu.memory_space<hbm>>
    %dma_wait3A_30 = arith.constant 0 : i32
    %dma_wait3A_31 = arith.constant 0 : i32
    %dma_wait3A_32 = tpu.memref_slice %arg14[%dma_wait3A_30, %dma_wait3A_31] : memref<16x1024xf32, #tpu.memory_space<vmem>> -> memref<16x128xf32, #tpu.memory_space<vmem>>
    tpu.wait_dma2 semaphore(%arg23 : memref<!tpu.dma_semaphore, #tpu.memory_space<semaphore_mem>>) src(%dma_wait3A_32 : memref<16x128xf32, #tpu.memory_space<vmem>>) dst(%dma_wait3A_29 : memref<16x128xf32, #tpu.memory_space<hbm>>)
    %dma_wait3A_33 = arith.constant 0 : i32
    %dma_wait3A_34 = arith.constant 128 : i32
    %dma_wait3A_35 = tpu.memref_slice %arg14[%dma_wait3A_33, %dma_wait3A_34] : memref<16x1024xf32, #tpu.memory_space<vmem>> -> memref<16x128xf32, #tpu.memory_space<vmem>>
    %dma_wait3A_36 = arith.constant 128 : i32
    %dma_wait3A_37 = tpu.memref_slice %arg6[%add3A_23, %dma_wait3A_36] : memref<51200x1000xf32, #tpu.memory_space<hbm>> -> memref<16x128xf32, #tpu.memory_space<hbm>>
    %dma_wait3A_38 = arith.constant 128 : i32
    %dma_wait3A_39 = tpu.memref_slice %arg6[%add3A_23, %dma_wait3A_38] : memref<51200x1000xf32, #tpu.memory_space<hbm>> -> memref<16x128xf32, #tpu.memory_space<hbm>>
    %dma_wait3A_40 = arith.constant 0 : i32
    %dma_wait3A_41 = arith.constant 128 : i32
    %dma_wait3A_42 = tpu.memref_slice %arg14[%dma_wait3A_40, %dma_wait3A_41] : memref<16x1024xf32, #tpu.memory_space<vmem>> -> memref<16x128xf32, #tpu.memory_space<vmem>>
    tpu.wait_dma2 semaphore(%arg23 : memref<!tpu.dma_semaphore, #tpu.memory_space<semaphore_mem>>) src(%dma_wait3A_42 : memref<16x128xf32, #tpu.memory_space<vmem>>) dst(%dma_wait3A_39 : memref<16x128xf32, #tpu.memory_space<hbm>>)
    %dma_wait3A_43 = arith.constant 0 : i32
    %dma_wait3A_44 = arith.constant 256 : i32
    %dma_wait3A_45 = tpu.memref_slice %arg14[%dma_wait3A_43, %dma_wait3A_44] : memref<16x1024xf32, #tpu.memory_space<vmem>> -> memref<16x128xf32, #tpu.memory_space<vmem>>
    %dma_wait3A_46 = arith.constant 256 : i32
    %dma_wait3A_47 = tpu.memref_slice %arg6[%add3A_23, %dma_wait3A_46] : memref<51200x1000xf32, #tpu.memory_space<hbm>> -> memref<16x128xf32, #tpu.memory_space<hbm>>
    %dma_wait3A_48 = arith.constant 256 : i32
    %dma_wait3A_49 = tpu.memref_slice %arg6[%add3A_23, %dma_wait3A_48] : memref<51200x1000xf32, #tpu.memory_space<hbm>> -> memref<16x128xf32, #tpu.memory_space<hbm>>
    %dma_wait3A_50 = arith.constant 0 : i32
    %dma_wait3A_51 = arith.constant 256 : i32
    %dma_wait3A_52 = tpu.memref_slice %arg14[%dma_wait3A_50, %dma_wait3A_51] : memref<16x1024xf32, #tpu.memory_space<vmem>> -> memref<16x128xf32, #tpu.memory_space<vmem>>
    tpu.wait_dma2 semaphore(%arg23 : memref<!tpu.dma_semaphore, #tpu.memory_space<semaphore_mem>>) src(%dma_wait3A_52 : memref<16x128xf32, #tpu.memory_space<vmem>>) dst(%dma_wait3A_49 : memref<16x128xf32, #tpu.memory_space<hbm>>)
    %dma_wait3A_53 = arith.constant 0 : i32
    %dma_wait3A_54 = arith.constant 384 : i32
    %dma_wait3A_55 = tpu.memref_slice %arg14[%dma_wait3A_53, %dma_wait3A_54] : memref<16x1024xf32, #tpu.memory_space<vmem>> -> memref<16x128xf32, #tpu.memory_space<vmem>>
    %dma_wait3A_56 = arith.constant 384 : i32
    %dma_wait3A_57 = tpu.memref_slice %arg6[%add3A_23, %dma_wait3A_56] : memref<51200x1000xf32, #tpu.memory_space<hbm>> -> memref<16x128xf32, #tpu.memory_space<hbm>>
    %dma_wait3A_58 = arith.constant 384 : i32
    %dma_wait3A_59 = tpu.memref_slice %arg6[%add3A_23, %dma_wait3A_58] : memref<51200x1000xf32, #tpu.memory_space<hbm>> -> memref<16x128xf32, #tpu.memory_space<hbm>>
    %dma_wait3A_60 = arith.constant 0 : i32
    %dma_wait3A_61 = arith.constant 384 : i32
    %dma_wait3A_62 = tpu.memref_slice %arg14[%dma_wait3A_60, %dma_wait3A_61] : memref<16x1024xf32, #tpu.memory_space<vmem>> -> memref<16x128xf32, #tpu.memory_space<vmem>>
    tpu.wait_dma2 semaphore(%arg23 : memref<!tpu.dma_semaphore, #tpu.memory_space<semaphore_mem>>) src(%dma_wait3A_62 : memref<16x128xf32, #tpu.memory_space<vmem>>) dst(%dma_wait3A_59 : memref<16x128xf32, #tpu.memory_space<hbm>>)
    %dma_wait3A_63 = arith.constant 0 : i32
    %dma_wait3A_64 = arith.constant 512 : i32
    %dma_wait3A_65 = tpu.memref_slice %arg14[%dma_wait3A_63, %dma_wait3A_64] : memref<16x1024xf32, #tpu.memory_space<vmem>> -> memref<16x128xf32, #tpu.memory_space<vmem>>
    %dma_wait3A_66 = arith.constant 512 : i32
    %dma_wait3A_67 = tpu.memref_slice %arg6[%add3A_23, %dma_wait3A_66] : memref<51200x1000xf32, #tpu.memory_space<hbm>> -> memref<16x128xf32, #tpu.memory_space<hbm>>
    %dma_wait3A_68 = arith.constant 512 : i32
    %dma_wait3A_69 = tpu.memref_slice %arg6[%add3A_23, %dma_wait3A_68] : memref<51200x1000xf32, #tpu.memory_space<hbm>> -> memref<16x128xf32, #tpu.memory_space<hbm>>
    %dma_wait3A_70 = arith.constant 0 : i32
    %dma_wait3A_71 = arith.constant 512 : i32
    %dma_wait3A_72 = tpu.memref_slice %arg14[%dma_wait3A_70, %dma_wait3A_71] : memref<16x1024xf32, #tpu.memory_space<vmem>> -> memref<16x128xf32, #tpu.memory_space<vmem>>
    tpu.wait_dma2 semaphore(%arg23 : memref<!tpu.dma_semaphore, #tpu.memory_space<semaphore_mem>>) src(%dma_wait3A_72 : memref<16x128xf32, #tpu.memory_space<vmem>>) dst(%dma_wait3A_69 : memref<16x128xf32, #tpu.memory_space<hbm>>)
    %dma_wait3A_73 = arith.constant 0 : i32
    %dma_wait3A_74 = arith.constant 640 : i32
    %dma_wait3A_75 = tpu.memref_slice %arg14[%dma_wait3A_73, %dma_wait3A_74] : memref<16x1024xf32, #tpu.memory_space<vmem>> -> memref<16x128xf32, #tpu.memory_space<vmem>>
    %dma_wait3A_76 = arith.constant 640 : i32
    %dma_wait3A_77 = tpu.memref_slice %arg6[%add3A_23, %dma_wait3A_76] : memref<51200x1000xf32, #tpu.memory_space<hbm>> -> memref<16x128xf32, #tpu.memory_space<hbm>>
    %dma_wait3A_78 = arith.constant 640 : i32
    %dma_wait3A_79 = tpu.memref_slice %arg6[%add3A_23, %dma_wait3A_78] : memref<51200x1000xf32, #tpu.memory_space<hbm>> -> memref<16x128xf32, #tpu.memory_space<hbm>>
    %dma_wait3A_80 = arith.constant 0 : i32
    %dma_wait3A_81 = arith.constant 640 : i32
    %dma_wait3A_82 = tpu.memref_slice %arg14[%dma_wait3A_80, %dma_wait3A_81] : memref<16x1024xf32, #tpu.memory_space<vmem>> -> memref<16x128xf32, #tpu.memory_space<vmem>>
    tpu.wait_dma2 semaphore(%arg23 : memref<!tpu.dma_semaphore, #tpu.memory_space<semaphore_mem>>) src(%dma_wait3A_82 : memref<16x128xf32, #tpu.memory_space<vmem>>) dst(%dma_wait3A_79 : memref<16x128xf32, #tpu.memory_space<hbm>>)
    %dma_wait3A_83 = arith.constant 0 : i32
    %dma_wait3A_84 = arith.constant 768 : i32
    %dma_wait3A_85 = tpu.memref_slice %arg14[%dma_wait3A_83, %dma_wait3A_84] : memref<16x1024xf32, #tpu.memory_space<vmem>> -> memref<16x128xf32, #tpu.memory_space<vmem>>
    %dma_wait3A_86 = arith.constant 768 : i32
    %dma_wait3A_87 = tpu.memref_slice %arg6[%add3A_23, %dma_wait3A_86] : memref<51200x1000xf32, #tpu.memory_space<hbm>> -> memref<16x128xf32, #tpu.memory_space<hbm>>
    %dma_wait3A_88 = arith.constant 768 : i32
    %dma_wait3A_89 = tpu.memref_slice %arg6[%add3A_23, %dma_wait3A_88] : memref<51200x1000xf32, #tpu.memory_space<hbm>> -> memref<16x128xf32, #tpu.memory_space<hbm>>
    %dma_wait3A_90 = arith.constant 0 : i32
    %dma_wait3A_91 = arith.constant 768 : i32
    %dma_wait3A_92 = tpu.memref_slice %arg14[%dma_wait3A_90, %dma_wait3A_91] : memref<16x1024xf32, #tpu.memory_space<vmem>> -> memref<16x128xf32, #tpu.memory_space<vmem>>
    tpu.wait_dma2 semaphore(%arg23 : memref<!tpu.dma_semaphore, #tpu.memory_space<semaphore_mem>>) src(%dma_wait3A_92 : memref<16x128xf32, #tpu.memory_space<vmem>>) dst(%dma_wait3A_89 : memref<16x128xf32, #tpu.memory_space<hbm>>)
    %dma_wait3A_93 = arith.constant 0 : i32
    %dma_wait3A_94 = arith.constant 896 : i32
    %dma_wait3A_95 = tpu.memref_slice %arg14[%dma_wait3A_93, %dma_wait3A_94] : memref<16x1024xf32, #tpu.memory_space<vmem>> -> memref<16x128xf32, #tpu.memory_space<vmem>>
    %dma_wait3A_96 = arith.constant 0 : i32
    %dma_wait3A_97 = tpu.memref_slice %arg7[%add3A_23, %dma_wait3A_96] : memref<51200x128xf32, #tpu.memory_space<hbm>> -> memref<16x128xf32, #tpu.memory_space<hbm>>
    %dma_wait3A_98 = arith.constant 0 : i32
    %dma_wait3A_99 = tpu.memref_slice %arg7[%add3A_23, %dma_wait3A_98] : memref<51200x128xf32, #tpu.memory_space<hbm>> -> memref<16x128xf32, #tpu.memory_space<hbm>>
    %dma_wait3A_100 = arith.constant 0 : i32
    %dma_wait3A_101 = arith.constant 896 : i32
    %dma_wait3A_102 = tpu.memref_slice %arg14[%dma_wait3A_100, %dma_wait3A_101] : memref<16x1024xf32, #tpu.memory_space<vmem>> -> memref<16x128xf32, #tpu.memory_space<vmem>>
    tpu.wait_dma2 semaphore(%arg23 : memref<!tpu.dma_semaphore, #tpu.memory_space<semaphore_mem>>) src(%dma_wait3A_102 : memref<16x128xf32, #tpu.memory_space<vmem>>) dst(%dma_wait3A_99 : memref<16x128xf32, #tpu.memory_space<hbm>>)
    %add3A_103 = arith.constant 1584 : i32
    %add3A_104 = arith.addi %mul3A_2, %add3A_103 : i32
    %dma_wait3A_105 = arith.constant 0 : i32
    %dma_wait3A_106 = arith.constant 0 : i32
    %dma_wait3A_107 = tpu.memref_slice %arg15[%dma_wait3A_105, %dma_wait3A_106] : memref<16x1024xf32, #tpu.memory_space<vmem>> -> memref<16x128xf32, #tpu.memory_space<vmem>>
    %dma_wait3A_108 = arith.constant 0 : i32
    %dma_wait3A_109 = tpu.memref_slice %arg6[%add3A_104, %dma_wait3A_108] : memref<51200x1000xf32, #tpu.memory_space<hbm>> -> memref<16x128xf32, #tpu.memory_space<hbm>>
    %dma_wait3A_110 = arith.constant 0 : i32
    %dma_wait3A_111 = tpu.memref_slice %arg6[%add3A_104, %dma_wait3A_110] : memref<51200x1000xf32, #tpu.memory_space<hbm>> -> memref<16x128xf32, #tpu.memory_space<hbm>>
    %dma_wait3A_112 = arith.constant 0 : i32
    %dma_wait3A_113 = arith.constant 0 : i32
    %dma_wait3A_114 = tpu.memref_slice %arg15[%dma_wait3A_112, %dma_wait3A_113] : memref<16x1024xf32, #tpu.memory_space<vmem>> -> memref<16x128xf32, #tpu.memory_space<vmem>>
    tpu.wait_dma2 semaphore(%arg24 : memref<!tpu.dma_semaphore, #tpu.memory_space<semaphore_mem>>) src(%dma_wait3A_114 : memref<16x128xf32, #tpu.memory_space<vmem>>) dst(%dma_wait3A_111 : memref<16x128xf32, #tpu.memory_space<hbm>>)
    %dma_wait3A_115 = arith.constant 0 : i32
    %dma_wait3A_116 = arith.constant 128 : i32
    %dma_wait3A_117 = tpu.memref_slice %arg15[%dma_wait3A_115, %dma_wait3A_116] : memref<16x1024xf32, #tpu.memory_space<vmem>> -> memref<16x128xf32, #tpu.memory_space<vmem>>
    %dma_wait3A_118 = arith.constant 128 : i32
    %dma_wait3A_119 = tpu.memref_slice %arg6[%add3A_104, %dma_wait3A_118] : memref<51200x1000xf32, #tpu.memory_space<hbm>> -> memref<16x128xf32, #tpu.memory_space<hbm>>
    %dma_wait3A_120 = arith.constant 128 : i32
    %dma_wait3A_121 = tpu.memref_slice %arg6[%add3A_104, %dma_wait3A_120] : memref<51200x1000xf32, #tpu.memory_space<hbm>> -> memref<16x128xf32, #tpu.memory_space<hbm>>
    %dma_wait3A_122 = arith.constant 0 : i32
    %dma_wait3A_123 = arith.constant 128 : i32
    %dma_wait3A_124 = tpu.memref_slice %arg15[%dma_wait3A_122, %dma_wait3A_123] : memref<16x1024xf32, #tpu.memory_space<vmem>> -> memref<16x128xf32, #tpu.memory_space<vmem>>
    tpu.wait_dma2 semaphore(%arg24 : memref<!tpu.dma_semaphore, #tpu.memory_space<semaphore_mem>>) src(%dma_wait3A_124 : memref<16x128xf32, #tpu.memory_space<vmem>>) dst(%dma_wait3A_121 : memref<16x128xf32, #tpu.memory_space<hbm>>)
    %dma_wait3A_125 = arith.constant 0 : i32
    %dma_wait3A_126 = arith.constant 256 : i32
    %dma_wait3A_127 = tpu.memref_slice %arg15[%dma_wait3A_125, %dma_wait3A_126] : memref<16x1024xf32, #tpu.memory_space<vmem>> -> memref<16x128xf32, #tpu.memory_space<vmem>>
    %dma_wait3A_128 = arith.constant 256 : i32
    %dma_wait3A_129 = tpu.memref_slice %arg6[%add3A_104, %dma_wait3A_128] : memref<51200x1000xf32, #tpu.memory_space<hbm>> -> memref<16x128xf32, #tpu.memory_space<hbm>>
    %dma_wait3A_130 = arith.constant 256 : i32
    %dma_wait3A_131 = tpu.memref_slice %arg6[%add3A_104, %dma_wait3A_130] : memref<51200x1000xf32, #tpu.memory_space<hbm>> -> memref<16x128xf32, #tpu.memory_space<hbm>>
    %dma_wait3A_132 = arith.constant 0 : i32
    %dma_wait3A_133 = arith.constant 256 : i32
    %dma_wait3A_134 = tpu.memref_slice %arg15[%dma_wait3A_132, %dma_wait3A_133] : memref<16x1024xf32, #tpu.memory_space<vmem>> -> memref<16x128xf32, #tpu.memory_space<vmem>>
    tpu.wait_dma2 semaphore(%arg24 : memref<!tpu.dma_semaphore, #tpu.memory_space<semaphore_mem>>) src(%dma_wait3A_134 : memref<16x128xf32, #tpu.memory_space<vmem>>) dst(%dma_wait3A_131 : memref<16x128xf32, #tpu.memory_space<hbm>>)
    %dma_wait3A_135 = arith.constant 0 : i32
    %dma_wait3A_136 = arith.constant 384 : i32
    %dma_wait3A_137 = tpu.memref_slice %arg15[%dma_wait3A_135, %dma_wait3A_136] : memref<16x1024xf32, #tpu.memory_space<vmem>> -> memref<16x128xf32, #tpu.memory_space<vmem>>
    %dma_wait3A_138 = arith.constant 384 : i32
    %dma_wait3A_139 = tpu.memref_slice %arg6[%add3A_104, %dma_wait3A_138] : memref<51200x1000xf32, #tpu.memory_space<hbm>> -> memref<16x128xf32, #tpu.memory_space<hbm>>
    %dma_wait3A_140 = arith.constant 384 : i32
    %dma_wait3A_141 = tpu.memref_slice %arg6[%add3A_104, %dma_wait3A_140] : memref<51200x1000xf32, #tpu.memory_space<hbm>> -> memref<16x128xf32, #tpu.memory_space<hbm>>
    %dma_wait3A_142 = arith.constant 0 : i32
    %dma_wait3A_143 = arith.constant 384 : i32
    %dma_wait3A_144 = tpu.memref_slice %arg15[%dma_wait3A_142, %dma_wait3A_143] : memref<16x1024xf32, #tpu.memory_space<vmem>> -> memref<16x128xf32, #tpu.memory_space<vmem>>
    tpu.wait_dma2 semaphore(%arg24 : memref<!tpu.dma_semaphore, #tpu.memory_space<semaphore_mem>>) src(%dma_wait3A_144 : memref<16x128xf32, #tpu.memory_space<vmem>>) dst(%dma_wait3A_141 : memref<16x128xf32, #tpu.memory_space<hbm>>)
    %dma_wait3A_145 = arith.constant 0 : i32
    %dma_wait3A_146 = arith.constant 512 : i32
    %dma_wait3A_147 = tpu.memref_slice %arg15[%dma_wait3A_145, %dma_wait3A_146] : memref<16x1024xf32, #tpu.memory_space<vmem>> -> memref<16x128xf32, #tpu.memory_space<vmem>>
    %dma_wait3A_148 = arith.constant 512 : i32
    %dma_wait3A_149 = tpu.memref_slice %arg6[%add3A_104, %dma_wait3A_148] : memref<51200x1000xf32, #tpu.memory_space<hbm>> -> memref<16x128xf32, #tpu.memory_space<hbm>>
    %dma_wait3A_150 = arith.constant 512 : i32
    %dma_wait3A_151 = tpu.memref_slice %arg6[%add3A_104, %dma_wait3A_150] : memref<51200x1000xf32, #tpu.memory_space<hbm>> -> memref<16x128xf32, #tpu.memory_space<hbm>>
    %dma_wait3A_152 = arith.constant 0 : i32
    %dma_wait3A_153 = arith.constant 512 : i32
    %dma_wait3A_154 = tpu.memref_slice %arg15[%dma_wait3A_152, %dma_wait3A_153] : memref<16x1024xf32, #tpu.memory_space<vmem>> -> memref<16x128xf32, #tpu.memory_space<vmem>>
    tpu.wait_dma2 semaphore(%arg24 : memref<!tpu.dma_semaphore, #tpu.memory_space<semaphore_mem>>) src(%dma_wait3A_154 : memref<16x128xf32, #tpu.memory_space<vmem>>) dst(%dma_wait3A_151 : memref<16x128xf32, #tpu.memory_space<hbm>>)
    %dma_wait3A_155 = arith.constant 0 : i32
    %dma_wait3A_156 = arith.constant 640 : i32
    %dma_wait3A_157 = tpu.memref_slice %arg15[%dma_wait3A_155, %dma_wait3A_156] : memref<16x1024xf32, #tpu.memory_space<vmem>> -> memref<16x128xf32, #tpu.memory_space<vmem>>
    %dma_wait3A_158 = arith.constant 640 : i32
    %dma_wait3A_159 = tpu.memref_slice %arg6[%add3A_104, %dma_wait3A_158] : memref<51200x1000xf32, #tpu.memory_space<hbm>> -> memref<16x128xf32, #tpu.memory_space<hbm>>
    %dma_wait3A_160 = arith.constant 640 : i32
    %dma_wait3A_161 = tpu.memref_slice %arg6[%add3A_104, %dma_wait3A_160] : memref<51200x1000xf32, #tpu.memory_space<hbm>> -> memref<16x128xf32, #tpu.memory_space<hbm>>
    %dma_wait3A_162 = arith.constant 0 : i32
    %dma_wait3A_163 = arith.constant 640 : i32
    %dma_wait3A_164 = tpu.memref_slice %arg15[%dma_wait3A_162, %dma_wait3A_163] : memref<16x1024xf32, #tpu.memory_space<vmem>> -> memref<16x128xf32, #tpu.memory_space<vmem>>
    tpu.wait_dma2 semaphore(%arg24 : memref<!tpu.dma_semaphore, #tpu.memory_space<semaphore_mem>>) src(%dma_wait3A_164 : memref<16x128xf32, #tpu.memory_space<vmem>>) dst(%dma_wait3A_161 : memref<16x128xf32, #tpu.memory_space<hbm>>)
    %dma_wait3A_165 = arith.constant 0 : i32
    %dma_wait3A_166 = arith.constant 768 : i32
    %dma_wait3A_167 = tpu.memref_slice %arg15[%dma_wait3A_165, %dma_wait3A_166] : memref<16x1024xf32, #tpu.memory_space<vmem>> -> memref<16x128xf32, #tpu.memory_space<vmem>>
    %dma_wait3A_168 = arith.constant 768 : i32
    %dma_wait3A_169 = tpu.memref_slice %arg6[%add3A_104, %dma_wait3A_168] : memref<51200x1000xf32, #tpu.memory_space<hbm>> -> memref<16x128xf32, #tpu.memory_space<hbm>>
    %dma_wait3A_170 = arith.constant 768 : i32
    %dma_wait3A_171 = tpu.memref_slice %arg6[%add3A_104, %dma_wait3A_170] : memref<51200x1000xf32, #tpu.memory_space<hbm>> -> memref<16x128xf32, #tpu.memory_space<hbm>>
    %dma_wait3A_172 = arith.constant 0 : i32
    %dma_wait3A_173 = arith.constant 768 : i32
    %dma_wait3A_174 = tpu.memref_slice %arg15[%dma_wait3A_172, %dma_wait3A_173] : memref<16x1024xf32, #tpu.memory_space<vmem>> -> memref<16x128xf32, #tpu.memory_space<vmem>>
    tpu.wait_dma2 semaphore(%arg24 : memref<!tpu.dma_semaphore, #tpu.memory_space<semaphore_mem>>) src(%dma_wait3A_174 : memref<16x128xf32, #tpu.memory_space<vmem>>) dst(%dma_wait3A_171 : memref<16x128xf32, #tpu.memory_space<hbm>>)
    %dma_wait3A_175 = arith.constant 0 : i32
    %dma_wait3A_176 = arith.constant 896 : i32
    %dma_wait3A_177 = tpu.memref_slice %arg15[%dma_wait3A_175, %dma_wait3A_176] : memref<16x1024xf32, #tpu.memory_space<vmem>> -> memref<16x128xf32, #tpu.memory_space<vmem>>
    %dma_wait3A_178 = arith.constant 0 : i32
    %dma_wait3A_179 = tpu.memref_slice %arg7[%add3A_104, %dma_wait3A_178] : memref<51200x128xf32, #tpu.memory_space<hbm>> -> memref<16x128xf32, #tpu.memory_space<hbm>>
    %dma_wait3A_180 = arith.constant 0 : i32
    %dma_wait3A_181 = tpu.memref_slice %arg7[%add3A_104, %dma_wait3A_180] : memref<51200x128xf32, #tpu.memory_space<hbm>> -> memref<16x128xf32, #tpu.memory_space<hbm>>
    %dma_wait3A_182 = arith.constant 0 : i32
    %dma_wait3A_183 = arith.constant 896 : i32
    %dma_wait3A_184 = tpu.memref_slice %arg15[%dma_wait3A_182, %dma_wait3A_183] : memref<16x1024xf32, #tpu.memory_space<vmem>> -> memref<16x128xf32, #tpu.memory_space<vmem>>
    tpu.wait_dma2 semaphore(%arg24 : memref<!tpu.dma_semaphore, #tpu.memory_space<semaphore_mem>>) src(%dma_wait3A_184 : memref<16x128xf32, #tpu.memory_space<vmem>>) dst(%dma_wait3A_181 : memref<16x128xf32, #tpu.memory_space<hbm>>)
    %broadcast_in_dim3A_185 = arith.constant 0.000000e+00 : f32
    %broadcast_in_dim3A_186 = vector.broadcast %broadcast_in_dim3A_185 : f32 to vector<16xf32>
    %swap3A = arith.constant 0 : index
    %swap3A_187 = tpu.vector_load %arg16[%swap3A] {strides = array<i32>} : memref<128xf32, #tpu.memory_space<vmem>>, vector<16xf32>,
    tpu.vector_store %arg16[%swap3A], %scan3A_20 {strides = array<i32>} : memref<128xf32, #tpu.memory_space<vmem>>, vector<16xf32>,
    %swap3A_188 = arith.constant 16 : index
    %swap3A_189 = tpu.vector_load %arg16[%swap3A_188] {strides = array<i32>} : memref<128xf32, #tpu.memory_space<vmem>>, vector<16xf32>,
    tpu.vector_store %arg16[%swap3A_188], %broadcast_in_dim3A_186 {strides = array<i32>} : memref<128xf32, #tpu.memory_space<vmem>>, vector<16xf32>,
    %swap3A_190 = arith.constant 32 : index
    %swap3A_191 = tpu.vector_load %arg16[%swap3A_190] {strides = array<i32>} : memref<128xf32, #tpu.memory_space<vmem>>, vector<16xf32>,
    tpu.vector_store %arg16[%swap3A_190], %broadcast_in_dim3A_186 {strides = array<i32>} : memref<128xf32, #tpu.memory_space<vmem>>, vector<16xf32>,
    %swap3A_192 = arith.constant 48 : index
    %swap3A_193 = tpu.vector_load %arg16[%swap3A_192] {strides = array<i32>} : memref<128xf32, #tpu.memory_space<vmem>>, vector<16xf32>,
    tpu.vector_store %arg16[%swap3A_192], %broadcast_in_dim3A_186 {strides = array<i32>} : memref<128xf32, #tpu.memory_space<vmem>>, vector<16xf32>,
    %swap3A_194 = arith.constant 64 : index
    %swap3A_195 = tpu.vector_load %arg16[%swap3A_194] {strides = array<i32>} : memref<128xf32, #tpu.memory_space<vmem>>, vector<16xf32>,
    tpu.vector_store %arg16[%swap3A_194], %broadcast_in_dim3A_186 {strides = array<i32>} : memref<128xf32, #tpu.memory_space<vmem>>, vector<16xf32>,
    %swap3A_196 = arith.constant 80 : index
    %swap3A_197 = tpu.vector_load %arg16[%swap3A_196] {strides = array<i32>} : memref<128xf32, #tpu.memory_space<vmem>>, vector<16xf32>,
    tpu.vector_store %arg16[%swap3A_196], %broadcast_in_dim3A_186 {strides = array<i32>} : memref<128xf32, #tpu.memory_space<vmem>>, vector<16xf32>,
    %swap3A_198 = arith.constant 96 : index
    %swap3A_199 = tpu.vector_load %arg16[%swap3A_198] {strides = array<i32>} : memref<128xf32, #tpu.memory_space<vmem>>, vector<16xf32>,
    tpu.vector_store %arg16[%swap3A_198], %broadcast_in_dim3A_186 {strides = array<i32>} : memref<128xf32, #tpu.memory_space<vmem>>, vector<16xf32>,
    %swap3A_200 = arith.constant 112 : index
    %swap3A_201 = tpu.vector_load %arg16[%swap3A_200] {strides = array<i32>} : memref<128xf32, #tpu.memory_space<vmem>>, vector<16xf32>,
    tpu.vector_store %arg16[%swap3A_200], %broadcast_in_dim3A_186 {strides = array<i32>} : memref<128xf32, #tpu.memory_space<vmem>>, vector<16xf32>,
    %mul3A_202 = arith.constant 128 : i32
    %mul3A_203 = arith.muli %add3A, %mul3A_202 : i32
    "tpu.region"() ({
      %run_scoped3A = tpu.sem_alloc : memref<!tpu.dma_semaphore, #tpu.memory_space<semaphore_mem>>
      %dma_start3A_204 = tpu.memref_slice %arg8[%mul3A_203] : memref<4096xf32, #tpu.memory_space<hbm>> -> memref<128xf32, #tpu.memory_space<hbm>>
      %dma_start3A_205 = tpu.memref_slice %arg8[%mul3A_203] : memref<4096xf32, #tpu.memory_space<hbm>> -> memref<128xf32, #tpu.memory_space<hbm>>
      tpu.enqueue_dma source(%arg16 : memref<128xf32, #tpu.memory_space<vmem>>) target(%dma_start3A_205 : memref<128xf32, #tpu.memory_space<hbm>>) target_semaphore(%run_scoped3A : memref<!tpu.dma_semaphore, #tpu.memory_space<semaphore_mem>>)
      %dma_wait3A_206 = tpu.memref_slice %arg8[%mul3A_203] : memref<4096xf32, #tpu.memory_space<hbm>> -> memref<128xf32, #tpu.memory_space<hbm>>
      %dma_wait3A_207 = tpu.memref_slice %arg8[%mul3A_203] : memref<4096xf32, #tpu.memory_space<hbm>> -> memref<128xf32, #tpu.memory_space<hbm>>
      tpu.wait_dma2 semaphore(%run_scoped3A : memref<!tpu.dma_semaphore, #tpu.memory_space<semaphore_mem>>) src(%arg16 : memref<128xf32, #tpu.memory_space<vmem>>) dst(%dma_wait3A_207 : memref<128xf32, #tpu.memory_space<hbm>>)
      tpu.yield
    }) : () -> ()
    return
  }
}

module attributes {stable_mosaic.version = 14 : i64} {
  func.func @_lse_body(%arg0: memref<1000x1000xf32, #tpu.memory_space<vmem>>, %arg1: memref<1024x1xf32, #tpu.memory_space<vmem>>, %arg2: memref<1000x1024xf32, #tpu.memory_space<vmem>>) attributes {dimension_semantics = [], scalar_prefetch = 0 : i64, scratch_operands = 0 : i64, tpu.core_type = #tpu.core_type<tc>} {
    %get3A = arith.constant 0 : index
    %get3A_0 = arith.constant 0 : index
    %get3A_1 = vector.load %arg0[%get3A, %get3A_0] : memref<1000x1000xf32, #tpu.memory_space<vmem>>, vector<1000x1000xf32>
    %reduce_max3A = arith.constant dense<0xFF800000> : vector<1000xf32>
    %reduce_max3A_2 = vector.multi_reduction <maximumf>, %get3A_1, %reduce_max3A [1] : vector<1000x1000xf32> to vector<1000xf32>
    %broadcast_in_dim3A = vector.shape_cast %reduce_max3A_2 : vector<1000xf32> to vector<1000x1xf32>
    %sub3A = vector.broadcast %broadcast_in_dim3A : vector<1000x1xf32> to vector<1000x1000xf32>
    %sub3A_3 = arith.subf %get3A_1, %sub3A : vector<1000x1000xf32>
    %exp3A = math.exp %sub3A_3 : vector<1000x1000xf32>
    %reduce_sum3A = arith.constant dense<0.000000e+00> : vector<1000xf32>
    %reduce_sum3A_4 = vector.multi_reduction <add>, %exp3A, %reduce_sum3A [1] : vector<1000x1000xf32> to vector<1000xf32>
    %broadcast_in_dim3A_5 = vector.shape_cast %reduce_sum3A_4 : vector<1000xf32> to vector<1000x1xf32>
    %log3A = math.log %broadcast_in_dim3A_5 : vector<1000x1xf32>
    %add3A = arith.addf %broadcast_in_dim3A, %log3A : vector<1000x1xf32>
    %broadcast_in_dim3A_6 = arith.constant 0.000000e+00 : f32
    %broadcast_in_dim3A_7 = vector.broadcast %broadcast_in_dim3A_6 : f32 to vector<24x1xf32>
    %concatenate3A = tpu.concatenate %add3A, %broadcast_in_dim3A_7 in 0 : vector<1000x1xf32>, vector<24x1xf32> -> vector<1024x1xf32>
    %swap3A = arith.constant 0 : index
    %swap3A_8 = arith.constant 0 : index
    %swap3A_9 = vector.load %arg1[%swap3A, %swap3A_8] : memref<1024x1xf32, #tpu.memory_space<vmem>>, vector<1024x1xf32>
    tpu.vector_store %arg1[%swap3A, %swap3A_8], %concatenate3A {strides = array<i32>} : memref<1024x1xf32, #tpu.memory_space<vmem>>, vector<1024x1xf32>,
    %broadcast_in_dim3A_10 = arith.constant 0.000000e+00 : f32
    %broadcast_in_dim3A_11 = vector.broadcast %broadcast_in_dim3A_10 : f32 to vector<1000x24xf32>
    %concatenate3A_12 = tpu.concatenate %get3A_1, %broadcast_in_dim3A_11 in 1 : vector<1000x1000xf32>, vector<1000x24xf32> -> vector<1000x1024xf32>
    %swap3A_13 = arith.constant 0 : index
    %swap3A_14 = arith.constant 0 : index
    %swap3A_15 = vector.load %arg2[%swap3A_13, %swap3A_14] : memref<1000x1024xf32, #tpu.memory_space<vmem>>, vector<1000x1024xf32>
    tpu.vector_store %arg2[%swap3A_13, %swap3A_14], %concatenate3A_12 {strides = array<i32>} : memref<1000x1024xf32, #tpu.memory_space<vmem>>, vector<1000x1024xf32>,
    return
  }
}

module attributes {stable_mosaic.version = 14 : i64} {
  func.func @_loss_body(%arg0: memref<32x128xf32, #tpu.memory_space<vmem>>, %arg1: memref<1x1xf32, #tpu.memory_space<vmem>>) attributes {dimension_semantics = [], scalar_prefetch = 0 : i64, scratch_operands = 0 : i64, tpu.core_type = #tpu.core_type<tc>} {
    %get3A = arith.constant 0 : index
    %get3A_0 = arith.constant 0 : index
    %get3A_1 = vector.load %arg0[%get3A, %get3A_0] : memref<32x128xf32, #tpu.memory_space<vmem>>, vector<32x128xf32>
    %reduce_sum3A = vector.shape_cast %get3A_1 : vector<32x128xf32> to vector<1x32x128xf32>
    %reduce_sum3A_2 = arith.constant dense<0.000000e+00> : vector<1xf32>
    %reduce_sum3A_3 = vector.multi_reduction <add>, %reduce_sum3A, %reduce_sum3A_2 [1, 2] : vector<1x32x128xf32> to vector<1xf32>
    %reduce_sum3A_4 = vector.shape_cast %reduce_sum3A_3 : vector<1xf32> to vector<1x1x1xf32>
    %reduce_sum3A_5 = vector.extract %reduce_sum3A_4[0, 0, 0] : f32 from vector<1x1x1xf32>
    %div3A = arith.constant 5.120000e+04 : f32
    %div3A_6 = arith.divf %reduce_sum3A_5, %div3A : f32
    %reshape3A = vector.broadcast %div3A_6 : f32 to vector<1x1xf32>
    %swap3A = arith.constant 0 : index
    %swap3A_7 = arith.constant 0 : index
    %swap3A_8 = vector.load %arg1[%swap3A, %swap3A_7] : memref<1x1xf32, #tpu.memory_space<vmem>>, vector<1x1xf32>
    tpu.vector_store %arg1[%swap3A, %swap3A_7], %reshape3A {strides = array<i32>} : memref<1x1xf32, #tpu.memory_space<vmem>>, vector<1x1xf32>,
    return
  }
}

</mosaic_0001>

<sc_bundles>
// kernel: kernel.5.cloned.1.call-start
scs
__scs_entry_jumppad:
0x0: {  	(pc) =	sbr.rel $0x88, $3  }
0x1: {  	(tag) =	ssettag $0x0;
	lr =	simm.s32 $0x1  }
0x2: {  	[smem:$0x3F9E] =	sst lr;
	_ =	strace $0xD0000000  }
0x3: {  	_ = 	snop  }
0x4: {  	_ = 	snop  }
0x5: {  	_ = 	snop  }
0x6: {  	_ = 	snop  }
0x7: {  	_ = 	snop  }
__scs_overlays_trampoline_lowered:
0x8: {  	[smem:$0x3FAD] =	sst s0  }
0x9: {  	[smem:$0x3FAE] =	sst s1  }
0xa: {  	[smem:$0x3FAF] =	sst s2  }
0xb: {  	[smem:$0x3FB0] =	sst s3  }
0xc: {  	[smem:$0x3FB1] =	sst s4  }
0xd: {  	[smem:$0x3FB2] =	sst s5  }
0xe: {  	[smem:$0x3FB3] =	sst s6  }
0xf: {  	[smem:$0x3FB4] =	sst s7  }
0x10: {  	[smem:$0x3FB5] =	sst s8  }
0x11: {  	[smem:$0x3FB6] =	sst s9;
	s0 =	simm.s32 @!p0 $0x0  }
0x12: {  	s1 =	sld [smem:$0x3F9C];
	s0 =	simm.s32 @p0 $0x1  }
0x13: {  	[smem:$0x3FB7] =	sst s0;
	s0 =	simm.s32 @!p1 $0x0  }
0x14: {  	s2 =	sld [smem:$0x3F9B];
	s0 =	simm.s32 @p1 $0x1  }
0x15: {  	[smem:$0x3FB8] =	sst s0;
	s0 =	simm.s32 @!p2 $0x0  }
0x16: {  	s3 =	sld [smem:$0x3FDB];
	s0 =	simm.s32 @p2 $0x1  }
0x17: {  	s4 =	simm.s32 $0x1BF5;
	[smem:$0x3FBA] =	sst s0  }
0x18: {  	s0 =	sld [smem:$0x3F9D];
	_ =	swait.ge [sflag:s4], $0x0  }
0x19: {  	s7 =	sld [smem:$0x3F9E]  }
0x1a: {  	s8 =	sadd.s32 $0xFFFFE003, lr  }
0x1b: {  	s9 =	sadd.s32 $0xFFFFFEF7, lr;
	s5 =	simm.s32 $0xFFFFFFFF;
	p2 =	slt.u32 s8, $0xFFFFF086  }
0x1c: {  	p1 =	slt.u32 s9, $0xF7A;
	s5 =	simm.s32 @!p2 $0x0  }
0x1d: {  	s5 =	simm.s32 @p1 $0x1;
	p0 =	seq.s32 s7, s2  }
0x1e: {  	s7 =	smul.u32 @!p0 $0xF7A, s2;
	p2 =	seq.s32 @!p0 s5, $0x0  }
0x1f: {  	s9 =	smul.u32 $0xF7A, s1;
	s8 =	simm.s32 @!p0 $0x1BF5;
	p2 =	por !p2, p0  }
0x20: {  	[sflag:s8] =	ssyncset.s32 @!p0 $0xFFFFF086;
	s6 =	sadd.s32 @!p0 s3, s7;
	s7 =	simm.s32 @!p0 $0x108  }
0x21: {  	s3 =	sadd.s32 s3, s9;
	s6 =	sadd.s32 @!p0 $0x88, s6;
	s7 =	simm.s32 @p2 $0x1082  }
0x22: {  	[simem:s7], [sflag:s8] =	dma.local @!p0 [hbm:s6], $0xF7A  }
0x23: {  	s9 =	sor.u32 $0xD0000000, s2;
	s6 =	simm.s32 $0x108;
	_ =	swait.ge @!p0 [sflag:s8], $0x0  }
0x24: {  	s3 =	sadd.s32 $0x88, s3;
	s6 =	simm.s32 @!p1 $0x1082;
	[sflag:s4] =	ssyncset.s32 $0xFFFFF086  }
0x25: {  	[simem:s6], [sflag:s4] =	dma.local [hbm:s3], $0xF7A  }
0x26: {  	[smem:$0x3F9E] =	sst s1;
	(tag) =	ssettag s2;
	_ =	strace s9  }
0x27: {  	s1 =	sld [smem:$0x3FAE]  }
0x28: {  	s2 =	sld [smem:$0x3FAF]  }
0x29: {  	s4 =	sld [smem:$0x3FB1]  }
0x2a: {  	p0 =	seq.s32 s5, $0x0;
	s5 =	sld [smem:$0x3FB2]  }
0x2b: {  	s6 =	sld [smem:$0x3FB3]  }
0x2c: {  	s7 =	sld [smem:$0x3FB4]  }
0x2d: {  	s3 =	simm.s32 $0x108;
	s8 =	sld [smem:$0x3FB5]  }
0x2e: {  	s3 =	simm.s32 @!p0 $0x1082;
	s9 =	sld [smem:$0x3FB6]  }
0x2f: {  	lr =	sadd.s32 s0, s3;
	s0 =	sld [smem:$0x3FAD]  }
0x30: {  	s3 =	sld [smem:$0x3FB0]  }
0x31: {  	[smem:$0x3FB9] =	sst s10  }
0x32: {  	s10 =	sld [smem:$0x3FB7];
	_ =	sdelay $0x3  }
0x33: {  	p0 =	seq.s32 s10, $0x1;
	s10 =	sld [smem:$0x3FB9];
	_ =	sdelay $0x3  }
0x34: {  	[smem:$0x3FB9] =	sst s10  }
0x35: {  	s10 =	sld [smem:$0x3FB8];
	_ =	sdelay $0x3  }
0x36: {  	p1 =	seq.s32 s10, $0x1;
	s10 =	sld [smem:$0x3FB9];
	_ =	sdelay $0x3  }
0x37: {  	[smem:$0x3FB9] =	sst s10  }
0x38: {  	s10 =	sld [smem:$0x3FBA]  }
0x39: {  	_ = 	snop;
	(pc) =	sbr.ind lr, $3  }
0x3a: {  	_ = 	snop  }
0x3b: {  	_ = 	snop  }
0x3c: {  	p2 =	seq.s32 s10, $0x1;
	s10 =	sld [smem:$0x3FB9]  }
0x3d: {  	_ =	shalt  }
0x3e: {  	_ =	shalt  }
0x3f: {  	_ =	shalt  }
0x40: {  	_ =	shalt  }
0x41: {  	_ =	shalt  }
0x42: {  	_ =	shalt  }
0x43: {  	_ =	shalt  }
0x44: {  	_ =	shalt  }
0x45: {  	_ =	shalt  }
0x46: {  	_ =	shalt  }
0x47: {  	_ =	shalt  }
0x48: {  	_ =	shalt  }
0x49: {  	_ =	shalt  }
0x4a: {  	_ =	shalt  }
0x4b: {  	_ =	shalt  }
0x4c: {  	_ =	shalt  }
0x4d: {  	_ =	shalt  }
0x4e: {  	_ =	shalt  }
0x4f: {  	_ =	shalt  }
0x50: {  	_ =	shalt  }
0x51: {  	_ =	shalt  }
0x52: {  	_ =	shalt  }
0x53: {  	_ =	shalt  }
0x54: {  	_ =	shalt  }
0x55: {  	_ =	shalt  }
0x56: {  	_ =	shalt  }
0x57: {  	_ =	shalt  }
0x58: {  	_ =	shalt  }
0x59: {  	_ =	shalt  }
0x5a: {  	_ =	shalt  }
0x5b: {  	_ =	shalt  }
0x5c: {  	_ =	shalt  }
0x5d: {  	_ =	shalt  }
0x5e: {  	_ =	shalt  }
0x5f: {  	_ =	shalt  }
0x60: {  	_ =	shalt  }
0x61: {  	_ =	shalt  }
0x62: {  	_ =	shalt  }
0x63: {  	_ =	shalt  }
0x64: {  	_ =	shalt  }
0x65: {  	_ =	shalt  }
0x66: {  	_ =	shalt  }
0x67: {  	_ =	shalt  }
0x68: {  	_ =	shalt  }
0x69: {  	_ =	shalt  }
0x6a: {  	_ =	shalt  }
0x6b: {  	_ =	shalt  }
0x6c: {  	_ =	shalt  }
0x6d: {  	_ =	shalt  }
0x6e: {  	_ =	shalt  }
0x6f: {  	_ =	shalt  }
0x70: {  	_ =	shalt  }
0x71: {  	_ =	shalt  }
0x72: {  	_ =	shalt  }
0x73: {  	_ =	shalt  }
0x74: {  	_ =	shalt  }
0x75: {  	_ =	shalt  }
0x76: {  	_ =	shalt  }
0x77: {  	_ =	shalt  }
0x78: {  	_ =	shalt  }
0x79: {  	_ =	shalt  }
0x7a: {  	_ =	shalt  }
0x7b: {  	_ =	shalt  }
0x7c: {  	_ =	shalt  }
0x7d: {  	_ =	shalt  }
0x7e: {  	_ =	shalt  }
0x7f: {  	_ =	shalt  }
0x80: {  	_ =	shalt  }
0x81: {  	_ =	shalt  }
0x82: {  	_ =	shalt  }
0x83: {  	_ =	shalt  }
0x84: {  	_ =	shalt  }
0x85: {  	_ =	shalt  }
0x86: {  	_ =	shalt  }
0x87: {  	_ =	shalt  }
.Lfunc_end0:
.L_simem_size_0:
called_computation.1_lowered:
.L_overlay_start_0:
0x88: {  	s2 =	sld [smem:$0x3FD9]  }
0x89: {  	s3 =	sld [smem:$0x3FFE];
	_ =	sdelay $0x1  }
0x8a: {  	s1 =	srdreg.scid  }
0x8b: {  	s0 =	sand.u32 $0x1, s1  }
0x8c: {  	s14 =	sshll.u32 s0, $0xA;
	s2 =	sadd.s32 s3, s2  }
0x8d: {  	s2 =	sadd.s32 s2, s14  }
0x8e: {  	[smem:$0x3FC5] =	sst s2  }
0x8f: {  	_ = 	snop  }
0x90: {  	s2 =	sld [smem:$0x3FD0];
	_ =	sdelay $0x2  }
0x91: {  	s15 =	simm.s32 $0xA;
	s4 =	simm.s32 $0x10  }
0x92: {  	[smem:s4], [sflag:s15] =	dma.local [hbm:s2], $0x1  }
0x93: {  	_ =	swait.eq [sflag:s15], $0x1  }
0x94: {  	[sflag:s15] =	ssyncset.done $0x0  }
0x95: {  	[sflag:s15] =	ssyncadd.s32 $0xFFFFFFFF  }
0x96: {  	s16 =	sld [smem:$0x10];
	(tm) =	ssettm $0x1  }
0x97: {  	s17 =	sld [smem:$0x3FFB];
	_ =	sdelay $0x3  }
0x98: {  	_ =	strace s17  }
0x99: {  	s3 =	sld [smem:$0x3FFC];
	_ =	sdelay $0x3  }
0x9a: {  	_ =	strace s3  }
0x9b: {  	s3 =	sld [smem:$0x3FFD];
	_ =	sdelay $0x3  }
0x9c: {  	_ =	strace s3  }
0x9d: {  	_ =	strace $0x8FFFFFFF  }
0x9e: {  	s18 =	sld [smem:$0x3FDB];
	_ =	sdelay $0x1  }
0x9f: {  	s19 =	simm.s32 $_scs_section_size  }
0xa0: {  	s5 =	simm.s32 $_size__tile_overlayer_lowered;
	s6 =	simm.s32 $_tile_overlayer_lowered  }
0xa1: {  	s22 =	simm.s32 $0x1BFF;
	s21 =	sshll.u32 s6, $0x1;
	s3 =	sadd.s32 s19, s18  }
0xa2: {  	s7 =	simm.s32 $0x0;
	s20 =	sshll.u32 s5, $0x1;
	s5 =	sadd.s32 s21, s3  }
0xa3: {  	[timem:s7], [sflag:s22] =	dma.local [hbm:s5], s20  }
0xa4: {  	_ =	swait.ge [sflag:s22], s20  }
0xa5: {  	s4 =	ssub.s32 $0x0, s20;
	[sflag:s22] =	ssyncset.done $0x0  }
0xa6: {  	[sflag:s22] =	ssyncadd.s32 s4;
	_ =	sdelay $0x1  }
0xa7: {  	s23 =	simm.s32 $0x1B8B  }
0xa8: {  	_ =	swait.ge [sflag:s23], $0x1  }
0xa9: {  	[sflag:s23] =	ssyncset.done $0x0  }
0xaa: {  	s25 =	simm.s32 $0x1B8E;
	s24 =	sld [smem:$0x3FFE];
	[sflag:s23] =	ssyncadd.s32 $0xFFFFFFFF  }
0xab: {  	s26 =	simm.s32 $execute0_lowered;
	[smem:$0x3FD2] =	sst s25  }
0xac: {  	s5 =	sshll.u32 s26, $0x1;
	_ =	strace $0x80000046;
	[dreg:$0x1] =	wrdreg $0xFFFFFFFF  }
0xad: {  	s28 =	simm.s32 $_size_execute0_lowered;
	s3 =	sadd.s32 s3, s5;
	[dreg:$0x0] =	wrdreg $0x0  }
0xae: {  	s5 =	sshll.u32 s28, $0x1;
	[dreg:$0x2] =	wrdreg s3  }
0xaf: {  	[dreg:$0x3] =	wrdreg s5  }
0xb0: {  	[dreg:$0x4] =	wrdreg $0xC0  }
0xb1: {  	_ =	task [dreg:s7], $0x5FFFF  }
0xb2: {  	[dreg:$0x1] =	wrdreg $0xFFFFFFFF  }
0xb3: {  	[dreg:$0x0] =	wrdreg $0x60  }
0xb4: {  	[dreg:$0x2] =	wrdreg s24  }
0xb5: {  	[dreg:$0x3] =	wrdreg s16  }
0xb6: {  	[dreg:$0x4] =	wrdreg $0x9  }
0xb7: {  	_ =	task.clear_ibuf [dreg:s7], $0x5FFFF;
	_ =	strace $0x90000046  }
0xb8: {  	s29 =	simm.s32 $0x9;
	_ =	strace $0x80000048  }
0xb9: {  	_ =	swait.ge [sflag:s29], $0x1  }
0xba: {  	[sflag:s29] =	ssyncadd.s32 $0xFFFFFFFF  }
0xbb: {  	_ =	strace $0x90000048  }
0xbc: {  	_ =	sfence  }
0xbd: {  	s30 =	sld [smem:$0x0];
	_ =	sdelay $0x2  }
0xbe: {  	s31 =	sshll.u32 s1, $0xD;
	s1 =	sshrl.u32 s1, $0x2  }
0xbf: {  	s3 =	sand.u32 $0x4000, s31;
	s1 =	sadd.s32 s1, s30  }
0xc0: {  	s0 =	sor.u32 s3, s0;
	s1 =	sshll.u32 s1, $0x11  }
0xc1: {  	s0 =	sor.u32 s1, s0  }
0xc2: {  	s0 =	sadd.s32 $0x8F2B, s0  }
0xc3: {  	[sflag:s0] =	ssyncadd.remote.s32 $0x1  }
0xc4: {  	_ =	sfence.sel $0xFFFF  }
0xc5: {  	[dreg:$0x0] =	wrdreg $0xFFFFFFFF;
	(pc) =	sbr.abs _section_cstart, $3  }
0xc6: {  	[dreg:$0x1] =	wrdreg $0xFFFFFFFF  }
0xc7: {  	_ =	task.clear_ibuf [dreg:s7], $0x2FFFF;
	_ =	strace $0x9FFFFFFF  }
0xc8: {  	(tm) =	ssettm $0x7FFFFFFF  }
0xc9: {  	_ =	shalt  }
tec
execute0_lowered:
.L_overlay_start_1:
0x0: {  	(tag) =	ssettag $0x1  }
0x1: {  	s0 =	srdreg.scid;
	s4 =	rddreg [dreg:$0x0]  }
0x2: {  	s2 =	simm.s32 $0x0;
	s1 =	sand.u32 $0x1, s0;
	s0 =	rddreg [dreg:$0x1]  }
0x3: {  	s25 =	simm.s32 $0x1800;
	[smem:$0x7FF] =	sst s2  }
0x4: {  	s26 =	simm.s32 $0x3800;
	_ =	strace $0x80000047;
	[dreg:$0x4] =	wrdreg s25  }
0x5: {  	s8 =	simm.s32 $0x2000;
	[dreg:$0x5] =	wrdreg s26  }
0x6: {  	s9 =	simm.s32 $0x4000;
	[dreg:$0x6] =	wrdreg s8  }
0x7: {  	s10 =	simm.s32 $0x2800;
	[dreg:$0x7] =	wrdreg s9  }
0x8: {  	s12 =	simm.s32 $0x4800;
	[dreg:$0x8] =	wrdreg s10  }
0x9: {  	s13 =	simm.s32 $0x3000;
	[dreg:$0x9] =	wrdreg s12  }
0xa: {  	s15 =	simm.s32 $0x5000;
	[dreg:$0xa] =	wrdreg s13  }
0xb: {  	s11 =	stileid.u32;
	s16 =	simm.s32 $0x5800;
	[dreg:$0xb] =	wrdreg s15  }
0xc: {  	s17 =	simm.s32 $0x7800;
	s19 =	simm.s32 $0x6000;
	[dreg:$0xc] =	wrdreg s16  }
0xd: {  	s20 =	simm.s32 $0x8000;
	s21 =	simm.s32 $0x6800;
	[dreg:$0xd] =	wrdreg s17  }
0xe: {  	s22 =	simm.s32 $0x8800;
	s23 =	simm.s32 $0x7000;
	[dreg:$0xe] =	wrdreg s19  }
0xf: {  	s29 =	simm.s32 $0x5;
	s31 =	simm.s32 $0x6;
	[dreg:$0xf] =	wrdreg s20  }
0x10: {  	s28 =	simm.s32 $0xFC00;
	s30 =	simm.s32 $0x10C00;
	[dreg:$0x10] =	wrdreg s21  }
0x11: {  	s3 =	smul.u32 $0x64000, s11;
	s6 =	sshll.u32 s11, $0x1;
	[dreg:$0x11] =	wrdreg s22  }
0x12: {  	s5 =	smul.u32 $0x32000, s1;
	s8 =	sadd.s32 $0x24400, s4;
	[dreg:$0x12] =	wrdreg s23  }
0x13: {  	s6 =	sor.u32 s1, s6;
	s25 =	simm.s32 $0x9000;
	[smem:$0x7F4] =	sst s8  }
0x14: {  	s14 =	ssub.s32 $0x2, s1;
	s12 =	simm.s32 $0xA000;
	[dreg:$0x13] =	wrdreg s25  }
0x15: {  	s1 =	smul.u32 $0x6400, s1;
	s13 =	simm.s32 $0xC000;
	[dreg:$0x16] =	wrdreg s12  }
0x16: {  	s15 =	simm.s32 $0xC800;
	s16 =	simm.s32 $0xB000;
	[dreg:$0x17] =	wrdreg s13  }
0x17: {  	s17 =	simm.s32 $0xD000;
	s19 =	simm.s32 $0xF800;
	[dreg:$0x19] =	wrdreg s15  }
0x18: {  	s20 =	simm.s32 $0xE000;
	s21 =	simm.s32 $0x10000;
	[dreg:$0x1a] =	wrdreg s16  }
0x19: {  	s22 =	simm.s32 $0xE800;
	s23 =	simm.s32 $0x10800;
	[dreg:$0x1b] =	wrdreg s17  }
0x1a: {  	s3 =	sadd.s32 s3, s4;
	s7 =	sshll.u32 s6, $0x8;
	[dreg:$0x1d] =	wrdreg s19  }
0x1b: {  	s6 =	sshll.u32 s6, $0x4;
	s9 =	sshrl.u32 s14, $0x1;
	[dreg:$0x1e] =	wrdreg s20  }
0x1c: {  	s8 =	sadd.s32 $0x5200, s4;
	s15 =	simm.s32 $0x1000;
	[dreg:$0x1f] =	wrdreg s21  }
0x1d: {  	s12 =	simm.s32 $0x1C00;
	s16 =	simm.s32 $0x3400;
	[smem:$0x7FA] =	sst s22  }
0x1e: {  	[smem:$0x7FB] =	sst s23;
	s25 =	simm.s32 $0xF000;
	s13 =	simm.s32 $0x9400  }
0x1f: {  	v0 =	vimm.s32 $0x2380;
	vm0 =	vcmask $0x300;
	s20 =	simm.s32 $0xB400;
	s21 =	simm.s32 $0xBC00;
	s22 =	simm.s32 $0xC400  }
0x20: {  	v0 =	vsel vm0, $0x0, v0;
	vm0 =	vcmask $0x704;
	s23 =	simm.s32 $0xCC00;
	s5 =	sadd.s32 s5, s3;
	s3 =	sadd.s32 $0x5000, s4  }
0x21: {  	v0 =	vsel vm0, $0x80, v0;
	vm0 =	vcmask $0xB08;
	s10 =	ssub.s32 s14, s9;
	s14 =	simm.s32 $0xA800;
	[smem:$0x7FC] =	sst s25  }
0x22: {  	v0 =	vsel vm0, $0x100, v0;
	vm0 =	vcmask $0xF0C;
	s7 =	sadd.s32 s7, s4;
	s5 =	sadd.s32 $0x24600, s5;
	[dreg:$0x18] =	wrdreg s14  }
0x23: {  	s6 =	sadd.s32 s6, s4;
	v0 =	vsel vm0, $0x180, v0;
	vm0 =	vcmask $0x1310;
	s18 =	sadd.s32 $0x1000, s7;
	[dreg:$0x3] =	wrdreg s5  }
0x24: {  	s9 =	sadd.s32 $0x5300, s4;
	s7 =	sadd.s32 $0x3000, s7;
	v0 =	vsel vm0, $0x200, v0;
	vm0 =	vcmask $0x1714;
	[smem:$0x7F5] =	sst s18  }
0x25: {  	s25 =	simm.s32 $0xDC00;
	s24 =	sadd.s32 $0x664600, s6;
	[smem:$0x7F6] =	sst s7;
	v0 =	vsel vm0, $0x280, v0;
	vm0 =	vcmask $0x1B18  }
0x26: {  	s26 =	smax.u32 s10, $0x1;
	s6 =	simm.s32 $0x9800;
	[smem:$0x7F7] =	sst s24;
	v0 =	vsel vm0, $0x300, v0;
	vm0 =	vcmask $0x1F1C  }
0x27: {  	s10 =	smul.u32 $0xC800, s11;
	s11 =	simm.s32 $0xB800;
	[smem:$0x7F8] =	sst s26;
	v0 =	vsel vm0, $0x380, v0;
	vm0 =	vcmask $0x2320  }
0x28: {  	s14 =	simm.s32 $0x2;
	s7 =	sadd.s32 $0x5100, s4;
	[dreg:$0x14] =	wrdreg s6;
	v0 =	vsel vm0, $0x2000, v0;
	vm0 =	vcmask $0x2724  }
0x29: {  	v2 =	vlaneseq.u32;
	[dreg:$0x15] =	wrdreg s11;
	s4 =	simm.s32 $0x9;
	s18 =	simm.s32 $0xD800;
	v1 =	vsel vm0, $0x2080, v0;
	vm0 =	vcmask $0x2B28  }
0x2a: {  	vm1 =	vcmask $0x3734;
	s6 =	simm.s32 $0x1400;
	s11 =	simm.s32 $0x2C00;
	s24 =	simm.s32 $0x3C00;
	v1 =	vsel vm0, $0x2100, v1;
	vm0 =	vcmask $0x2F2C  }
0x2b: {  	v3 =	vshrl.u32 v2, $0x3;
	s26 =	simm.s32 $0x11000;
	s5 =	simm.s32 $0x0;
	s0 =	sadd.s32 s10, s0;
	v4 =	vsel vm0, $0x2180, v1;
	vm0 =	vcmask $0x3330  }
0x2c: {  	[dreg:$0x1c] =	wrdreg s18;
	s10 =	simm.s32 $0x2400;
	s0 =	sadd.s32 s1, s0;
	v0 =	vand.u32 $0x7, v2;
	v1 =	vmul.u32 $0x8, v3;
	v3 =	vsel vm0, $0x2200, v4  }
0x2d: {  	[smem:$0x7FD] =	sst s26;
	s26 =	simm.s32 $0x9C00;
	s0 =	sadd.s32 $0x300, s0;
	v2 =	vor.u32 $0x8, v2;
	v3 =	vsel vm1, $0x2280, v3;
	vm1 =	vcmask $0x3B38  }
0x2e: {  	s18 =	simm.s32 $0xF400;
	[smem:$0x7F9] =	sst s0;
	s0 =	simm.s32 $0x1;
	vm0 =	vmmov $0xffff;
	v4 =	vimm.f32 $0.0e+00;
	v3 =	vsel vm1, $0x2300, v3  }
.LBB2_1:
0x2f: {  	s1 =	sld [smem:$0x7F5];
	_ =	sdelay $0x1  }
0x30: {  	[smem:$0x7F3] =	sst s5  }
0x31: {  	[tilespmem:s2], [sflag:$0x9] =	stream.linear.gather [hbm4b:s1+s2], $0x800, $0x38;
	[tilespmem:$0x11480] =	vst v63  }
0x32: {  	_ =	swait.ge [sflag:s4], $0x800  }
0x33: {  	s5 =	sld [smem:$0x7F6]  }
0x34: {  	[sflag:s4] =	ssyncset.done $0x0  }
0x35: {  	s17 =	simm.s32 $0x800;
	[sflag:s4] =	ssyncadd.s32 $0xFFFFF800  }
0x36: {  	[tilespmem:s17], [sflag:$0x9] =	stream.linear.gather [hbm4b:s5+s2], $0x800, $0x38;
	[tilespmem:$0x11480] =	vst v63  }
0x37: {  	_ =	swait.ge [sflag:s4], $0x800  }
0x38: {  	s19 =	sld [smem:$0x7F4]  }
0x39: {  	[sflag:s4] =	ssyncset.done $0x0  }
0x3a: {  	[sflag:s4] =	ssyncadd.s32 $0xFFFFF800  }
0x3b: {  	[tilespmem:s15], [sflag:$0x9] =	stream.linear.gather [hbm4b:s19+s2], $0x400, $0x38;
	[tilespmem:$0x11480] =	vst v63  }
0x3c: {  	_ =	swait.ge [sflag:s4], $0x400  }
0x3d: {  	[sflag:s4] =	ssyncset.done $0x0  }
0x3e: {  	[sflag:s4] =	ssyncadd.s32 $0xFFFFFC00  }
0x3f: {  	v5 =	vld [tilespmem:$0x0];
	_ =	sdelay $0x4  }
0x40: {  	v6 =	vshll.u32 v5, $0x3  }
0x41: {  	v5 =	vand.u32 $0x7, v5;
	v6 =	vand.u32 $0xFFFFFFC0, v6  }
0x42: {  	v5 =	vor.u32 v5, v6  }
0x43: {  	v6 =	vperm.xlane v5, v0;
	_ =	sdelay $0x1  }
0x44: {  	v6 =	vadd.s32 v1, v6;
	_ =	sdelay $0x4  }
0x45: {  	[tilespmem:s6], [sflag:$0x1] =	stream.indirect_vreg.gather [hbm4b:s3+s2], $0x80, v6, vm0, $0xb8;
	[tilespmem:$0x11480] =	vst v63  }
0x46: {  	v5 =	vperm.xlane v5, v2  }
0x47: {  	[tilespmem:s12], [sflag:$0x1] =	stream.indirect_vreg.gather [hbm4b:s7+s2], $0x80, v6, vm0, $0xb8;
	[tilespmem:$0x11480] =	vst v63  }
0x48: {  	v5 =	vadd.s32 v1, v5  }
0x49: {  	[tilespmem:s10], [sflag:$0x1] =	stream.indirect_vreg.gather [hbm4b:s8+s2], $0x80, v6, vm0, $0xb8;
	[tilespmem:$0x11480] =	vst v63  }
0x4a: {  	_ = 	snop  }
0x4b: {  	[tilespmem:s11], [sflag:$0x1] =	stream.indirect_vreg.gather [hbm4b:s9+s2], $0x80, v6, vm0, $0xb8;
	[tilespmem:$0x11480] =	vst v63  }
0x4c: {  	_ = 	snop  }
0x4d: {  	[tilespmem:s16], [sflag:$0x1] =	stream.indirect_vreg.gather [hbm4b:s3+s2], $0x80, v5, vm0, $0xb8;
	[tilespmem:$0x11480] =	vst v63  }
0x4e: {  	_ = 	snop  }
0x4f: {  	[tilespmem:s24], [sflag:$0x1] =	stream.indirect_vreg.gather [hbm4b:s7+s2], $0x80, v5, vm0, $0xb8;
	[tilespmem:$0x11480] =	vst v63  }
0x50: {  	s24 =	simm.s32 $0x4400  }
0x51: {  	[tilespmem:s24], [sflag:$0x1] =	stream.indirect_vreg.gather [hbm4b:s8+s2], $0x80, v5, vm0, $0xb8;
	[tilespmem:$0x11480] =	vst v63  }
0x52: {  	s4 =	simm.s32 $0x4C00  }
0x53: {  	[tilespmem:s4], [sflag:$0x1] =	stream.indirect_vreg.gather [hbm4b:s9+s2], $0x80, v5, vm0, $0xb8;
	[tilespmem:$0x11480] =	vst v63  }
0x54: {  	v5 =	vld [tilespmem:$0x10];
	_ =	sdelay $0x4  }
0x55: {  	v6 =	vshll.u32 v5, $0x3  }
0x56: {  	v5 =	vand.u32 $0x7, v5;
	v6 =	vand.u32 $0xFFFFFFC0, v6  }
0x57: {  	v5 =	vor.u32 v5, v6  }
0x58: {  	v6 =	vperm.xlane v5, v0;
	_ =	sdelay $0x1  }
0x59: {  	v6 =	vadd.s32 v1, v6;
	_ =	sdelay $0x3  }
0x5a: {  	s5 =	simm.s32 $0x5400  }
0x5b: {  	[tilespmem:s5], [sflag:$0x2] =	stream.indirect_vreg.gather [hbm4b:s3+s2], $0x80, v6, vm0, $0xb8;
	[tilespmem:$0x11480] =	vst v63  }
0x5c: {  	s10 =	simm.s32 $0x5C00;
	v5 =	vperm.xlane v5, v2  }
0x5d: {  	[tilespmem:s10], [sflag:$0x2] =	stream.indirect_vreg.gather [hbm4b:s7+s2], $0x80, v6, vm0, $0xb8;
	[tilespmem:$0x11480] =	vst v63  }
0x5e: {  	s11 =	simm.s32 $0x6400;
	v5 =	vadd.s32 v1, v5  }
0x5f: {  	[tilespmem:s11], [sflag:$0x2] =	stream.indirect_vreg.gather [hbm4b:s8+s2], $0x80, v6, vm0, $0xb8;
	[tilespmem:$0x11480] =	vst v63  }
0x60: {  	s15 =	simm.s32 $0x6C00  }
0x61: {  	[tilespmem:s15], [sflag:$0x2] =	stream.indirect_vreg.gather [hbm4b:s9+s2], $0x80, v6, vm0, $0xb8;
	[tilespmem:$0x11480] =	vst v63  }
0x62: {  	s16 =	simm.s32 $0x7400  }
0x63: {  	[tilespmem:s16], [sflag:$0x2] =	stream.indirect_vreg.gather [hbm4b:s3+s2], $0x80, v5, vm0, $0xb8;
	[tilespmem:$0x11480] =	vst v63  }
0x64: {  	s17 =	simm.s32 $0x7C00  }
0x65: {  	[tilespmem:s17], [sflag:$0x2] =	stream.indirect_vreg.gather [hbm4b:s7+s2], $0x80, v5, vm0, $0xb8;
	[tilespmem:$0x11480] =	vst v63  }
0x66: {  	s19 =	simm.s32 $0x8400  }
0x67: {  	[tilespmem:s19], [sflag:$0x2] =	stream.indirect_vreg.gather [hbm4b:s8+s2], $0x80, v5, vm0, $0xb8;
	[tilespmem:$0x11480] =	vst v63  }
0x68: {  	s1 =	simm.s32 $0x30;
	s24 =	simm.s32 $0x8C00  }
0x69: {  	[tilespmem:s24], [sflag:$0x2] =	stream.indirect_vreg.gather [hbm4b:s9+s2], $0x80, v5, vm0, $0xb8;
	[tilespmem:$0x11480] =	vst v63  }
0x6a: {  	s4 =	simm.s32 $0x0;
	s16 =	simm.s32 $0x820;
	s24 =	sld [smem:$0x7F9];
	v5 =	vimm.f32 $0.0e+00  }
.LBB2_2:
0x6b: {  	_ =	swait.ge [sflag:s0], $0x4000  }
0x6c: {  	p0 =	seq.s32 s4, $0x0;
	[sflag:s0] =	ssyncset.done $0x0  }
0x6d: {  	s5 =	simm.s32 @!p0 $0x7;
	[sflag:s0] =	ssyncadd.s32 $0xFFFFC000  }
0x6e: {  	_ =	swait.ge @!p0 [sflag:s5], $0x800  }
0x6f: {  	[sflag:s5] =	ssyncset.done @!p0 $0x0  }
0x70: {  	[sflag:s5] =	ssyncadd.s32 @!p0 $0xFFFFF800  }
0x71: {  	_ =	swait.ge @!p0 [sflag:s5], $0x800  }
0x72: {  	[sflag:s5] =	ssyncset.done @!p0 $0x0  }
0x73: {  	[sflag:s5] =	ssyncadd.s32 @!p0 $0xFFFFF800  }
0x74: {  	_ =	swait.ge @!p0 [sflag:s5], $0x800  }
0x75: {  	[sflag:s5] =	ssyncset.done @!p0 $0x0  }
0x76: {  	[sflag:s5] =	ssyncadd.s32 @!p0 $0xFFFFF800  }
0x77: {  	_ =	swait.ge @!p0 [sflag:s5], $0x800  }
0x78: {  	[sflag:s5] =	ssyncset.done @!p0 $0x0  }
0x79: {  	[sflag:s5] =	ssyncadd.s32 @!p0 $0xFFFFF800  }
0x7a: {  	_ =	swait.ge @!p0 [sflag:s5], $0x800  }
0x7b: {  	[sflag:s5] =	ssyncset.done @!p0 $0x0  }
0x7c: {  	[sflag:s5] =	ssyncadd.s32 @!p0 $0xFFFFF800  }
0x7d: {  	_ =	swait.ge @!p0 [sflag:s5], $0x800  }
0x7e: {  	[sflag:s5] =	ssyncset.done @!p0 $0x0  }
0x7f: {  	[sflag:s5] =	ssyncadd.s32 @!p0 $0xFFFFF800  }
0x80: {  	_ =	swait.ge @!p0 [sflag:s5], $0x800  }
0x81: {  	[sflag:s5] =	ssyncset.done @!p0 $0x0  }
0x82: {  	[sflag:s5] =	ssyncadd.s32 @!p0 $0xFFFFF800  }
0x83: {  	_ =	swait.ge @!p0 [sflag:s5], $0x800  }
0x84: {  	[sflag:s5] =	ssyncset.done @!p0 $0x0  }
0x85: {  	[sflag:s5] =	ssyncadd.s32 @!p0 $0xFFFFF800  }
0x86: {  	v6 =	vld [tilespmem:s1+$0xFFFFFFF0];
	_ =	sdelay $0x4  }
0x87: {  	v7 =	vshll.u32 v6, $0x3  }
0x88: {  	v6 =	vand.u32 $0x7, v6;
	v7 =	vand.u32 $0xFFFFFFC0, v7  }
0x89: {  	v6 =	vor.u32 v6, v7  }
0x8a: {  	v7 =	vperm.xlane v6, v0;
	_ =	sdelay $0x1  }
0x8b: {  	v7 =	vadd.s32 v1, v7;
	_ =	sdelay $0x4  }
0x8c: {  	[tilespmem:s13], [sflag:$0x3] =	stream.indirect_vreg.gather [hbm4b:s3+s2], $0x80, v7, vm0, $0xb8;
	[tilespmem:$0x11480] =	vst v63  }
0x8d: {  	v6 =	vperm.xlane v6, v2  }
0x8e: {  	[tilespmem:s26], [sflag:$0x3] =	stream.indirect_vreg.gather [hbm4b:s7+s2], $0x80, v7, vm0, $0xb8;
	[tilespmem:$0x11480] =	vst v63  }
0x8f: {  	v6 =	vadd.s32 v1, v6;
	s13 =	simm.s32 $0xA400  }
0x90: {  	[tilespmem:s13], [sflag:$0x3] =	stream.indirect_vreg.gather [hbm4b:s8+s2], $0x80, v7, vm0, $0xb8;
	[tilespmem:$0x11480] =	vst v63  }
0x91: {  	s19 =	simm.s32 $0xAC00  }
0x92: {  	[tilespmem:s19], [sflag:$0x3] =	stream.indirect_vreg.gather [hbm4b:s9+s2], $0x80, v7, vm0, $0xb8;
	[tilespmem:$0x11480] =	vst v63  }
0x93: {  	_ = 	snop  }
0x94: {  	[tilespmem:s20], [sflag:$0x3] =	stream.indirect_vreg.gather [hbm4b:s3+s2], $0x80, v6, vm0, $0xb8;
	[tilespmem:$0x11480] =	vst v63  }
0x95: {  	_ = 	snop  }
0x96: {  	[tilespmem:s21], [sflag:$0x3] =	stream.indirect_vreg.gather [hbm4b:s7+s2], $0x80, v6, vm0, $0xb8;
	[tilespmem:$0x11480] =	vst v63  }
0x97: {  	_ = 	snop  }
0x98: {  	[tilespmem:s22], [sflag:$0x3] =	stream.indirect_vreg.gather [hbm4b:s8+s2], $0x80, v6, vm0, $0xb8;
	[tilespmem:$0x11480] =	vst v63  }
0x99: {  	_ = 	snop  }
0x9a: {  	[tilespmem:s23], [sflag:$0x3] =	stream.indirect_vreg.gather [hbm4b:s9+s2], $0x80, v6, vm0, $0xb8;
	[tilespmem:$0x11480] =	vst v63  }
0x9b: {  	v6 =	vld [tilespmem:s16+$0xFFFFFFE0];
	_ =	sdelay $0x3  }
0x9c: {  	v8 =	vld [tilespmem:s1+$0xFFFFFFD0]  }
0x9d: {  	v7 =	vshll.u32 v6, $0x3  }
0x9e: {  	v6 =	vand.u32 $0x7F, v6;
	v7 =	vand.u32 $0xFFFFFC00, v7  }
0x9f: {  	v6 =	vor.u32 v6, v7  }
0xa0: {  	v6 =	vadd.s32 v3, v6;
	_ =	sdelay $0x2  }
0xa1: {  	s15 =	simm.s32 $0x1000;
	s11 =	rddreg [dreg:$0x3]  }
0xa2: {  	s5 =	sadd.s32 s4, s11;
	v7 =	vld.idx.msk [tilespmem:v8+s15+$0x0], $0xffff  }
0xa3: {  	v6 =	vld.idx.msk [tilespmem:v6+s6+$0x0], $0xffff;
	[hbm4b:s5+s2] =	stream.linear.scatter [tilespmem:s6], [sflag:$0x5], $0x400, $0x38  }
0xa4: {  	s11 =	simm.s32 $0x3400;
	s6 =	sadd.s32 $0x400, s5  }
0xa5: {  	[hbm4b:s6+s2] =	stream.linear.scatter [tilespmem:s11], [sflag:$0x5], $0x400, $0x38;
	[tilespmem:$0x11480] =	vst v63  }
0xa6: {  	s10 =	rddreg [dreg:$0x4];
	s6 =	sadd.s32 $0x80, s5  }
0xa7: {  	[hbm4b:s6+s2] =	stream.linear.scatter [tilespmem:s10], [sflag:$0x5], $0x400, $0x38;
	[tilespmem:$0x11480] =	vst v63  }
0xa8: {  	s11 =	rddreg [dreg:$0x5];
	s10 =	sadd.s32 $0x480, s5  }
0xa9: {  	[hbm4b:s10+s2] =	stream.linear.scatter [tilespmem:s11], [sflag:$0x5], $0x400, $0x38;
	[tilespmem:$0x11480] =	vst v63  }
0xaa: {  	s10 =	sadd.s32 $0x100, s5  }
0xab: {  	[hbm4b:s10+s2] =	stream.linear.scatter [tilespmem:s12], [sflag:$0x5], $0x400, $0x38;
	[tilespmem:$0x11480] =	vst v63  }
0xac: {  	s11 =	sadd.s32 $0x500, s5;
	s12 =	simm.s32 $0x3C00  }
0xad: {  	[hbm4b:s11+s2] =	stream.linear.scatter [tilespmem:s12], [sflag:$0x5], $0x400, $0x38;
	[tilespmem:$0x11480] =	vst v63  }
0xae: {  	s10 =	rddreg [dreg:$0x6];
	s11 =	sadd.s32 $0x180, s5  }
0xaf: {  	[hbm4b:s11+s2] =	stream.linear.scatter [tilespmem:s10], [sflag:$0x5], $0x400, $0x38;
	[tilespmem:$0x11480] =	vst v63  }
0xb0: {  	s12 =	rddreg [dreg:$0x7];
	s10 =	sadd.s32 $0x580, s5  }
0xb1: {  	[hbm4b:s10+s2] =	stream.linear.scatter [tilespmem:s12], [sflag:$0x5], $0x400, $0x38;
	[tilespmem:$0x11480] =	vst v63  }
0xb2: {  	s11 =	sadd.s32 $0x200, s5;
	s12 =	simm.s32 $0x2400  }
0xb3: {  	[hbm4b:s11+s2] =	stream.linear.scatter [tilespmem:s12], [sflag:$0x5], $0x400, $0x38;
	[tilespmem:$0x11480] =	vst v63  }
0xb4: {  	s11 =	sadd.s32 $0x600, s5;
	s12 =	simm.s32 $0x4400  }
0xb5: {  	[hbm4b:s11+s2] =	stream.linear.scatter [tilespmem:s12], [sflag:$0x5], $0x400, $0x38;
	[tilespmem:$0x11480] =	vst v63  }
0xb6: {  	s10 =	rddreg [dreg:$0x8];
	s11 =	sadd.s32 $0x280, s5  }
0xb7: {  	[hbm4b:s11+s2] =	stream.linear.scatter [tilespmem:s10], [sflag:$0x5], $0x400, $0x38;
	[tilespmem:$0x11480] =	vst v63  }
0xb8: {  	s12 =	rddreg [dreg:$0x9];
	s10 =	sadd.s32 $0x680, s5  }
0xb9: {  	[hbm4b:s10+s2] =	stream.linear.scatter [tilespmem:s12], [sflag:$0x5], $0x400, $0x38;
	[tilespmem:$0x11480] =	vst v63  }
0xba: {  	s11 =	sadd.s32 $0x300, s5;
	s12 =	simm.s32 $0x2C00  }
0xbb: {  	[hbm4b:s11+s2] =	stream.linear.scatter [tilespmem:s12], [sflag:$0x5], $0x400, $0x38;
	[tilespmem:$0x11480] =	vst v63  }
0xbc: {  	s11 =	sadd.s32 $0x700, s5;
	s12 =	simm.s32 $0x4C00  }
0xbd: {  	[hbm4b:s11+s2] =	stream.linear.scatter [tilespmem:s12], [sflag:$0x5], $0x400, $0x38;
	[tilespmem:$0x11480] =	vst v63  }
0xbe: {  	s10 =	rddreg [dreg:$0xa];
	s12 =	sadd.s32 $0xFFFFFD00, s24  }
0xbf: {  	[hbm4b:s12+s2] =	stream.linear.scatter [tilespmem:s10], [sflag:$0x5], $0x400, $0x38;
	[tilespmem:$0x11480] =	vst v63  }
0xc0: {  	s11 =	rddreg [dreg:$0xb];
	s12 =	sadd.s32 $0xFFFFFD80, s24  }
0xc1: {  	[hbm4b:s12+s2] =	stream.linear.scatter [tilespmem:s11], [sflag:$0x5], $0x400, $0x38;
	[tilespmem:$0x11480] =	vst v63  }
0xc2: {  	_ =	swait.ge [sflag:s14], $0x4000  }
0xc3: {  	[sflag:s14] =	ssyncset.done $0x0  }
0xc4: {  	s6 =	simm.s32 @!p0 $0x8;
	[sflag:s14] =	ssyncadd.s32 $0xFFFFC000  }
0xc5: {  	_ =	swait.ge @!p0 [sflag:s6], $0x800  }
0xc6: {  	[sflag:s6] =	ssyncset.done @!p0 $0x0  }
0xc7: {  	[sflag:s6] =	ssyncadd.s32 @!p0 $0xFFFFF800  }
0xc8: {  	_ =	swait.ge @!p0 [sflag:s6], $0x800  }
0xc9: {  	[sflag:s6] =	ssyncset.done @!p0 $0x0  }
0xca: {  	[sflag:s6] =	ssyncadd.s32 @!p0 $0xFFFFF800  }
0xcb: {  	_ =	swait.ge @!p0 [sflag:s6], $0x800  }
0xcc: {  	[sflag:s6] =	ssyncset.done @!p0 $0x0  }
0xcd: {  	[sflag:s6] =	ssyncadd.s32 @!p0 $0xFFFFF800  }
0xce: {  	_ =	swait.ge @!p0 [sflag:s6], $0x800  }
0xcf: {  	[sflag:s6] =	ssyncset.done @!p0 $0x0  }
0xd0: {  	[sflag:s6] =	ssyncadd.s32 @!p0 $0xFFFFF800  }
0xd1: {  	_ =	swait.ge @!p0 [sflag:s6], $0x800  }
0xd2: {  	[sflag:s6] =	ssyncset.done @!p0 $0x0  }
0xd3: {  	[sflag:s6] =	ssyncadd.s32 @!p0 $0xFFFFF800  }
0xd4: {  	_ =	swait.ge @!p0 [sflag:s6], $0x800  }
0xd5: {  	[sflag:s6] =	ssyncset.done @!p0 $0x0  }
0xd6: {  	[sflag:s6] =	ssyncadd.s32 @!p0 $0xFFFFF800  }
0xd7: {  	_ =	swait.ge @!p0 [sflag:s6], $0x800  }
0xd8: {  	[sflag:s6] =	ssyncset.done @!p0 $0x0  }
0xd9: {  	[sflag:s6] =	ssyncadd.s32 @!p0 $0xFFFFF800  }
0xda: {  	_ =	swait.ge @!p0 [sflag:s6], $0x800  }
0xdb: {  	[sflag:s6] =	ssyncset.done @!p0 $0x0  }
0xdc: {  	[sflag:s6] =	ssyncadd.s32 @!p0 $0xFFFFF800  }
0xdd: {  	v55 =	vld [tilespmem:s1+$0x0];
	_ =	sdelay $0x4  }
0xde: {  	v9 =	vshll.u32 v55, $0x3  }
0xdf: {  	v8 =	vand.u32 $0x7, v55;
	v9 =	vand.u32 $0xFFFFFFC0, v9  }
0xe0: {  	v8 =	vor.u32 v8, v9  }
0xe1: {  	v9 =	vperm.xlane v8, v0;
	_ =	sdelay $0x1  }
0xe2: {  	v9 =	vadd.s32 v1, v9;
	_ =	sdelay $0x3  }
0xe3: {  	s0 =	simm.s32 $0xD400  }
0xe4: {  	[tilespmem:s0], [sflag:$0x4] =	stream.indirect_vreg.gather [hbm4b:s3+s2], $0x80, v9, vm0, $0xb8;
	[tilespmem:$0x11480] =	vst v63  }
0xe5: {  	v8 =	vperm.xlane v8, v2  }
0xe6: {  	[tilespmem:s25], [sflag:$0x4] =	stream.indirect_vreg.gather [hbm4b:s7+s2], $0x80, v9, vm0, $0xb8;
	[tilespmem:$0x11480] =	vst v63  }
0xe7: {  	v8 =	vadd.s32 v1, v8;
	s0 =	simm.s32 $0xE400  }
0xe8: {  	[tilespmem:s0], [sflag:$0x4] =	stream.indirect_vreg.gather [hbm4b:s8+s2], $0x80, v9, vm0, $0xb8;
	[tilespmem:$0x11480] =	vst v63  }
0xe9: {  	s10 =	simm.s32 $0xEC00  }
0xea: {  	[tilespmem:s10], [sflag:$0x4] =	stream.indirect_vreg.gather [hbm4b:s9+s2], $0x80, v9, vm0, $0xb8;
	[tilespmem:$0x11480] =	vst v63  }
0xeb: {  	_ = 	snop  }
0xec: {  	[tilespmem:s18], [sflag:$0x4] =	stream.indirect_vreg.gather [hbm4b:s3+s2], $0x80, v8, vm0, $0xb8;
	[tilespmem:$0x11480] =	vst v63  }
0xed: {  	_ = 	snop  }
0xee: {  	[tilespmem:s28], [sflag:$0x4] =	stream.indirect_vreg.gather [hbm4b:s7+s2], $0x80, v8, vm0, $0xb8;
	[tilespmem:$0x11480] =	vst v63  }
0xef: {  	s14 =	simm.s32 $0x10400  }
0xf0: {  	[tilespmem:s14], [sflag:$0x4] =	stream.indirect_vreg.gather [hbm4b:s8+s2], $0x80, v8, vm0, $0xb8;
	[tilespmem:$0x11480] =	vst v63  }
0xf1: {  	_ = 	snop  }
0xf2: {  	[tilespmem:s30], [sflag:$0x4] =	stream.indirect_vreg.gather [hbm4b:s9+s2], $0x80, v8, vm0, $0xb8;
	[tilespmem:$0x11480] =	vst v63  }
0xf3: {  	v8 =	vld [tilespmem:s16+$0xFFFFFFF0];
	_ =	sdelay $0x3  }
0xf4: {  	v10 =	vld [tilespmem:s1+$0xFFFFFFE0]  }
0xf5: {  	v56 =	vshll.u32 v8, $0x3  }
0xf6: {  	v8 =	vand.u32 $0x7F, v8;
	v9 =	vand.u32 $0xFFFFFC00, v56  }
0xf7: {  	v8 =	vor.u32 v8, v9  }
0xf8: {  	v8 =	vadd.s32 v3, v8;
	_ =	sdelay $0x3  }
0xf9: {  	s11 =	simm.s32 $0x5400;
	s12 =	sadd.s32 $0x800, s5;
	v57 =	vld.idx.msk [tilespmem:v10+s15+$0x0], $0xffff  }
0xfa: {  	v8 =	vld.idx.msk [tilespmem:v8+s11+$0x0], $0xffff;
	[hbm4b:s12+s2] =	stream.linear.scatter [tilespmem:s11], [sflag:$0x6], $0x400, $0x38  }
0xfb: {  	s11 =	sadd.s32 $0xC00, s5;
	s12 =	simm.s32 $0x7400  }
0xfc: {  	[hbm4b:s11+s2] =	stream.linear.scatter [tilespmem:s12], [sflag:$0x6], $0x400, $0x38;
	[tilespmem:$0x11480] =	vst v63  }
0xfd: {  	s10 =	rddreg [dreg:$0xc];
	s11 =	sadd.s32 $0x880, s5  }
0xfe: {  	[hbm4b:s11+s2] =	stream.linear.scatter [tilespmem:s10], [sflag:$0x6], $0x400, $0x38;
	[tilespmem:$0x11480] =	vst v63  }
0xff: {  	s12 =	rddreg [dreg:$0xd];
	s10 =	sadd.s32 $0xC80, s5  }
0x100: {  	[hbm4b:s10+s2] =	stream.linear.scatter [tilespmem:s12], [sflag:$0x6], $0x400, $0x38;
	[tilespmem:$0x11480] =	vst v63  }
0x101: {  	s11 =	sadd.s32 $0x900, s5;
	s12 =	simm.s32 $0x5C00  }
0x102: {  	[hbm4b:s11+s2] =	stream.linear.scatter [tilespmem:s12], [sflag:$0x6], $0x400, $0x38;
	[tilespmem:$0x11480] =	vst v63  }
0x103: {  	s11 =	sadd.s32 $0xD00, s5;
	s12 =	simm.s32 $0x7C00  }
0x104: {  	[hbm4b:s11+s2] =	stream.linear.scatter [tilespmem:s12], [sflag:$0x6], $0x400, $0x38;
	[tilespmem:$0x11480] =	vst v63  }
0x105: {  	s10 =	rddreg [dreg:$0xe];
	s11 =	sadd.s32 $0x980, s5  }
0x106: {  	[hbm4b:s11+s2] =	stream.linear.scatter [tilespmem:s10], [sflag:$0x6], $0x400, $0x38;
	[tilespmem:$0x11480] =	vst v63  }
0x107: {  	s12 =	rddreg [dreg:$0xf];
	s10 =	sadd.s32 $0xD80, s5  }
0x108: {  	[hbm4b:s10+s2] =	stream.linear.scatter [tilespmem:s12], [sflag:$0x6], $0x400, $0x38;
	[tilespmem:$0x11480] =	vst v63  }
0x109: {  	s11 =	sadd.s32 $0xA00, s5;
	s12 =	simm.s32 $0x6400  }
0x10a: {  	[hbm4b:s11+s2] =	stream.linear.scatter [tilespmem:s12], [sflag:$0x6], $0x400, $0x38;
	[tilespmem:$0x11480] =	vst v63  }
0x10b: {  	s11 =	sadd.s32 $0xE00, s5;
	s12 =	simm.s32 $0x8400  }
0x10c: {  	[hbm4b:s11+s2] =	stream.linear.scatter [tilespmem:s12], [sflag:$0x6], $0x400, $0x38;
	[tilespmem:$0x11480] =	vst v63  }
0x10d: {  	s10 =	rddreg [dreg:$0x10];
	s11 =	sadd.s32 $0xA80, s5  }
0x10e: {  	[hbm4b:s11+s2] =	stream.linear.scatter [tilespmem:s10], [sflag:$0x6], $0x400, $0x38;
	[tilespmem:$0x11480] =	vst v63  }
0x10f: {  	s12 =	rddreg [dreg:$0x11];
	s10 =	sadd.s32 $0xE80, s5  }
0x110: {  	[hbm4b:s10+s2] =	stream.linear.scatter [tilespmem:s12], [sflag:$0x6], $0x400, $0x38;
	[tilespmem:$0x11480] =	vst v63  }
0x111: {  	s11 =	sadd.s32 $0xB00, s5;
	s12 =	simm.s32 $0x6C00  }
0x112: {  	[hbm4b:s11+s2] =	stream.linear.scatter [tilespmem:s12], [sflag:$0x6], $0x400, $0x38;
	[tilespmem:$0x11480] =	vst v63  }
0x113: {  	s11 =	sadd.s32 $0xF00, s5;
	s12 =	simm.s32 $0x8C00  }
0x114: {  	[hbm4b:s11+s2] =	stream.linear.scatter [tilespmem:s12], [sflag:$0x6], $0x400, $0x38;
	[tilespmem:$0x11480] =	vst v63  }
0x115: {  	s10 =	rddreg [dreg:$0x12];
	s12 =	sadd.s32 $0xFFFFFE00, s24  }
0x116: {  	[hbm4b:s12+s2] =	stream.linear.scatter [tilespmem:s10], [sflag:$0x6], $0x400, $0x38;
	[tilespmem:$0x11480] =	vst v63  }
0x117: {  	s11 =	rddreg [dreg:$0x13];
	s12 =	sadd.s32 $0xFFFFFE80, s24;
	s10 =	simm.s32 $0x3  }
0x118: {  	[hbm4b:s12+s2] =	stream.linear.scatter [tilespmem:s11], [sflag:$0x6], $0x400, $0x38;
	[tilespmem:$0x11480] =	vst v63  }
0x119: {  	_ =	swait.ge [sflag:s10], $0x4000  }
0x11a: {  	[sflag:s10] =	ssyncset.done $0x0  }
0x11b: {  	[sflag:s10] =	ssyncadd.s32 $0xFFFFC000  }
0x11c: {  	_ =	swait.ge [sflag:s29], $0x800  }
0x11d: {  	[sflag:s29] =	ssyncset.done $0x0  }
0x11e: {  	[sflag:s29] =	ssyncadd.s32 $0xFFFFF800  }
0x11f: {  	_ =	swait.ge [sflag:s29], $0x800  }
0x120: {  	[sflag:s29] =	ssyncset.done $0x0  }
0x121: {  	[sflag:s29] =	ssyncadd.s32 $0xFFFFF800  }
0x122: {  	_ =	swait.ge [sflag:s29], $0x800  }
0x123: {  	[sflag:s29] =	ssyncset.done $0x0  }
0x124: {  	[sflag:s29] =	ssyncadd.s32 $0xFFFFF800  }
0x125: {  	_ =	swait.ge [sflag:s29], $0x800  }
0x126: {  	[sflag:s29] =	ssyncset.done $0x0  }
0x127: {  	[sflag:s29] =	ssyncadd.s32 $0xFFFFF800  }
0x128: {  	_ =	swait.ge [sflag:s29], $0x800  }
0x129: {  	[sflag:s29] =	ssyncset.done $0x0  }
0x12a: {  	[sflag:s29] =	ssyncadd.s32 $0xFFFFF800  }
0x12b: {  	_ =	swait.ge [sflag:s29], $0x800  }
0x12c: {  	[sflag:s29] =	ssyncset.done $0x0  }
0x12d: {  	[sflag:s29] =	ssyncadd.s32 $0xFFFFF800  }
0x12e: {  	_ =	swait.ge [sflag:s29], $0x800  }
0x12f: {  	[sflag:s29] =	ssyncset.done $0x0  }
0x130: {  	[sflag:s29] =	ssyncadd.s32 $0xFFFFF800  }
0x131: {  	_ =	swait.ge [sflag:s29], $0x800  }
0x132: {  	[sflag:s29] =	ssyncset.done $0x0  }
0x133: {  	p0 =	seq.s32 s4, $0x30000;
	[sflag:s29] =	ssyncadd.s32 $0xFFFFF800  }
0x134: {  	v10 =	vld @!p0 [tilespmem:s1+$0x10];
	_ =	sdelay $0x4  }
0x135: {  	v11 =	vshll.u32 @!p0 v10, $0x3  }
0x136: {  	v12 =	vlaneseq.u32 @!p0;
	v10 =	vand.u32 @!p0 $0x7, v10;
	v11 =	vand.u32 @!p0 $0xFFFFFFC0, v11  }
0x137: {  	v13 =	vand.u32 @!p0 $0x7, v12;
	v10 =	vor.u32 @!p0 v10, v11;
	v11 =	vshrl.u32 @!p0 v12, $0x3  }
0x138: {  	v14 =	vperm.xlane @!p0 v10, v13;
	v15 =	vmul.u32 @!p0 $0x8, v11;
	_ =	sdelay $0x1  }
0x139: {  	v11 =	vadd.s32 @!p0 v15, v14;
	_ =	sdelay $0x3  }
0x13a: {  	vm1 =	vmmov @!p0 $0xffff;
	s6 =	simm.s32 @!p0 $0x0;
	s10 =	simm.s32 @!p0 $0x1400  }
0x13b: {  	v12 =	vor.u32 @!p0 $0x8, v12;
	[tilespmem:s10], [sflag:$0x1] =	stream.indirect_vreg.gather @!p0 [hbm4b:s3+s6], $0x80, v11, vm1, $0xb8;
	[tilespmem:$0x11480] =	vst v63  }
0x13c: {  	v10 =	vperm.xlane @!p0 v10, v12;
	s10 =	simm.s32 @!p0 $0x1C00  }
0x13d: {  	[tilespmem:s10], [sflag:$0x1] =	stream.indirect_vreg.gather @!p0 [hbm4b:s7+s6], $0x80, v11, vm1, $0xb8;
	[tilespmem:$0x11480] =	vst v63  }
0x13e: {  	v10 =	vadd.s32 @!p0 v15, v10;
	s10 =	simm.s32 @!p0 $0x2400  }
0x13f: {  	[tilespmem:s10], [sflag:$0x1] =	stream.indirect_vreg.gather @!p0 [hbm4b:s8+s6], $0x80, v11, vm1, $0xb8;
	[tilespmem:$0x11480] =	vst v63  }
0x140: {  	s10 =	simm.s32 @!p0 $0x2C00  }
0x141: {  	[tilespmem:s10], [sflag:$0x1] =	stream.indirect_vreg.gather @!p0 [hbm4b:s9+s6], $0x80, v11, vm1, $0xb8;
	[tilespmem:$0x11480] =	vst v63  }
0x142: {  	s10 =	simm.s32 @!p0 $0x3400  }
0x143: {  	[tilespmem:s10], [sflag:$0x1] =	stream.indirect_vreg.gather @!p0 [hbm4b:s3+s6], $0x80, v10, vm1, $0xb8;
	[tilespmem:$0x11480] =	vst v63  }
0x144: {  	s10 =	simm.s32 @!p0 $0x3C00  }
0x145: {  	[tilespmem:s10], [sflag:$0x1] =	stream.indirect_vreg.gather @!p0 [hbm4b:s7+s6], $0x80, v10, vm1, $0xb8;
	[tilespmem:$0x11480] =	vst v63  }
0x146: {  	s10 =	simm.s32 @!p0 $0x4400  }
0x147: {  	[tilespmem:s10], [sflag:$0x1] =	stream.indirect_vreg.gather @!p0 [hbm4b:s8+s6], $0x80, v10, vm1, $0xb8;
	[tilespmem:$0x11480] =	vst v63  }
0x148: {  	s10 =	simm.s32 @!p0 $0x4C00  }
0x149: {  	[tilespmem:s10], [sflag:$0x1] =	stream.indirect_vreg.gather @!p0 [hbm4b:s9+s6], $0x80, v10, vm1, $0xb8;
	[tilespmem:$0x11480] =	vst v63  }
0x14a: {  	v10 =	vld [tilespmem:s16+$0x0];
	_ =	sdelay $0x3  }
0x14b: {  	v59 =	vld [tilespmem:s1+$0xFFFFFFF0]  }
0x14c: {  	v58 =	vshll.u32 v10, $0x3  }
0x14d: {  	v10 =	vand.u32 $0x7F, v10;
	v11 =	vand.u32 $0xFFFFFC00, v58  }
0x14e: {  	v10 =	vor.u32 v10, v11  }
0x14f: {  	v10 =	vadd.s32 v3, v10;
	_ =	sdelay $0x3  }
0x150: {  	s17 =	simm.s32 $0x9400;
	s11 =	sadd.s32 $0x1000, s5;
	v60 =	vld.idx.msk [tilespmem:v59+s15+$0x0], $0xffff  }
0x151: {  	v10 =	vld.idx.msk [tilespmem:v10+s17+$0x0], $0xffff;
	[hbm4b:s11+s2] =	stream.linear.scatter [tilespmem:s17], [sflag:$0x7], $0x400, $0x38  }
0x152: {  	s12 =	sadd.s32 $0x1400, s5  }
0x153: {  	[hbm4b:s12+s2] =	stream.linear.scatter [tilespmem:s20], [sflag:$0x7], $0x400, $0x38;
	[tilespmem:$0x11480] =	vst v63  }
0x154: {  	s10 =	sadd.s32 $0x1080, s5;
	s11 =	rddreg [dreg:$0x14]  }
0x155: {  	[hbm4b:s10+s2] =	stream.linear.scatter [tilespmem:s11], [sflag:$0x7], $0x400, $0x38;
	[tilespmem:$0x11480] =	vst v63  }
0x156: {  	s12 =	rddreg [dreg:$0x15];
	s11 =	sadd.s32 $0x1480, s5  }
0x157: {  	[hbm4b:s11+s2] =	stream.linear.scatter [tilespmem:s12], [sflag:$0x7], $0x400, $0x38;
	[tilespmem:$0x11480] =	vst v63  }
0x158: {  	s11 =	sadd.s32 $0x1100, s5  }
0x159: {  	[hbm4b:s11+s2] =	stream.linear.scatter [tilespmem:s26], [sflag:$0x7], $0x400, $0x38;
	[tilespmem:$0x11480] =	vst v63  }
0x15a: {  	s12 =	sadd.s32 $0x1500, s5  }
0x15b: {  	[hbm4b:s12+s2] =	stream.linear.scatter [tilespmem:s21], [sflag:$0x7], $0x400, $0x38;
	[tilespmem:$0x11480] =	vst v63  }
0x15c: {  	s10 =	sadd.s32 $0x1180, s5;
	s11 =	rddreg [dreg:$0x16]  }
0x15d: {  	[hbm4b:s10+s2] =	stream.linear.scatter [tilespmem:s11], [sflag:$0x7], $0x400, $0x38;
	[tilespmem:$0x11480] =	vst v63  }
0x15e: {  	s12 =	rddreg [dreg:$0x17];
	s11 =	sadd.s32 $0x1580, s5  }
0x15f: {  	[hbm4b:s11+s2] =	stream.linear.scatter [tilespmem:s12], [sflag:$0x7], $0x400, $0x38;
	[tilespmem:$0x11480] =	vst v63  }
0x160: {  	s11 =	sadd.s32 $0x1200, s5  }
0x161: {  	[hbm4b:s11+s2] =	stream.linear.scatter [tilespmem:s13], [sflag:$0x7], $0x400, $0x38;
	[tilespmem:$0x11480] =	vst v63  }
0x162: {  	s12 =	sadd.s32 $0x1600, s5  }
0x163: {  	[hbm4b:s12+s2] =	stream.linear.scatter [tilespmem:s22], [sflag:$0x7], $0x400, $0x38;
	[tilespmem:$0x11480] =	vst v63  }
0x164: {  	s10 =	sadd.s32 $0x1280, s5;
	s11 =	rddreg [dreg:$0x18]  }
0x165: {  	[hbm4b:s10+s2] =	stream.linear.scatter [tilespmem:s11], [sflag:$0x7], $0x400, $0x38;
	[tilespmem:$0x11480] =	vst v63  }
0x166: {  	s12 =	rddreg [dreg:$0x19];
	s11 =	sadd.s32 $0x1680, s5  }
0x167: {  	[hbm4b:s11+s2] =	stream.linear.scatter [tilespmem:s12], [sflag:$0x7], $0x400, $0x38;
	[tilespmem:$0x11480] =	vst v63  }
0x168: {  	s11 =	sadd.s32 $0x1300, s5  }
0x169: {  	[hbm4b:s11+s2] =	stream.linear.scatter [tilespmem:s19], [sflag:$0x7], $0x400, $0x38;
	[tilespmem:$0x11480] =	vst v63  }
0x16a: {  	s12 =	sadd.s32 $0x1700, s5  }
0x16b: {  	[hbm4b:s12+s2] =	stream.linear.scatter [tilespmem:s23], [sflag:$0x7], $0x400, $0x38;
	[tilespmem:$0x11480] =	vst v63  }
0x16c: {  	s10 =	sadd.s32 $0xFFFFFF00, s24;
	s11 =	rddreg [dreg:$0x1a]  }
0x16d: {  	[hbm4b:s10+s2] =	stream.linear.scatter [tilespmem:s11], [sflag:$0x7], $0x400, $0x38;
	[tilespmem:$0x11480] =	vst v63  }
0x16e: {  	s19 =	simm.s32 $0x4;
	s12 =	rddreg [dreg:$0x1b];
	s11 =	sadd.s32 $0xFFFFFF80, s24  }
0x16f: {  	[hbm4b:s11+s2] =	stream.linear.scatter [tilespmem:s12], [sflag:$0x7], $0x400, $0x38;
	[tilespmem:$0x11480] =	vst v63  }
0x170: {  	_ =	swait.ge [sflag:s19], $0x4000  }
0x171: {  	[sflag:s19] =	ssyncset.done $0x0  }
0x172: {  	[sflag:s19] =	ssyncadd.s32 $0xFFFFC000  }
0x173: {  	_ =	swait.ge [sflag:s31], $0x800  }
0x174: {  	[sflag:s31] =	ssyncset.done $0x0  }
0x175: {  	[sflag:s31] =	ssyncadd.s32 $0xFFFFF800  }
0x176: {  	_ =	swait.ge [sflag:s31], $0x800  }
0x177: {  	[sflag:s31] =	ssyncset.done $0x0  }
0x178: {  	[sflag:s31] =	ssyncadd.s32 $0xFFFFF800  }
0x179: {  	_ =	swait.ge [sflag:s31], $0x800  }
0x17a: {  	[sflag:s31] =	ssyncset.done $0x0  }
0x17b: {  	[sflag:s31] =	ssyncadd.s32 $0xFFFFF800  }
0x17c: {  	_ =	swait.ge [sflag:s31], $0x800  }
0x17d: {  	[sflag:s31] =	ssyncset.done $0x0  }
0x17e: {  	[sflag:s31] =	ssyncadd.s32 $0xFFFFF800  }
0x17f: {  	_ =	swait.ge [sflag:s31], $0x800  }
0x180: {  	[sflag:s31] =	ssyncset.done $0x0  }
0x181: {  	[sflag:s31] =	ssyncadd.s32 $0xFFFFF800  }
0x182: {  	_ =	swait.ge [sflag:s31], $0x800  }
0x183: {  	[sflag:s31] =	ssyncset.done $0x0  }
0x184: {  	[sflag:s31] =	ssyncadd.s32 $0xFFFFF800  }
0x185: {  	_ =	swait.ge [sflag:s31], $0x800  }
0x186: {  	[sflag:s31] =	ssyncset.done $0x0  }
0x187: {  	[sflag:s31] =	ssyncadd.s32 $0xFFFFF800  }
0x188: {  	_ =	swait.ge [sflag:s31], $0x800  }
0x189: {  	[sflag:s31] =	ssyncset.done $0x0  }
0x18a: {  	[sflag:s31] =	ssyncadd.s32 $0xFFFFF800  }
0x18b: {  	v14 =	vld @!p0 [tilespmem:s1+$0x20];
	_ =	sdelay $0x4  }
0x18c: {  	v16 =	vshll.u32 @!p0 v14, $0x3  }
0x18d: {  	v14 =	vand.u32 @!p0 $0x7, v14;
	v16 =	vand.u32 @!p0 $0xFFFFFFC0, v16  }
0x18e: {  	v14 =	vor.u32 @!p0 v14, v16  }
0x18f: {  	v13 =	vperm.xlane @!p0 v14, v13;
	_ =	sdelay $0x1  }
0x190: {  	v13 =	vadd.s32 @!p0 v15, v13;
	_ =	sdelay $0x3  }
0x191: {  	s10 =	simm.s32 @!p0 $0x5400  }
0x192: {  	[tilespmem:s10], [sflag:$0x2] =	stream.indirect_vreg.gather @!p0 [hbm4b:s3+s6], $0x80, v13, vm1, $0xb8;
	[tilespmem:$0x11480] =	vst v63  }
0x193: {  	v12 =	vperm.xlane @!p0 v14, v12;
	s10 =	simm.s32 @!p0 $0x5C00  }
0x194: {  	[tilespmem:s10], [sflag:$0x2] =	stream.indirect_vreg.gather @!p0 [hbm4b:s7+s6], $0x80, v13, vm1, $0xb8;
	[tilespmem:$0x11480] =	vst v63  }
0x195: {  	v12 =	vadd.s32 @!p0 v15, v12;
	s10 =	simm.s32 @!p0 $0x6400  }
0x196: {  	[tilespmem:s10], [sflag:$0x2] =	stream.indirect_vreg.gather @!p0 [hbm4b:s8+s6], $0x80, v13, vm1, $0xb8;
	[tilespmem:$0x11480] =	vst v63  }
0x197: {  	s10 =	simm.s32 @!p0 $0x6C00  }
0x198: {  	[tilespmem:s10], [sflag:$0x2] =	stream.indirect_vreg.gather @!p0 [hbm4b:s9+s6], $0x80, v13, vm1, $0xb8;
	[tilespmem:$0x11480] =	vst v63  }
0x199: {  	s10 =	simm.s32 @!p0 $0x7400  }
0x19a: {  	[tilespmem:s10], [sflag:$0x2] =	stream.indirect_vreg.gather @!p0 [hbm4b:s3+s6], $0x80, v12, vm1, $0xb8;
	[tilespmem:$0x11480] =	vst v63  }
0x19b: {  	s10 =	simm.s32 @!p0 $0x7C00  }
0x19c: {  	[tilespmem:s10], [sflag:$0x2] =	stream.indirect_vreg.gather @!p0 [hbm4b:s7+s6], $0x80, v12, vm1, $0xb8;
	[tilespmem:$0x11480] =	vst v63  }
0x19d: {  	s10 =	simm.s32 @!p0 $0x8400  }
0x19e: {  	[tilespmem:s10], [sflag:$0x2] =	stream.indirect_vreg.gather @!p0 [hbm4b:s8+s6], $0x80, v12, vm1, $0xb8;
	[tilespmem:$0x11480] =	vst v63  }
0x19f: {  	s10 =	simm.s32 @!p0 $0x8C00  }
0x1a0: {  	[tilespmem:s10], [sflag:$0x2] =	stream.indirect_vreg.gather @!p0 [hbm4b:s9+s6], $0x80, v12, vm1, $0xb8;
	[tilespmem:$0x11480] =	vst v63  }
0x1a1: {  	v12 =	vld [tilespmem:s16+$0x10];
	_ =	sdelay $0x3  }
0x1a2: {  	v62 =	vld [tilespmem:s1+$0x0]  }
0x1a3: {  	v61 =	vshll.u32 v12, $0x3  }
0x1a4: {  	v12 =	vand.u32 $0x7F, v12;
	v13 =	vand.u32 $0xFFFFFC00, v61  }
0x1a5: {  	v12 =	vor.u32 v12, v13  }
0x1a6: {  	v12 =	vadd.s32 v3, v12;
	_ =	sdelay $0x3  }
0x1a7: {  	s17 =	simm.s32 $0xD400;
	v63 =	vld.idx.msk [tilespmem:v62+s15+$0x0], $0xffff;
	s15 =	sadd.s32 $0x1800, s5  }
0x1a8: {  	v12 =	vld.idx.msk [tilespmem:v12+s17+$0x0], $0xffff;
	[hbm4b:s15+s2] =	stream.linear.scatter [tilespmem:s17], [sflag:$0x8], $0x400, $0x38  }
0x1a9: {  	s17 =	sadd.s32 $0x1C00, s5  }
0x1aa: {  	[hbm4b:s17+s2] =	stream.linear.scatter [tilespmem:s18], [sflag:$0x8], $0x400, $0x38;
	[tilespmem:$0x11480] =	vst v63  }
0x1ab: {  	s11 =	sadd.s32 $0x1880, s5;
	s19 =	rddreg [dreg:$0x1c]  }
0x1ac: {  	[hbm4b:s11+s2] =	stream.linear.scatter [tilespmem:s19], [sflag:$0x8], $0x400, $0x38;
	[tilespmem:$0x11480] =	vst v63  }
0x1ad: {  	s15 =	rddreg [dreg:$0x1d];
	s17 =	sadd.s32 $0x1C80, s5  }
0x1ae: {  	[hbm4b:s17+s2] =	stream.linear.scatter [tilespmem:s15], [sflag:$0x8], $0x400, $0x38;
	[tilespmem:$0x11480] =	vst v63  }
0x1af: {  	s19 =	sadd.s32 $0x1900, s5  }
0x1b0: {  	[hbm4b:s19+s2] =	stream.linear.scatter [tilespmem:s25], [sflag:$0x8], $0x400, $0x38;
	[tilespmem:$0x11480] =	vst v63  }
0x1b1: {  	s10 =	sadd.s32 $0x1D00, s5  }
0x1b2: {  	[hbm4b:s10+s2] =	stream.linear.scatter [tilespmem:s28], [sflag:$0x8], $0x400, $0x38;
	[tilespmem:$0x11480] =	vst v63  }
0x1b3: {  	s11 =	rddreg [dreg:$0x1e];
	s15 =	sadd.s32 $0x1980, s5  }
0x1b4: {  	[hbm4b:s15+s2] =	stream.linear.scatter [tilespmem:s11], [sflag:$0x8], $0x400, $0x38;
	[tilespmem:$0x11480] =	vst v63  }
0x1b5: {  	s17 =	rddreg [dreg:$0x1f];
	s19 =	sadd.s32 $0x1D80, s5  }
0x1b6: {  	[hbm4b:s19+s2] =	stream.linear.scatter [tilespmem:s17], [sflag:$0x8], $0x400, $0x38;
	[tilespmem:$0x11480] =	vst v63  }
0x1b7: {  	s10 =	sadd.s32 $0x1A00, s5  }
0x1b8: {  	[hbm4b:s10+s2] =	stream.linear.scatter [tilespmem:s0], [sflag:$0x8], $0x400, $0x38;
	[tilespmem:$0x11480] =	vst v63  }
0x1b9: {  	s11 =	sadd.s32 $0x1E00, s5;
	s15 =	sld [smem:$0x7FA]  }
0x1ba: {  	[hbm4b:s11+s2] =	stream.linear.scatter [tilespmem:s14], [sflag:$0x8], $0x400, $0x38;
	[tilespmem:$0x11480] =	vst v63  }
0x1bb: {  	s17 =	sadd.s32 $0x1A80, s5;
	s19 =	sld [smem:$0x7FB]  }
0x1bc: {  	[hbm4b:s17+s2] =	stream.linear.scatter [tilespmem:s15], [sflag:$0x8], $0x400, $0x38;
	[tilespmem:$0x11480] =	vst v63  }
0x1bd: {  	s4 =	sadd.s32 $0x2000, s4;
	s13 =	simm.s32 $0x9400;
	s10 =	sadd.s32 $0x1E80, s5  }
0x1be: {  	[hbm4b:s10+s2] =	stream.linear.scatter [tilespmem:s19], [sflag:$0x8], $0x400, $0x38;
	[tilespmem:$0x11480] =	vst v63  }
0x1bf: {  	v6 =	vsub.f32 v7, v6;
	s12 =	simm.s32 $0x1C00;
	s11 =	sadd.s32 $0x1B00, s5;
	s14 =	simm.s32 $0xEC00  }
0x1c0: {  	[hbm4b:s11+s2] =	stream.linear.scatter [tilespmem:s14], [sflag:$0x8], $0x400, $0x38;
	[tilespmem:$0x11480] =	vst v63  }
0x1c1: {  	v5 =	vadd.f32 v6, v5;
	v6 =	vsub.f32 v57, v8;
	p0 =	sne.s32 s4, $0x32000;
	s5 =	sadd.s32 $0x1F00, s5;
	s15 =	sld [smem:$0x7FC]  }
0x1c2: {  	[hbm4b:s5+s2] =	stream.linear.scatter [tilespmem:s30], [sflag:$0x8], $0x400, $0x38;
	[tilespmem:$0x11480] =	vst v63  }
.Ltmp0:
0x1c3: {  	v5 =	vadd.f32 v6, v5;
	v6 =	vsub.f32 v60, v10;
	s6 =	simm.s32 $0x1400;
	s1 =	sadd.s32 $0x40, s1;
	(pc) =	sbr.rel @p0 .LBB2_2-.Ltmp0, $4  }
0x1c4: {  	s16 =	sadd.s32 $0x40, s16;
	s0 =	simm.s32 $0x1;
	s17 =	sld [smem:$0x7FD]  }
0x1c5: {  	v5 =	vadd.f32 v6, v5;
	v6 =	vsub.f32 v63, v12;
	[hbm4b:s24+s2] =	stream.linear.scatter [tilespmem:s15], [sflag:$0x8], $0x400, $0x38;
	[tilespmem:$0x11480] =	vst v63  }
0x1c6: {  	s19 =	sadd.s32 $0x80, s24;
	s14 =	simm.s32 $0x2;
	s24 =	sadd.s32 $0x400, s24  }
0x1c7: {  	v5 =	vadd.f32 v6, v5;
	[hbm4b:s19+s2] =	stream.linear.scatter [tilespmem:s17], [sflag:$0x8], $0x400, $0x38;
	[tilespmem:$0x11480] =	vst v63  }
0x1c8: {  	s1 =	simm.s32 $0x7  }
0x1c9: {  	_ =	swait.ge [sflag:s1], $0x800  }
0x1ca: {  	[sflag:s1] =	ssyncset.done $0x0  }
0x1cb: {  	[sflag:s1] =	ssyncadd.s32 $0xFFFFF800  }
0x1cc: {  	_ =	swait.ge [sflag:s1], $0x800  }
0x1cd: {  	[sflag:s1] =	ssyncset.done $0x0  }
0x1ce: {  	[sflag:s1] =	ssyncadd.s32 $0xFFFFF800  }
0x1cf: {  	_ =	swait.ge [sflag:s1], $0x800  }
0x1d0: {  	[sflag:s1] =	ssyncset.done $0x0  }
0x1d1: {  	[sflag:s1] =	ssyncadd.s32 $0xFFFFF800  }
0x1d2: {  	_ =	swait.ge [sflag:s1], $0x800  }
0x1d3: {  	[sflag:s1] =	ssyncset.done $0x0  }
0x1d4: {  	[sflag:s1] =	ssyncadd.s32 $0xFFFFF800  }
0x1d5: {  	_ =	swait.ge [sflag:s1], $0x800  }
0x1d6: {  	[sflag:s1] =	ssyncset.done $0x0  }
0x1d7: {  	[sflag:s1] =	ssyncadd.s32 $0xFFFFF800  }
0x1d8: {  	_ =	swait.ge [sflag:s1], $0x800  }
0x1d9: {  	[sflag:s1] =	ssyncset.done $0x0  }
0x1da: {  	[sflag:s1] =	ssyncadd.s32 $0xFFFFF800  }
0x1db: {  	_ =	swait.ge [sflag:s1], $0x800  }
0x1dc: {  	[sflag:s1] =	ssyncset.done $0x0  }
0x1dd: {  	[sflag:s1] =	ssyncadd.s32 $0xFFFFF800  }
0x1de: {  	_ =	swait.ge [sflag:s1], $0x800  }
0x1df: {  	[sflag:s1] =	ssyncset.done $0x0  }
0x1e0: {  	s17 =	simm.s32 $0x8;
	[sflag:s1] =	ssyncadd.s32 $0xFFFFF800  }
0x1e1: {  	_ =	swait.ge [sflag:s17], $0x800  }
0x1e2: {  	[sflag:s17] =	ssyncset.done $0x0  }
0x1e3: {  	[sflag:s17] =	ssyncadd.s32 $0xFFFFF800  }
0x1e4: {  	_ =	swait.ge [sflag:s17], $0x800  }
0x1e5: {  	[sflag:s17] =	ssyncset.done $0x0  }
0x1e6: {  	[sflag:s17] =	ssyncadd.s32 $0xFFFFF800  }
0x1e7: {  	_ =	swait.ge [sflag:s17], $0x800  }
0x1e8: {  	[sflag:s17] =	ssyncset.done $0x0  }
0x1e9: {  	[sflag:s17] =	ssyncadd.s32 $0xFFFFF800  }
0x1ea: {  	_ =	swait.ge [sflag:s17], $0x800  }
0x1eb: {  	[sflag:s17] =	ssyncset.done $0x0  }
0x1ec: {  	[sflag:s17] =	ssyncadd.s32 $0xFFFFF800  }
0x1ed: {  	_ =	swait.ge [sflag:s17], $0x800  }
0x1ee: {  	[sflag:s17] =	ssyncset.done $0x0  }
0x1ef: {  	[sflag:s17] =	ssyncadd.s32 $0xFFFFF800  }
0x1f0: {  	_ =	swait.ge [sflag:s17], $0x800  }
0x1f1: {  	[sflag:s17] =	ssyncset.done $0x0  }
0x1f2: {  	[sflag:s17] =	ssyncadd.s32 $0xFFFFF800  }
0x1f3: {  	_ =	swait.ge [sflag:s17], $0x800  }
0x1f4: {  	[sflag:s17] =	ssyncset.done $0x0  }
0x1f5: {  	[sflag:s17] =	ssyncadd.s32 $0xFFFFF800  }
0x1f6: {  	_ =	swait.ge [sflag:s17], $0x800  }
0x1f7: {  	[sflag:s17] =	ssyncset.done $0x0  }
0x1f8: {  	[sflag:s17] =	ssyncadd.s32 $0xFFFFF800  }
0x1f9: {  	[tilespmem:$0x11400] =	vst v5  }
0x1fa: {  	[tilespmem:$0x11410] =	vst v4  }
0x1fb: {  	[tilespmem:$0x11420] =	vst v4  }
0x1fc: {  	[tilespmem:$0x11430] =	vst v4  }
0x1fd: {  	[tilespmem:$0x11440] =	vst v4  }
0x1fe: {  	s19 =	sld [smem:$0x7F7];
	[tilespmem:$0x11450] =	vst v4  }
0x1ff: {  	[tilespmem:$0x11460] =	vst v4  }
0x200: {  	s4 =	simm.s32 $0x11400;
	[tilespmem:$0x11470] =	vst v4  }
0x201: {  	[hbm4b:s19+s2] =	stream.linear.scatter [tilespmem:s4], [sflag:$0x9], $0x80, $0x38;
	[tilespmem:$0x11480] =	vst v63  }
0x202: {  	s4 =	simm.s32 $0x9  }
0x203: {  	_ =	swait.ge [sflag:s4], $0x80  }
0x204: {  	s5 =	sld [smem:$0x7F3]  }
0x205: {  	s24 =	sld [smem:$0x7F8];
	_ =	sdelay $0x1  }
0x206: {  	s5 =	sadd.s32 $0x1, s5  }
0x207: {  	p0 =	sne.s32 s5, s24  }
.Ltmp1:
0x208: {  	_ = 	snop;
	(pc) =	sbr.rel @p0 .LBB2_1-.Ltmp1, $4  }
0x209: {  	_ = 	snop  }
0x20a: {  	s10 =	simm.s32 $0x2400  }
0x20b: {  	s11 =	simm.s32 $0x2C00;
	s16 =	simm.s32 $0x3400;
	[sflag:s4] =	ssyncset.done $0x0  }
0x20c: {  	s15 =	simm.s32 $0x1000;
	[sflag:s4] =	ssyncadd.s32 $0xFFFFFF80;
	s24 =	simm.s32 $0x3C00  }
0x20d: {  	_ =	sfence.sel $0x180000  }
0x20e: {  	[bflag:$0x0] =	sbarrier.arrive $0xFFFF  }
0x20f: {  	_ =	strace $0x90000047  }
0x210: {  	s0 =	stileid.u32;
	[bflag:$0x2] =	sbarrier.arrive $0xFFFF  }
0x211: {  	p0 =	sne.s32 s0, $0x0;
	s0 =	rddreg [dreg:$0x2]  }
0x212: {  	s0 =	sadd.s32 @!p0 $0x100000, s0  }
0x213: {  	[sflag:s0] =	ssyncadd.tile.s32 @!p0 $0x1;
	_ =	shalt  }
.Lfunc_end2:
_tile_overlayer_lowered:
.L_overlay_start_2:
0x214: {  	(tag) =	ssettag $0x2  }
0x215: {  	s0 =	rddreg [dreg:$0x0];
	s2 =	stileid.u32  }
0x216: {  	s1 =	rddreg [dreg:$0x1];
	p0 =	sne.s32 s2, $0x0  }
0x217: {  	s3 =	rddreg [dreg:$0x2];
	[bflag:$0x3] =	sbarrier.arrive $0xFFFF;
	s2 =	simm.s32 @!p0 $0x1C09  }
0x218: {  	[timem:s3], [sflag:s2] =	dma.local @!p0 [hbm:s0], s1  }
0x219: {  	s0 =	simm.s32 @!p0 $0x9  }
0x21a: {  	_ =	swait.ge @!p0 [sflag:s0], s1  }
0x21b: {  	s1 =	ssub.s32 @!p0 $0x0, s1;
	[sflag:s0] =	ssyncset.done @!p0 $0x0  }
0x21c: {  	[sflag:s0] =	ssyncadd.s32 @!p0 s1  }
0x21d: {  	[bflag:$0x3] =	sbarrier.arrive $0xFFFF  }
0x21e: {  	_ =	shalt  }

// kernel: sparse-core-data-format-call.cloned.1.call-start
scs
called_computation_lowered:
.L_overlay_start_0:
0x0: {  	s2 =	sld [smem:$0x3FD9]  }
0x1: {  	s3 =	sld [smem:$0x3FFE];
	_ =	sdelay $0x1  }
0x2: {  	s1 =	srdreg.scid  }
0x3: {  	s0 =	sand.u32 $0x1, s1  }
0x4: {  	s15 =	sshll.u32 s0, $0xA;
	s2 =	sadd.s32 s3, s2  }
0x5: {  	s2 =	sadd.s32 s2, s15  }
0x6: {  	[smem:$0x3FC5] =	sst s2  }
0x7: {  	_ = 	snop  }
0x8: {  	s2 =	sld [smem:$0x3FD0];
	_ =	sdelay $0x2  }
0x9: {  	s16 =	simm.s32 $0xA;
	s4 =	simm.s32 $0x10  }
0xa: {  	[smem:s4], [sflag:s16] =	dma.local [hbm:s2], $0x1  }
0xb: {  	_ =	swait.eq [sflag:s16], $0x1  }
0xc: {  	[sflag:s16] =	ssyncset.done $0x0  }
0xd: {  	[sflag:s16] =	ssyncadd.s32 $0xFFFFFFFF  }
0xe: {  	s17 =	sld [smem:$0x10];
	(tm) =	ssettm $0x1  }
0xf: {  	s18 =	sld [smem:$0x3FFB];
	_ =	sdelay $0x3  }
0x10: {  	_ =	strace s18  }
0x11: {  	s3 =	sld [smem:$0x3FFC];
	_ =	sdelay $0x3  }
0x12: {  	_ =	strace s3  }
0x13: {  	s3 =	sld [smem:$0x3FFD];
	_ =	sdelay $0x3  }
0x14: {  	_ =	strace s3  }
0x15: {  	_ =	strace $0x8FFFFFFF  }
0x16: {  	s19 =	sld [smem:$0x3FDB];
	_ =	sdelay $0x1  }
0x17: {  	s20 =	simm.s32 $_scs_section_size  }
0x18: {  	s5 =	simm.s32 $_size__tile_overlayer_lowered;
	s6 =	simm.s32 $_tile_overlayer_lowered  }
0x19: {  	s23 =	simm.s32 $0x1BFF;
	s22 =	sshll.u32 s6, $0x1;
	s3 =	sadd.s32 s20, s19  }
0x1a: {  	s7 =	simm.s32 $0x0;
	s21 =	sshll.u32 s5, $0x1;
	s5 =	sadd.s32 s22, s3  }
0x1b: {  	[timem:s7], [sflag:s23] =	dma.local [hbm:s5], s21  }
0x1c: {  	_ =	swait.ge [sflag:s23], s21  }
0x1d: {  	s4 =	ssub.s32 $0x0, s21;
	[sflag:s23] =	ssyncset.done $0x0  }
0x1e: {  	[sflag:s23] =	ssyncadd.s32 s4;
	_ =	sdelay $0x1  }
0x1f: {  	s24 =	simm.s32 $0x1B8B  }
0x20: {  	_ =	swait.ge [sflag:s24], $0x1  }
0x21: {  	[sflag:s24] =	ssyncset.done $0x0  }
0x22: {  	s26 =	simm.s32 $0x1B8E;
	s25 =	sld [smem:$0x3FFE];
	[sflag:s24] =	ssyncadd.s32 $0xFFFFFFFF  }
0x23: {  	s27 =	simm.s32 $execute0_lowered;
	[smem:$0x3FD2] =	sst s26  }
0x24: {  	s5 =	sshll.u32 s27, $0x1;
	_ =	strace $0x80000049;
	[dreg:$0x1] =	wrdreg $0xFFFFFFFF  }
0x25: {  	s28 =	simm.s32 $_size_execute0_lowered;
	s3 =	sadd.s32 s3, s5;
	[dreg:$0x0] =	wrdreg $0x0  }
0x26: {  	s5 =	sshll.u32 s28, $0x1;
	[dreg:$0x2] =	wrdreg s3  }
0x27: {  	[dreg:$0x3] =	wrdreg s5  }
0x28: {  	[dreg:$0x4] =	wrdreg $0xC0  }
0x29: {  	_ =	task [dreg:s7], $0x5FFFF  }
0x2a: {  	[dreg:$0x1] =	wrdreg $0xFFFFFFFF  }
0x2b: {  	[dreg:$0x0] =	wrdreg $0x60  }
0x2c: {  	[dreg:$0x2] =	wrdreg s25  }
0x2d: {  	[dreg:$0x3] =	wrdreg s17  }
0x2e: {  	[dreg:$0x4] =	wrdreg $0x9  }
0x2f: {  	_ =	task.clear_ibuf [dreg:s7], $0x5FFFF;
	_ =	strace $0x90000049  }
0x30: {  	s29 =	simm.s32 $0x9;
	_ =	strace $0x8000004B  }
0x31: {  	_ =	swait.ge [sflag:s29], $0x1  }
0x32: {  	[sflag:s29] =	ssyncadd.s32 $0xFFFFFFFF  }
0x33: {  	_ =	strace $0x9000004B  }
0x34: {  	_ =	sfence  }
0x35: {  	s30 =	sld [smem:$0x0];
	_ =	sdelay $0x2  }
0x36: {  	s31 =	sshll.u32 s1, $0xD;
	s1 =	sshrl.u32 s1, $0x2  }
0x37: {  	s3 =	sand.u32 $0x4000, s31;
	s1 =	sadd.s32 s1, s30  }
0x38: {  	s0 =	sor.u32 s3, s0;
	s1 =	sshll.u32 s1, $0x11  }
0x39: {  	s0 =	sor.u32 s1, s0  }
0x3a: {  	s0 =	sadd.s32 $0x8F2B, s0  }
0x3b: {  	[sflag:s0] =	ssyncadd.remote.s32 $0x1  }
0x3c: {  	_ =	sfence.sel $0xFFFF  }
0x3d: {  	[dreg:$0x0] =	wrdreg $0xFFFFFFFF;
	(pc) =	sbr.abs _section_cstart, $3  }
0x3e: {  	[dreg:$0x1] =	wrdreg $0xFFFFFFFF  }
0x3f: {  	_ =	task.clear_ibuf [dreg:s7], $0x2FFFF;
	_ =	strace $0x9FFFFFFF  }
0x40: {  	(tm) =	ssettm $0x7FFFFFFF  }
0x41: {  	_ =	shalt  }
tec
execute0_lowered:
.L_overlay_start_1:
0x0: {  	(tag) =	ssettag $0x1  }
0x1: {  	s4 =	rddreg [dreg:$0x0]  }
0x2: {  	s2 =	rddreg [dreg:$0x1];
	s1 =	stileid.u32  }
0x3: {  	s3 =	srdreg.scid;
	s0 =	rddreg [dreg:$0x2];
	_ =	strace $0x8000004A  }
0x4: {  	s10 =	simm.s32 $0x2;
	s14 =	simm.s32 $0x0;
	s16 =	simm.s32 $0x0  }
0x5: {  	s12 =	simm.s32 $0x0;
	s15 =	simm.s32 $0x0;
	s3 =	sshll.u32 s3, $0x4  }
0x6: {  	s5 =	sshll.u32 s1, $0x7;
	s4 =	sadd.s32 $0x24600, s4;
	s6 =	sand.u32 $0x10, s3  }
0x7: {  	s3 =	sand.u32 $0x180, s5;
	s5 =	simm.s32 $0x1;
	s8 =	sor.u32 s1, s6  }
0x8: {  	s31 =	ssub.s32 $0xC800, s3;
	[sflag:s5] =	ssyncpa.u1 $0x0;
	s13 =	smov.u32 s3  }
.Ltmp0:
0x9: {  	s7 =	sshll.u32 s8, $0x5;
	s9 =	sand.u32 $0x180, s31;
	(pc) =	sbr.rel .LBB1_1-.Ltmp0, $4  }
0xa: {  	s11 =	sshrl.u32 s31, $0x9;
	p0 =	sne.s32 s9, $0x0;
	s9 =	simm.s32 $0x1  }
0xb: {  	[sflag:s10] =	ssyncpa.u1 $0x0;
	s8 =	sshll.u32 s8, $0x8;
	s9 =	simm.s32 @!p0 $0x0  }
0xc: {  	s10 =	simm.s32 $0x64000;
	s6 =	sand.u32 $0x380, s7;
	s7 =	sadd.s32 s9, s11  }
0xd: {  	p0 =	por $0x0, $0x0;
	s11 =	simm.s32 $0x0;
	s9 =	sadd.s32 $0x1, s7  }
.LBB1_4:
0xe: {  	s22 =	sshrl.u32 s11, $0x3  }
0xf: {  	s23 =	sshll.u32 s12, $0x3;
	s24 =	sand.u32 $0x7F, s12;
	s22 =	smul.u32 $0x64000, s22  }
0x10: {  	v5 =	vld [tilespmem:s18+$0xFFFFFFD0];
	s21 =	sshra.s32 s21, $0x2;
	s25 =	sshra.s32 s12, $0x1F;
	s23 =	sand.u32 $0xFFFFFC00, s23  }
0x11: {  	[tilespmem:s20+$0x2040 ss:$0x81] =	vst.msk $0xffff, v4;
	v58 =	vld [tilespmem:s18+$0xFFFFFFE0];
	p1 =	sgt.s32 s12, $0xC780;
	s25 =	sand.u32 s25, s12;
	s22 =	sadd.s32 s23, s22  }
0x12: {  	[tilespmem:s20+$0x2850 ss:$0x81] =	vst.msk $0xffff, v3;
	v59 =	vld [tilespmem:s18+$0xFFFFFFF0];
	s23 =	sor.u32 s24, s22;
	s22 =	smulhi.u32 $0x51EB851F, s22;
	s24 =	smov.u32 s12  }
0x13: {  	[tilespmem:s20+$0x3060 ss:$0x81] =	vst.msk $0xffff, v2;
	v60 =	vld [tilespmem:s18+$0x0];
	s19 =	sadd.s32 s21, s19;
	s26 =	smulhi.u32 $0x51EB851F, s23;
	s24 =	simm.s32 @!p1 $0xC780  }
0x14: {  	[tilespmem:s20+$0x0 ss:$0x81] =	vst.msk $0xffff, v0;
	v61 =	vld [tilespmem:s18+$0x10];
	p1 =	sgt.s32 s11, $0x368;
	s28 =	sshrl.u32 s22, $0xE;
	s29 =	ssub.s32 s24, s25  }
0x15: {  	[tilespmem:s19+$0x3870 ss:$0x81] =	vst.msk $0xffff, v1;
	s30 =	sshrl.u32 s26, $0xE;
	s31 =	smulhi.u32 $0x418938, s28;
	s25 =	sadd.s32 $0xFFFF3880, s29  }
0x16: {  	v62 =	vld [tilespmem:s18+$0x20];
	[tilespmem:s19+$0x810 ss:$0x81] =	vst.msk $0xffff, v5;
	s22 =	smul.u32 $0xC800, s30;
	p2 =	sgt.s32 s25, $0x7F;
	s25 =	smov.u32 s11  }
0x17: {  	v63 =	vld [tilespmem:s18+$0xFFFFFFC0];
	[tilespmem:s19+$0x1020 ss:$0x81] =	vst.msk $0xffff, v58;
	s21 =	ssub.s32 $0xC800, s29;
	s25 =	simm.s32 @!p1 $0x368;
	s26 =	smul.u32 $0x3E8, s31  }
0x18: {  	[tilespmem:s19+$0x1830 ss:$0x81] =	vst.msk $0xffff, v59;
	s21 =	simm.s32 @p2 $0x0;
	s27 =	ssub.s32 $0x3E8, s25  }
0x19: {  	[tilespmem:s19+$0x2040 ss:$0x81] =	vst.msk $0xffff, v60;
	s22 =	ssub.s32 s23, s22;
	s18 =	ssub.s32 s28, s26;
	s28 =	smul.u32 s27, s21  }
0x1a: {  	[tilespmem:s19+$0x2850 ss:$0x81] =	vst.msk $0xffff, v61;
	s29 =	sshrl.u32 s22, $0x3;
	s22 =	sand.u32 $0x7, s22;
	s18 =	smul.u32 $0x1900, s18  }
0x1b: {  	[tilespmem:s19+$0x3060 ss:$0x81] =	vst.msk $0xffff, v62;
	s21 =	sadd.s32 s2, s29;
	s22 =	sshll.u32 s22, $0x12  }
0x1c: {  	[tilespmem:s19+$0x0 ss:$0x81] =	vst.msk $0xffff, v63;
	s30 =	sand.u32 $0x3FFFFFF8, s28;
	s31 =	sor.u32 $0x400, s22;
	s18 =	sadd.s32 s18, s21  }
0x1d: {  	[hbm4b:s18+s31] =	stream.strided.scatter [tilespmem:s17], [sflag:$0x2], s30, s10, s31, $0x20;
	[tilespmem:$0x10100] =	vst v63  }
.LBB1_5:
0x1e: {  	p1 =	slt.u32 s15, $0x2  }
0x1f: {  	p2 =	sgt.s32 @!p1 s16, $0xC780  }
0x20: {  	s17 =	smov.u32 s16;
	s18 =	sshra.s32 @!p1 s16, $0x1F;
	p2 =	por !p2, p1  }
0x21: {  	s16 =	sand.u32 @!p1 s18, s16;
	s17 =	simm.s32 @p2 $0xC780  }
0x22: {  	s16 =	ssub.s32 @!p1 s17, s16  }
0x23: {  	p2 =	sgt.s32 @!p1 s14, $0x368;
	s17 =	sadd.s32 @!p1 $0xFFFF3880, s16  }
0x24: {  	s18 =	sadd.s32 $0x200, s13;
	p2 =	por !p2, p1;
	p3 =	sgt.s32 @!p1 s17, $0x7F  }
0x25: {  	s14 =	simm.s32 @p2 $0x368;
	s16 =	ssub.s32 @!p1 $0xC800, s16;
	p2 =	por !p3, p1  }
0x26: {  	s14 =	ssub.s32 @!p1 $0x3E8, s14;
	s16 =	simm.s32 @!p2 $0x0;
	p2 =	sgt.s32 s18, $0xC7FF  }
0x27: {  	s14 =	smul.u32 @!p1 s14, s16;
	s18 =	smov.u32 @p2 s3;
	p2 =	sne.s32 s15, s9  }
.Ltmp1:
0x28: {  	s20 =	sadd.s32 $0x1, s15;
	p0 =	por !p0, !p0;
	(pc) =	sbr.rel @!p2 .LBB1_6-.Ltmp1, $4  }
0x29: {  	s17 =	simm.s32 @!p1 $0x2;
	s16 =	smov.u32 s12;
	s14 =	sand.u32 @!p1 $0x3FFFFFFF, s14  }
0x2a: {  	s12 =	smov.u32 s13;
	s15 =	smov.u32 s20;
	_ =	swait.ge @!p1 [sflag:s17], s14  }
0x2b: {  	s13 =	smov.u32 s18;
	s19 =	ssub.s32 @!p1 $0x0, s14;
	[sflag:s17] =	ssyncset.done @!p1 $0x0  }
0x2c: {  	s14 =	smov.u32 s11;
	s11 =	smov.u32 s6;
	[sflag:s17] =	ssyncadd.s32 @!p1 s19  }
.LBB1_1:
0x2d: {  	p1 =	sge.u32 s15, s7  }
0x2e: {  	s17 =	sshll.u32 @!p1 s13, $0xA  }
0x2f: {  	s17 =	sand.u32 @!p1 $0xFFFFE000, s17  }
0x30: {  	s17 =	sor.u32 @!p1 s8, s17  }
0x31: {  	s17 =	sshrl.u32 @!p1 s17, $0xA  }
0x32: {  	s18 =	smulhi.u32 @!p1 $0x28F5C3, s17;
	_ =	sdelay $0x1  }
0x33: {  	s18 =	sshrl.u32 @!p1 s18, $0x5  }
0x34: {  	s18 =	smul.u32 @!p1 $0xC800, s18  }
0x35: {  	s31 =	sadd.s32 $0xFFFFFFFF, s15;
	s19 =	sxor.u32 @!p1 $0xFFFFFFFF, s15;
	s20 =	sshll.u32 @!p1 s13, $0x4  }
0x36: {  	s19 =	sshll.u32 @!p1 s19, $0xE;
	s17 =	ssub.s32 @!p1 s17, s18;
	s18 =	sand.u32 @!p1 $0x70, s20  }
0x37: {  	s19 =	sand.u32 @!p1 $0x4000, s19;
	s17 =	sshll.u32 @!p1 s17, $0x7;
	s18 =	sadd.s32 @!p1 s4, s18  }
0x38: {  	s20 =	simm.s32 @!p1 $0x2000;
	s17 =	sadd.s32 @!p1 s17, s18;
	s18 =	simm.s32 @!p1 $0x400  }
0x39: {  	[tilespmem:s19], [sflag:$0x1] =	stream.strided.gather @!p1 [hbm4b:s17+s18], $0x4000, s20, s18, $0x38;
	[tilespmem:$0x10100] =	vst v63  }
0x3a: {  	p1 =	sge.u32 s31, s7  }
.Ltmp2:
0x3b: {  	_ = 	snop;
	(pc) =	sbr.rel @p1 .LBB1_5-.Ltmp2, $1  }
0x3c: {  	_ =	sdelay $0x3  }
0x3d: {  	s17 =	simm.s32 $0x1  }
0x3e: {  	_ =	swait.ge [sflag:s5], $0x4000;
	s17 =	simm.s32 @!p0 $0x0  }
0x3f: {  	[sflag:s5] =	ssyncset.done $0x0;
	s18 =	sshll.u32 s17, $0xE  }
0x40: {  	[sflag:s5] =	ssyncadd.s32 $0xFFFFC000;
	s18 =	sor.u32 $0x40, s18  }
0x41: {  	s17 =	smul.u32 $0x10200, s17;
	v0 =	vld [tilespmem:s18+$0x30]  }
0x42: {  	v1 =	vld [tilespmem:s18+$0xFFFFFFD0]  }
0x43: {  	s17 =	sshrl.u32 s17, $0x2;
	v5 =	vld [tilespmem:s18+$0xFFFFFFE0]  }
0x44: {  	v6 =	vld [tilespmem:s18+$0xFFFFFFF0];
	s19 =	sor.u32 $0x8000, s17  }
0x45: {  	s31 =	sand.u32 $0x1, s15;
	v4 =	vld [tilespmem:s18+$0x0];
	s20 =	sadd.s32 $0x0, s19  }
0x46: {  	v3 =	vld [tilespmem:s18+$0x10];
	s17 =	smul.u32 $0x10200, s31;
	[tilespmem:s20+$0x3870 ss:$0x81] =	vst.msk $0xffff, v0  }
0x47: {  	v2 =	vld [tilespmem:s18+$0x20];
	[tilespmem:s20+$0x810 ss:$0x81] =	vst.msk $0xffff, v1  }
0x48: {  	s17 =	sshrl.u32 s17, $0x2;
	v0 =	vld [tilespmem:s18+$0xFFFFFFC0];
	[tilespmem:s20+$0x1020 ss:$0x81] =	vst.msk $0xffff, v5;
	s18 =	sadd.s32 $0x80, s18  }
0x49: {  	s21 =	simm.s32 $0x4;
	s22 =	simm.s32 $0x8;
	s17 =	sor.u32 $0x8000, s17;
	[tilespmem:s20+$0x1830 ss:$0x81] =	vst.msk $0xffff, v6;
	v1 =	vld [tilespmem:s18+$0x30]  }
.LBB1_3:
0x4a: {  	p1 =	sne.s32 s22, $0x1FC;
	v5 =	vld [tilespmem:s18+$0xFFFFFFD0];
	[tilespmem:s20+$0x2040 ss:$0x81] =	vst.msk $0xffff, v4  }
0x4b: {  	v6 =	vld [tilespmem:s18+$0xFFFFFFE0];
	[tilespmem:s20+$0x2850 ss:$0x81] =	vst.msk $0xffff, v3  }
0x4c: {  	s23 =	sshra.s32 s21, $0x2;
	s21 =	smov.u32 s22;
	v7 =	vld [tilespmem:s18+$0xFFFFFFF0];
	[tilespmem:s20+$0x3060 ss:$0x81] =	vst.msk $0xffff, v2  }
.Ltmp3:
0x4d: {  	v4 =	vld [tilespmem:s18+$0x0];
	[tilespmem:s20+$0x0 ss:$0x81] =	vst.msk $0xffff, v0;
	s20 =	sadd.s32 s23, s19;
	(pc) =	sbr.rel @p1 .LBB1_3-.Ltmp3, $4  }
0x4e: {  	v3 =	vld [tilespmem:s18+$0x10];
	[tilespmem:s20+$0x3870 ss:$0x81] =	vst.msk $0xffff, v1  }
0x4f: {  	[tilespmem:s20+$0x810 ss:$0x81] =	vst.msk $0xffff, v5;
	v2 =	vld [tilespmem:s18+$0x20]  }
0x50: {  	v0 =	vld [tilespmem:s18+$0xFFFFFFC0];
	[tilespmem:s20+$0x1020 ss:$0x81] =	vst.msk $0xffff, v6;
	s18 =	sadd.s32 $0x80, s18  }
0x51: {  	s22 =	sadd.s32 $0x4, s22;
	v1 =	vld [tilespmem:s18+$0x30];
	[tilespmem:s20+$0x1830 ss:$0x81] =	vst.msk $0xffff, v7  }
.Ltmp4:
0x52: {  	_ = 	snop;
	(pc) =	sbr.rel .LBB1_4-.Ltmp4, $1  }
0x53: {  	_ =	sdelay $0x3  }
.LBB1_6:
0x54: {  	_ =	sfence.sel $0x180000  }
0x55: {  	s2 =	simm.s32 $0x1;
	[bflag:$0x0] =	sbarrier.arrive $0xFFFF  }
0x56: {  	s31 =	simm.s32 $0x2;
	[sflag:s2] =	ssyncpa.u1 $0x1  }
0x57: {  	[sflag:s31] =	ssyncpa.u1 $0x1  }
0x58: {  	p0 =	sne.s32 s1, $0x0;
	_ =	strace $0x9000004A  }
0x59: {  	s0 =	sadd.s32 @!p0 $0x100000, s0;
	[bflag:$0x2] =	sbarrier.arrive $0xFFFF  }
0x5a: {  	[sflag:s0] =	ssyncadd.tile.s32 @!p0 $0x1;
	_ =	shalt  }
.Lfunc_end1:
_tile_overlayer_lowered:
.L_overlay_start_2:
0x5b: {  	(tag) =	ssettag $0x2  }
0x5c: {  	s0 =	rddreg [dreg:$0x0];
	s2 =	stileid.u32  }
0x5d: {  	s1 =	rddreg [dreg:$0x1];
	p0 =	sne.s32 s2, $0x0  }
0x5e: {  	s3 =	rddreg [dreg:$0x2];
	[bflag:$0x3] =	sbarrier.arrive $0xFFFF;
	s2 =	simm.s32 @!p0 $0x1C01  }
0x5f: {  	[timem:s3], [sflag:s2] =	dma.local @!p0 [hbm:s0], s1  }
0x60: {  	s0 =	simm.s32 @!p0 $0x1  }
0x61: {  	_ =	swait.ge @!p0 [sflag:s0], s1  }
0x62: {  	s1 =	ssub.s32 @!p0 $0x0, s1;
	[sflag:s0] =	ssyncset.done @!p0 $0x0  }
0x63: {  	[sflag:s0] =	ssyncadd.s32 @!p0 s1  }
0x64: {  	[bflag:$0x3] =	sbarrier.arrive $0xFFFF  }
0x65: {  	_ =	shalt  }

</sc_bundles>
